<compile_context>
chip_gen: v7x
topology: tpu7x:2x2x1
jax: 0.10.2.dev20260603
libtpu: 0.0.44.dev20260713+nightly
codegen_flags: <defaults>
</compile_context>

<pallas_src>
import functools

import jax
import jax.numpy as jnp
from jax import lax
from jax.experimental import pallas as pl
from jax.experimental.pallas import tpu as pltpu
from jax.experimental.pallas import tpu_sc as plsc

N_NODES = 10000
N_EDGES = 320000
D_FEAT = 128
N_HIDDEN = 128
N_CLASSES = 64

NC = 2
NS = 16
L = 16
NW = NC * NS

N_PAD = 10240
EDGE_K = 80

_MESH = dict(core_axis_name="c", subcore_axis_name="s")


def _newton_rsqrt(d):
    i = lax.bitcast_convert_type(d, jnp.int32)
    i = jnp.int32(0x5F3759DF) - lax.shift_right_logical(i, 1)
    y = lax.bitcast_convert_type(i, jnp.float32)
    for _ in range(3):
        y = y * (1.5 - 0.5 * d * y * y)
    return y


EPT_DEG = N_EDGES // NS
NODES_PER_TILE = N_PAD // NS


@functools.partial(
    pl.kernel,
    out_type=[
        jax.ShapeDtypeStruct((N_PAD,), jnp.float32),
        jax.ShapeDtypeStruct((N_PAD,), jnp.float32),
    ],
    mesh=plsc.VectorSubcoreMesh(**_MESH),
    compiler_params=pltpu.CompilerParams(
        needs_layout_passes=False, use_tc_tiling_on_sc=False
    ),
    scratch_types=[
        pltpu.VMEM((EPT_DEG,), jnp.int32),
        pltpu.VMEM((N_PAD,), jnp.float32),
        pltpu.VMEM((NS, NODES_PER_TILE), jnp.float32),
        pltpu.VMEM_SHARED((NS, N_PAD), jnp.float32),
    ],
)
def _sc_norms(adj_hbm, nsrc_hbm, ndst_hbm, idx_v, hist_v, stripe_v, parts_sh):
    c = lax.axis_index("c")
    s = lax.axis_index("s")

    pltpu.sync_copy(adj_hbm.at[c, pl.ds(s * EPT_DEG, EPT_DEG)], idx_v)

    zeros = jnp.zeros((L,), jnp.float32)

    def _zero(j, _):
        hist_v[pl.ds(j * L, L)] = zeros
        return 0

    lax.fori_loop(0, N_PAD // L, _zero, 0)

    ones = jnp.ones((L,), jnp.float32)

    def _count(i, _):
        idx = idx_v[pl.ds(i * L, L)]
        plsc.addupdate_scatter(hist_v, [idx], ones)
        return 0

    lax.fori_loop(0, EPT_DEG // L, _count, 0)

    pltpu.sync_copy(hist_v, parts_sh.at[s])
    plsc.subcore_barrier()
    base = s * NODES_PER_TILE
    pltpu.sync_copy(parts_sh.at[:, pl.ds(base, NODES_PER_TILE)], stripe_v)

    def _reduce(j, _):
        deg = jnp.zeros((L,), jnp.float32)
        for p in range(NS):
            deg = deg + stripe_v[p, pl.ds(j * L, L)]
        norm = jnp.where(deg > 0.0, _newton_rsqrt(jnp.maximum(deg, 1.0)), 0.0)
        hist_v[pl.ds(j * L, L)] = norm
        return 0

    lax.fori_loop(0, NODES_PER_TILE // L, _reduce, 0)

    @pl.when(c == 0)
    def _():
        pltpu.sync_copy(
            hist_v.at[pl.ds(0, NODES_PER_TILE)],
            nsrc_hbm.at[pl.ds(base, NODES_PER_TILE)],
        )

    @pl.when(c == 1)
    def _():
        pltpu.sync_copy(
            hist_v.at[pl.ds(0, NODES_PER_TILE)],
            ndst_hbm.at[pl.ds(base, NODES_PER_TILE)],
        )


EPT_AGG = N_EDGES // NW


AGG_K = 128
N_FULL = EPT_AGG // AGG_K
TAIL = EPT_AGG - N_FULL * AGG_K


def _make_sc_agg(feat):
    rows_per_tile = N_PAD // NS

    @functools.partial(
        pl.kernel,
        out_type=jax.ShapeDtypeStruct((NC, N_PAD, feat), jnp.float32),
        mesh=plsc.VectorSubcoreMesh(**_MESH),
        compiler_params=pltpu.CompilerParams(use_tc_tiling_on_sc=False),
        scratch_types=[
            pltpu.VMEM((EPT_AGG,), jnp.int32),
            [pltpu.VMEM((AGG_K,), jnp.int32)] * 2,
            pltpu.VMEM((TAIL,), jnp.int32),
            [pltpu.VMEM((AGG_K, feat), jnp.float32)] * 2,
            pltpu.VMEM_SHARED((N_PAD, feat), jnp.float32),
            [pltpu.SemaphoreType.DMA] * 2,
            [pltpu.SemaphoreType.DMA] * 2,
        ],
    )
    def _sc_agg(h_hbm, adj_hbm, out_hbm, src_v, didx, didx_t, rows,
                acc_sh, gsem, dsem):
        c = lax.axis_index("c")
        s = lax.axis_index("s")
        wid = s * NC + c
        base = wid * EPT_AGG

        pltpu.sync_copy(adj_hbm.at[0, pl.ds(base, EPT_AGG)], src_v)

        zeros = jnp.zeros((L,), jnp.float32)

        def _zrow(i, _):
            for t in range(feat // L):
                rows[0][i, pl.ds(t * L, L)] = zeros
            return 0

        lax.fori_loop(0, AGG_K, _zrow, 0)
        for t in range(rows_per_tile // AGG_K):
            pltpu.sync_copy(
                rows[0], acc_sh.at[pl.ds(s * rows_per_tile + t * AGG_K, AGG_K)]
            )
        plsc.subcore_barrier()

        def _gather(ci, b):
            pltpu.async_copy(
                h_hbm.at[src_v.at[pl.ds(ci * AGG_K, AGG_K)]], rows[b], gsem[b]
            )
            pltpu.async_copy(
                adj_hbm.at[1, pl.ds(base + ci * AGG_K, AGG_K)], didx[b], dsem[b]
            )

        def _wait_g(b):
            pltpu.make_async_copy(h_hbm.at[pl.ds(0, AGG_K)], rows[b], gsem[b]).wait()
            pltpu.make_async_copy(
                adj_hbm.at[1, pl.ds(base, AGG_K)], didx[b], dsem[b]
            ).wait()

        _gather(0, 0)

        def _body(i, _):
            c0 = 2 * i
            _gather(c0 + 1, 1)
            _wait_g(0)
            pltpu.sync_copy(rows[0], acc_sh.at[didx[0]], add=True)

            @pl.when(c0 + 2 < N_FULL)
            def _():
                _gather(c0 + 2, 0)

            _wait_g(1)
            pltpu.sync_copy(rows[1], acc_sh.at[didx[1]], add=True)
            return 0

        lax.fori_loop(0, N_FULL // 2, _body, 0)

        toff = base + N_FULL * AGG_K
        pltpu.sync_copy(adj_hbm.at[1, pl.ds(toff, TAIL)], didx_t)
        pltpu.async_copy(
            h_hbm.at[src_v.at[pl.ds(N_FULL * AGG_K, TAIL)]],
            rows[0].at[pl.ds(0, TAIL)],
            gsem[0],
        )
        pltpu.make_async_copy(
            h_hbm.at[pl.ds(0, TAIL)], rows[0].at[pl.ds(0, TAIL)], gsem[0]
        ).wait()
        pltpu.sync_copy(rows[0].at[pl.ds(0, TAIL)], acc_sh.at[didx_t], add=True)

        plsc.subcore_barrier()
        sl = pl.ds(s * rows_per_tile, rows_per_tile)
        pltpu.sync_copy(acc_sh.at[sl], out_hbm.at[c, sl])

    return _sc_agg


_sc_agg_h = _make_sc_agg(N_HIDDEN)
_sc_agg_c = _make_sc_agg(N_CLASSES)


BM = 512
GRID = N_PAD // BM


def _tc_mm1_body(x_ref, w_ref, o_ref):
    o_ref[...] = jnp.dot(x_ref[...], w_ref[...], preferred_element_type=jnp.float32)


def _tc_scale_body(y_ref, ns_ref, o_ref):
    ns = ns_ref[...]
    o_ref[...] = jnp.where(ns > 0.0, y_ref[...] * ns, 0.0)


def _tc_l2_body(p_ref, nd_ref, ns_ref, b_ref, w_ref, o_ref):
    t = (p_ref[0] + p_ref[1]) * nd_ref[...] + b_ref[...]
    t = jnp.maximum(t, 0.0) * ns_ref[...]
    o_ref[...] = jnp.dot(t, w_ref[...], preferred_element_type=jnp.float32)


def _tc_out_body(q_ref, nd_ref, b_ref, o_ref):
    z = (q_ref[0] + q_ref[1]) * nd_ref[...] + b_ref[...]
    m = jnp.max(z, axis=1, keepdims=True)
    e = jnp.exp(z - m)
    o_ref[...] = z - m - jnp.log(jnp.sum(e, axis=1, keepdims=True))


def _row_spec(cols):
    return pl.BlockSpec((BM, cols), lambda i: (i, 0))


def _full_spec(rows, cols):
    return pl.BlockSpec((rows, cols), lambda i: (0, 0))


def _pair_spec(cols):
    return pl.BlockSpec((2, BM, cols), lambda i: (0, i, 0))


def kernel(features, adj_metrix, W1, b1, W2, b2):
    y = pl.pallas_call(
        _tc_mm1_body,
        grid=(GRID,),
        in_specs=[_row_spec(D_FEAT), _full_spec(D_FEAT, N_HIDDEN)],
        out_specs=_row_spec(N_HIDDEN),
        out_shape=jax.ShapeDtypeStruct((N_PAD, N_HIDDEN), jnp.float32),
    )(features, W1)

    nsrc_flat, ndst_flat = _sc_norms(adj_metrix)
    nsrc = nsrc_flat.reshape(N_PAD, 1)
    ndst = ndst_flat.reshape(N_PAD, 1)

    h0 = pl.pallas_call(
        _tc_scale_body,
        grid=(GRID,),
        in_specs=[_row_spec(N_HIDDEN), _row_spec(1)],
        out_specs=_row_spec(N_HIDDEN),
        out_shape=jax.ShapeDtypeStruct((N_PAD, N_HIDDEN), jnp.float32),
    )(y, nsrc)

    p = _sc_agg_h(h0, adj_metrix)

    h1 = pl.pallas_call(
        _tc_l2_body,
        grid=(GRID,),
        in_specs=[
            _pair_spec(N_HIDDEN),
            _row_spec(1),
            _row_spec(1),
            _full_spec(1, N_HIDDEN),
            _full_spec(N_HIDDEN, N_CLASSES),
        ],
        out_specs=_row_spec(N_CLASSES),
        out_shape=jax.ShapeDtypeStruct((N_PAD, N_CLASSES), jnp.float32),
    )(p, ndst, nsrc, b1.reshape(1, N_HIDDEN), W2)

    q = _sc_agg_c(h1, adj_metrix)

    out = pl.pallas_call(
        _tc_out_body,
        grid=(GRID,),
        in_specs=[
            _pair_spec(N_CLASSES),
            _row_spec(1),
            _full_spec(1, N_CLASSES),
        ],
        out_specs=_row_spec(N_CLASSES),
        out_shape=jax.ShapeDtypeStruct((N_NODES, N_CLASSES), jnp.float32),
    )(q, ndst, b2.reshape(1, N_CLASSES))

    return out

# --- scband reference (transcript-rebuilt; emitter-appended) ---
"""Pipeline reference for scband-gcn-16544214024769 (READ-ONLY COPY).

The authoritative reference and input builder live on the scoring server;
editing this copy changes nothing except your own understanding.
"""

import jax, jax.numpy as jnp
import numpy as np

N_NODES = 10000
N_EDGES = 320000
D_FEAT = 128
N_HIDDEN = 128
N_CLASSES = 64


def _graph_conv(x, src, dst, W, b, activation=None):
    # DGL-style GraphConv with norm='both':
    # h = D_in^{-1/2} * A^T * (D_out^{-1/2} * x) * W + b
    deg_out = jnp.zeros((N_NODES,), jnp.float32).at[src].add(1.0)
    deg_in = jnp.zeros((N_NODES,), jnp.float32).at[dst].add(1.0)
    norm_src = jnp.where(deg_out > 0, deg_out, 1.0) ** -0.5
    norm_src = jnp.where(deg_out > 0, norm_src, 0.0)
    norm_dst = jnp.where(deg_in > 0, deg_in, 1.0) ** -0.5
    norm_dst = jnp.where(deg_in > 0, norm_dst, 0.0)
    h = x * norm_src[:, None]
    h = h @ W
    agg = jnp.zeros((N_NODES, h.shape[1]), jnp.float32).at[dst].add(h[src])
    out = agg * norm_dst[:, None] + b
    if activation is not None:
        out = activation(out)
    return out


def setup_inputs(seed: int = 0) -> dict:
    key = jax.random.key(seed)
    k1, k2, k3, k4, k5, k6 = jax.random.split(key, 6)
    features = jax.random.normal(k1, (N_NODES, D_FEAT), dtype=jnp.float32)
    adj_metrix = jax.random.randint(k2, (2, N_EDGES), 0, N_NODES, dtype=jnp.int32)
    # learned parameters (glorot-ish init)
    s1 = (6.0 / (D_FEAT + N_HIDDEN)) ** 0.5
    s2 = (6.0 / (N_HIDDEN + N_CLASSES)) ** 0.5
    W1 = jax.random.uniform(k3, (D_FEAT, N_HIDDEN), jnp.float32, -s1, s1)
    b1 = jnp.zeros((N_HIDDEN,), jnp.float32)
    W2 = jax.random.uniform(k4, (N_HIDDEN, N_CLASSES), jnp.float32, -s2, s2)
    b2 = jnp.zeros((N_CLASSES,), jnp.float32)
    return {"features": features, "adj_metrix": adj_metrix, "W1": W1, "b1": b1, "W2": W2, "b2": b2}


def reference(features, adj_metrix, W1, b1, W2, b2):
    src = adj_metrix[0]
    dst = adj_metrix[1]
    # layer 0: GraphConv(in_feats, n_hidden, activation=relu)
    h = _graph_conv(features, src, dst, W1, b1, jax.nn.relu)
    # dropout (eval mode -> identity)
    # layer 1: GraphConv(n_hidden, n_classes)
    h = _graph_conv(h, src, dst, W2, b2, None)
    return jax.nn.log_softmax(h, axis=1)

if __name__ == "__main__":
    import jax
    _d = setup_inputs()
    print(jax.jit(kernel)(*tuple(_d.values())))

</pallas_src>

<mosaic_0001>
#map = affine_map<(d0, d1) -> (0, 0)>
#map1 = affine_map<(d0, d1) -> (0, 0, 0)>
module attributes {stable_mosaic.version = 14 : i64} {
  func.func @_sc_agg(%arg0: i32, %arg1: i32, %arg2: memref<10240x64xf32, #tpu.memory_space<hbm>>, %arg3: memref<2x320000xi32, #tpu.memory_space<hbm>>, %arg4: memref<2x10240x64xf32, #tpu.memory_space<hbm>>, %arg5: memref<10000xi32, #tpu.memory_space<vmem>>, %arg6: memref<128xi32, #tpu.memory_space<vmem>>, %arg7: memref<128xi32, #tpu.memory_space<vmem>>, %arg8: memref<16xi32, #tpu.memory_space<vmem>>, %arg9: memref<128x64xf32, #tpu.memory_space<vmem>>, %arg10: memref<128x64xf32, #tpu.memory_space<vmem>>, %arg11: memref<10240x64xf32, #tpu.memory_space<vmem_shared>>, %arg12: memref<!tpu.dma_semaphore, #tpu.memory_space<semaphore_mem>>, %arg13: memref<!tpu.dma_semaphore, #tpu.memory_space<semaphore_mem>>, %arg14: memref<!tpu.dma_semaphore, #tpu.memory_space<semaphore_mem>>, %arg15: memref<!tpu.dma_semaphore, #tpu.memory_space<semaphore_mem>>) attributes {dimension_semantics = [#tpu.dimension_semantics<core_parallel>, #tpu.dimension_semantics<subcore_parallel>], iteration_bounds = array<i64: 2, 16>, scalar_prefetch = 0 : i64, scratch_operands = 11 : i64, tpu.core_type = #tpu.core_type<sc_vector_subcore>, window_params = [{transform_indices = #map}, {transform_indices = #map}, {transform_indices = #map1}]} {
    %mul3A = arith.constant 2 : i32
    %mul3A_0 = arith.muli %arg1, %mul3A : i32
    %add3A = arith.addi %mul3A_0, %arg0 : i32
    %mul3A_1 = arith.constant 10000 : i32
    %mul3A_2 = arith.muli %add3A, %mul3A_1 : i32
    %run_scoped3A = arith.constant 0 : i32
    "tpu.region"() ({
      %run_scoped3A_73 = tpu.sem_alloc : memref<!tpu.dma_semaphore, #tpu.memory_space<semaphore_mem>>
      %dma_start3A_74 = tpu.memref_slice %arg3[%run_scoped3A, %mul3A_2] : memref<2x320000xi32, #tpu.memory_space<hbm>> -> memref<1x10000xi32, #tpu.memory_space<hbm>>
      %dma_start3A_75 = tpu.memref_squeeze %dma_start3A_74 : memref<1x10000xi32, #tpu.memory_space<hbm>> -> memref<10000xi32, #tpu.memory_space<hbm>>
      %dma_start3A_76 = tpu.memref_slice %arg3[%run_scoped3A, %mul3A_2] : memref<2x320000xi32, #tpu.memory_space<hbm>> -> memref<1x10000xi32, #tpu.memory_space<hbm>>
      %dma_start3A_77 = tpu.memref_squeeze %dma_start3A_76 : memref<1x10000xi32, #tpu.memory_space<hbm>> -> memref<10000xi32, #tpu.memory_space<hbm>>
      tpu.enqueue_dma source(%dma_start3A_77 : memref<10000xi32, #tpu.memory_space<hbm>>) target(%arg5 : memref<10000xi32, #tpu.memory_space<vmem>>) target_semaphore(%run_scoped3A_73 : memref<!tpu.dma_semaphore, #tpu.memory_space<semaphore_mem>>)
      %dma_wait3A_78 = tpu.memref_slice %arg3[%run_scoped3A, %mul3A_2] : memref<2x320000xi32, #tpu.memory_space<hbm>> -> memref<1x10000xi32, #tpu.memory_space<hbm>>
      %dma_wait3A_79 = tpu.memref_squeeze %dma_wait3A_78 : memref<1x10000xi32, #tpu.memory_space<hbm>> -> memref<10000xi32, #tpu.memory_space<hbm>>
      %dma_wait3A_80 = tpu.memref_slice %arg3[%run_scoped3A, %mul3A_2] : memref<2x320000xi32, #tpu.memory_space<hbm>> -> memref<1x10000xi32, #tpu.memory_space<hbm>>
      %dma_wait3A_81 = tpu.memref_squeeze %dma_wait3A_80 : memref<1x10000xi32, #tpu.memory_space<hbm>> -> memref<10000xi32, #tpu.memory_space<hbm>>
      tpu.wait_dma2 semaphore(%run_scoped3A_73 : memref<!tpu.dma_semaphore, #tpu.memory_space<semaphore_mem>>) src(%dma_wait3A_81 : memref<10000xi32, #tpu.memory_space<hbm>>) dst(%arg5 : memref<10000xi32, #tpu.memory_space<vmem>>)
      tpu.yield
    }) : () -> ()
    %broadcast_in_dim3A = arith.constant 0.000000e+00 : f32
    %broadcast_in_dim3A_3 = vector.broadcast %broadcast_in_dim3A : f32 to vector<16xf32>
    %scan3A = arith.constant 0 : i32
    %scan3A_4 = arith.constant 0 : i32
    %scan3A_5 = arith.constant 128 : i32
    %scan3A_6 = arith.addi %scan3A_4, %scan3A_5 : i32
    %scan3A_7 = arith.constant 1 : i32
    %scan3A_8 = scf.for %scan3A_73 = %scan3A_4 to %scan3A_6 step %scan3A_7 iter_args(%scan3A_74 = %scan3A) -> (i32)  : i32 {
      %swap3A = arith.index_cast %scan3A_73 : i32 to index
      %swap3A_75 = arith.constant 0 : index
      %swap3A_76 = tpu.vector_load %arg9[%swap3A, %swap3A_75] {strides = array<i32>} : memref<128x64xf32, #tpu.memory_space<vmem>>, vector<1x16xf32>,
      %swap3A_77 = vector.shape_cast %swap3A_76 : vector<1x16xf32> to vector<16xf32>
      %swap3A_78 = vector.shape_cast %broadcast_in_dim3A_3 : vector<16xf32> to vector<1x16xf32>
      tpu.vector_store %arg9[%swap3A, %swap3A_75], %swap3A_78 {strides = array<i32>} : memref<128x64xf32, #tpu.memory_space<vmem>>, vector<1x16xf32>,
      %swap3A_79 = arith.index_cast %scan3A_73 : i32 to index
      %swap3A_80 = arith.constant 16 : index
      %swap3A_81 = tpu.vector_load %arg9[%swap3A_79, %swap3A_80] {strides = array<i32>} : memref<128x64xf32, #tpu.memory_space<vmem>>, vector<1x16xf32>,
      %swap3A_82 = vector.shape_cast %swap3A_81 : vector<1x16xf32> to vector<16xf32>
      %swap3A_83 = vector.shape_cast %broadcast_in_dim3A_3 : vector<16xf32> to vector<1x16xf32>
      tpu.vector_store %arg9[%swap3A_79, %swap3A_80], %swap3A_83 {strides = array<i32>} : memref<128x64xf32, #tpu.memory_space<vmem>>, vector<1x16xf32>,
      %swap3A_84 = arith.index_cast %scan3A_73 : i32 to index
      %swap3A_85 = arith.constant 32 : index
      %swap3A_86 = tpu.vector_load %arg9[%swap3A_84, %swap3A_85] {strides = array<i32>} : memref<128x64xf32, #tpu.memory_space<vmem>>, vector<1x16xf32>,
      %swap3A_87 = vector.shape_cast %swap3A_86 : vector<1x16xf32> to vector<16xf32>
      %swap3A_88 = vector.shape_cast %broadcast_in_dim3A_3 : vector<16xf32> to vector<1x16xf32>
      tpu.vector_store %arg9[%swap3A_84, %swap3A_85], %swap3A_88 {strides = array<i32>} : memref<128x64xf32, #tpu.memory_space<vmem>>, vector<1x16xf32>,
      %swap3A_89 = arith.index_cast %scan3A_73 : i32 to index
      %swap3A_90 = arith.constant 48 : index
      %swap3A_91 = tpu.vector_load %arg9[%swap3A_89, %swap3A_90] {strides = array<i32>} : memref<128x64xf32, #tpu.memory_space<vmem>>, vector<1x16xf32>,
      %swap3A_92 = vector.shape_cast %swap3A_91 : vector<1x16xf32> to vector<16xf32>
      %swap3A_93 = vector.shape_cast %broadcast_in_dim3A_3 : vector<16xf32> to vector<1x16xf32>
      tpu.vector_store %arg9[%swap3A_89, %swap3A_90], %swap3A_93 {strides = array<i32>} : memref<128x64xf32, #tpu.memory_space<vmem>>, vector<1x16xf32>,
      %scan3A_94 = arith.constant 0 : i32
      scf.yield %scan3A_94 : i32
    }
    %scan3A_9 = arith.constant 128 : i32
    %mul3A_10 = arith.constant 640 : i32
    %mul3A_11 = arith.muli %arg1, %mul3A_10 : i32
    %add3A_12 = arith.constant 0 : i32
    %add3A_13 = arith.addi %mul3A_11, %add3A_12 : i32
    "tpu.region"() ({
      %run_scoped3A_73 = tpu.sem_alloc : memref<!tpu.dma_semaphore, #tpu.memory_space<semaphore_mem>>
      %dma_start3A_74 = arith.constant 0 : i32
      %dma_start3A_75 = tpu.memref_slice %arg11[%add3A_13, %dma_start3A_74] : memref<10240x64xf32, #tpu.memory_space<vmem_shared>> -> memref<128x64xf32, #tpu.memory_space<vmem_shared>>
      %dma_start3A_76 = arith.constant 0 : i32
      %dma_start3A_77 = tpu.memref_slice %arg11[%add3A_13, %dma_start3A_76] : memref<10240x64xf32, #tpu.memory_space<vmem_shared>> -> memref<128x64xf32, #tpu.memory_space<vmem_shared>>
      tpu.enqueue_dma source(%arg9 : memref<128x64xf32, #tpu.memory_space<vmem>>) target(%dma_start3A_77 : memref<128x64xf32, #tpu.memory_space<vmem_shared>>) target_semaphore(%run_scoped3A_73 : memref<!tpu.dma_semaphore, #tpu.memory_space<semaphore_mem>>)
      %dma_wait3A_78 = arith.constant 0 : i32
      %dma_wait3A_79 = tpu.memref_slice %arg11[%add3A_13, %dma_wait3A_78] : memref<10240x64xf32, #tpu.memory_space<vmem_shared>> -> memref<128x64xf32, #tpu.memory_space<vmem_shared>>
      %dma_wait3A_80 = arith.constant 0 : i32
      %dma_wait3A_81 = tpu.memref_slice %arg11[%add3A_13, %dma_wait3A_80] : memref<10240x64xf32, #tpu.memory_space<vmem_shared>> -> memref<128x64xf32, #tpu.memory_space<vmem_shared>>
      tpu.wait_dma2 semaphore(%run_scoped3A_73 : memref<!tpu.dma_semaphore, #tpu.memory_space<semaphore_mem>>) src(%arg9 : memref<128x64xf32, #tpu.memory_space<vmem>>) dst(%dma_wait3A_81 : memref<128x64xf32, #tpu.memory_space<vmem_shared>>)
      tpu.yield
    }) : () -> ()
    %mul3A_14 = arith.constant 640 : i32
    %mul3A_15 = arith.muli %arg1, %mul3A_14 : i32
    %add3A_16 = arith.constant 128 : i32
    %add3A_17 = arith.addi %mul3A_15, %add3A_16 : i32
    "tpu.region"() ({
      %run_scoped3A_73 = tpu.sem_alloc : memref<!tpu.dma_semaphore, #tpu.memory_space<semaphore_mem>>
      %dma_start3A_74 = arith.constant 0 : i32
      %dma_start3A_75 = tpu.memref_slice %arg11[%add3A_17, %dma_start3A_74] : memref<10240x64xf32, #tpu.memory_space<vmem_shared>> -> memref<128x64xf32, #tpu.memory_space<vmem_shared>>
      %dma_start3A_76 = arith.constant 0 : i32
      %dma_start3A_77 = tpu.memref_slice %arg11[%add3A_17, %dma_start3A_76] : memref<10240x64xf32, #tpu.memory_space<vmem_shared>> -> memref<128x64xf32, #tpu.memory_space<vmem_shared>>
      tpu.enqueue_dma source(%arg9 : memref<128x64xf32, #tpu.memory_space<vmem>>) target(%dma_start3A_77 : memref<128x64xf32, #tpu.memory_space<vmem_shared>>) target_semaphore(%run_scoped3A_73 : memref<!tpu.dma_semaphore, #tpu.memory_space<semaphore_mem>>)
      %dma_wait3A_78 = arith.constant 0 : i32
      %dma_wait3A_79 = tpu.memref_slice %arg11[%add3A_17, %dma_wait3A_78] : memref<10240x64xf32, #tpu.memory_space<vmem_shared>> -> memref<128x64xf32, #tpu.memory_space<vmem_shared>>
      %dma_wait3A_80 = arith.constant 0 : i32
      %dma_wait3A_81 = tpu.memref_slice %arg11[%add3A_17, %dma_wait3A_80] : memref<10240x64xf32, #tpu.memory_space<vmem_shared>> -> memref<128x64xf32, #tpu.memory_space<vmem_shared>>
      tpu.wait_dma2 semaphore(%run_scoped3A_73 : memref<!tpu.dma_semaphore, #tpu.memory_space<semaphore_mem>>) src(%arg9 : memref<128x64xf32, #tpu.memory_space<vmem>>) dst(%dma_wait3A_81 : memref<128x64xf32, #tpu.memory_space<vmem_shared>>)
      tpu.yield
    }) : () -> ()
    %mul3A_18 = arith.constant 640 : i32
    %mul3A_19 = arith.muli %arg1, %mul3A_18 : i32
    %add3A_20 = arith.constant 256 : i32
    %add3A_21 = arith.addi %mul3A_19, %add3A_20 : i32
    "tpu.region"() ({
      %run_scoped3A_73 = tpu.sem_alloc : memref<!tpu.dma_semaphore, #tpu.memory_space<semaphore_mem>>
      %dma_start3A_74 = arith.constant 0 : i32
      %dma_start3A_75 = tpu.memref_slice %arg11[%add3A_21, %dma_start3A_74] : memref<10240x64xf32, #tpu.memory_space<vmem_shared>> -> memref<128x64xf32, #tpu.memory_space<vmem_shared>>
      %dma_start3A_76 = arith.constant 0 : i32
      %dma_start3A_77 = tpu.memref_slice %arg11[%add3A_21, %dma_start3A_76] : memref<10240x64xf32, #tpu.memory_space<vmem_shared>> -> memref<128x64xf32, #tpu.memory_space<vmem_shared>>
      tpu.enqueue_dma source(%arg9 : memref<128x64xf32, #tpu.memory_space<vmem>>) target(%dma_start3A_77 : memref<128x64xf32, #tpu.memory_space<vmem_shared>>) target_semaphore(%run_scoped3A_73 : memref<!tpu.dma_semaphore, #tpu.memory_space<semaphore_mem>>)
      %dma_wait3A_78 = arith.constant 0 : i32
      %dma_wait3A_79 = tpu.memref_slice %arg11[%add3A_21, %dma_wait3A_78] : memref<10240x64xf32, #tpu.memory_space<vmem_shared>> -> memref<128x64xf32, #tpu.memory_space<vmem_shared>>
      %dma_wait3A_80 = arith.constant 0 : i32
      %dma_wait3A_81 = tpu.memref_slice %arg11[%add3A_21, %dma_wait3A_80] : memref<10240x64xf32, #tpu.memory_space<vmem_shared>> -> memref<128x64xf32, #tpu.memory_space<vmem_shared>>
      tpu.wait_dma2 semaphore(%run_scoped3A_73 : memref<!tpu.dma_semaphore, #tpu.memory_space<semaphore_mem>>) src(%arg9 : memref<128x64xf32, #tpu.memory_space<vmem>>) dst(%dma_wait3A_81 : memref<128x64xf32, #tpu.memory_space<vmem_shared>>)
      tpu.yield
    }) : () -> ()
    %mul3A_22 = arith.constant 640 : i32
    %mul3A_23 = arith.muli %arg1, %mul3A_22 : i32
    %add3A_24 = arith.constant 384 : i32
    %add3A_25 = arith.addi %mul3A_23, %add3A_24 : i32
    "tpu.region"() ({
      %run_scoped3A_73 = tpu.sem_alloc : memref<!tpu.dma_semaphore, #tpu.memory_space<semaphore_mem>>
      %dma_start3A_74 = arith.constant 0 : i32
      %dma_start3A_75 = tpu.memref_slice %arg11[%add3A_25, %dma_start3A_74] : memref<10240x64xf32, #tpu.memory_space<vmem_shared>> -> memref<128x64xf32, #tpu.memory_space<vmem_shared>>
      %dma_start3A_76 = arith.constant 0 : i32
      %dma_start3A_77 = tpu.memref_slice %arg11[%add3A_25, %dma_start3A_76] : memref<10240x64xf32, #tpu.memory_space<vmem_shared>> -> memref<128x64xf32, #tpu.memory_space<vmem_shared>>
      tpu.enqueue_dma source(%arg9 : memref<128x64xf32, #tpu.memory_space<vmem>>) target(%dma_start3A_77 : memref<128x64xf32, #tpu.memory_space<vmem_shared>>) target_semaphore(%run_scoped3A_73 : memref<!tpu.dma_semaphore, #tpu.memory_space<semaphore_mem>>)
      %dma_wait3A_78 = arith.constant 0 : i32
      %dma_wait3A_79 = tpu.memref_slice %arg11[%add3A_25, %dma_wait3A_78] : memref<10240x64xf32, #tpu.memory_space<vmem_shared>> -> memref<128x64xf32, #tpu.memory_space<vmem_shared>>
      %dma_wait3A_80 = arith.constant 0 : i32
      %dma_wait3A_81 = tpu.memref_slice %arg11[%add3A_25, %dma_wait3A_80] : memref<10240x64xf32, #tpu.memory_space<vmem_shared>> -> memref<128x64xf32, #tpu.memory_space<vmem_shared>>
      tpu.wait_dma2 semaphore(%run_scoped3A_73 : memref<!tpu.dma_semaphore, #tpu.memory_space<semaphore_mem>>) src(%arg9 : memref<128x64xf32, #tpu.memory_space<vmem>>) dst(%dma_wait3A_81 : memref<128x64xf32, #tpu.memory_space<vmem_shared>>)
      tpu.yield
    }) : () -> ()
    %mul3A_26 = arith.constant 640 : i32
    %mul3A_27 = arith.muli %arg1, %mul3A_26 : i32
    %add3A_28 = arith.constant 512 : i32
    %add3A_29 = arith.addi %mul3A_27, %add3A_28 : i32
    "tpu.region"() ({
      %run_scoped3A_73 = tpu.sem_alloc : memref<!tpu.dma_semaphore, #tpu.memory_space<semaphore_mem>>
      %dma_start3A_74 = arith.constant 0 : i32
      %dma_start3A_75 = tpu.memref_slice %arg11[%add3A_29, %dma_start3A_74] : memref<10240x64xf32, #tpu.memory_space<vmem_shared>> -> memref<128x64xf32, #tpu.memory_space<vmem_shared>>
      %dma_start3A_76 = arith.constant 0 : i32
      %dma_start3A_77 = tpu.memref_slice %arg11[%add3A_29, %dma_start3A_76] : memref<10240x64xf32, #tpu.memory_space<vmem_shared>> -> memref<128x64xf32, #tpu.memory_space<vmem_shared>>
      tpu.enqueue_dma source(%arg9 : memref<128x64xf32, #tpu.memory_space<vmem>>) target(%dma_start3A_77 : memref<128x64xf32, #tpu.memory_space<vmem_shared>>) target_semaphore(%run_scoped3A_73 : memref<!tpu.dma_semaphore, #tpu.memory_space<semaphore_mem>>)
      %dma_wait3A_78 = arith.constant 0 : i32
      %dma_wait3A_79 = tpu.memref_slice %arg11[%add3A_29, %dma_wait3A_78] : memref<10240x64xf32, #tpu.memory_space<vmem_shared>> -> memref<128x64xf32, #tpu.memory_space<vmem_shared>>
      %dma_wait3A_80 = arith.constant 0 : i32
      %dma_wait3A_81 = tpu.memref_slice %arg11[%add3A_29, %dma_wait3A_80] : memref<10240x64xf32, #tpu.memory_space<vmem_shared>> -> memref<128x64xf32, #tpu.memory_space<vmem_shared>>
      tpu.wait_dma2 semaphore(%run_scoped3A_73 : memref<!tpu.dma_semaphore, #tpu.memory_space<semaphore_mem>>) src(%arg9 : memref<128x64xf32, #tpu.memory_space<vmem>>) dst(%dma_wait3A_81 : memref<128x64xf32, #tpu.memory_space<vmem_shared>>)
      tpu.yield
    }) : () -> ()
    %barrier3A = arith.constant 0 : index
    tpu.barrier barrier_id(%barrier3A)
    %dma_start3A = arith.constant 0 : i32
    %dma_start3A_30 = tpu.memref_slice %arg5[%dma_start3A] : memref<10000xi32, #tpu.memory_space<vmem>> -> memref<128xi32, #tpu.memory_space<vmem>>
    %dma_start3A_31 = arith.constant 0 : i32
    %dma_start3A_32 = arith.constant 0 : i32
    %dma_start3A_33 = tpu.memref_slice %arg2[%dma_start3A_31, %dma_start3A_32] : memref<10240x64xf32, #tpu.memory_space<hbm>> -> memref<10240x64xf32, #tpu.memory_space<hbm>>
    tpu.enqueue_indirect_dma source(%dma_start3A_33 : memref<10240x64xf32, #tpu.memory_space<hbm>>) target(%arg9 : memref<128x64xf32, #tpu.memory_space<vmem>>) offsets(%dma_start3A_30 : memref<128xi32, #tpu.memory_space<vmem>>) semaphore(%arg12 : memref<!tpu.dma_semaphore, #tpu.memory_space<semaphore_mem>>)
    %add3A_34 = arith.constant 0 : i32
    %add3A_35 = arith.addi %mul3A_2, %add3A_34 : i32
    %dma_start3A_36 = arith.constant 1 : i32
    %dma_start3A_37 = tpu.memref_slice %arg3[%dma_start3A_36, %add3A_35] : memref<2x320000xi32, #tpu.memory_space<hbm>> -> memref<1x128xi32, #tpu.memory_space<hbm>>
    %dma_start3A_38 = tpu.memref_squeeze %dma_start3A_37 : memref<1x128xi32, #tpu.memory_space<hbm>> -> memref<128xi32, #tpu.memory_space<hbm>>
    %dma_start3A_39 = tpu.memref_slice %arg3[%dma_start3A_36, %add3A_35] : memref<2x320000xi32, #tpu.memory_space<hbm>> -> memref<1x128xi32, #tpu.memory_space<hbm>>
    %dma_start3A_40 = tpu.memref_squeeze %dma_start3A_39 : memref<1x128xi32, #tpu.memory_space<hbm>> -> memref<128xi32, #tpu.memory_space<hbm>>
    tpu.enqueue_dma source(%dma_start3A_40 : memref<128xi32, #tpu.memory_space<hbm>>) target(%arg6 : memref<128xi32, #tpu.memory_space<vmem>>) target_semaphore(%arg14 : memref<!tpu.dma_semaphore, #tpu.memory_space<semaphore_mem>>)
    %scan3A_41 = arith.constant 0 : i32
    %scan3A_42 = arith.constant 0 : i32
    %scan3A_43 = arith.constant 39 : i32
    %scan3A_44 = arith.addi %scan3A_42, %scan3A_43 : i32
    %scan3A_45 = arith.constant 1 : i32
    %scan3A_46 = scf.for %scan3A_73 = %scan3A_42 to %scan3A_44 step %scan3A_45 iter_args(%scan3A_74 = %scan3A_41) -> (i32)  : i32 {
      %mul3A_75 = arith.constant 2 : i32
      %mul3A_76 = arith.muli %mul3A_75, %scan3A_73 : i32
      %add3A_77 = arith.constant 1 : i32
      %add3A_78 = arith.addi %mul3A_76, %add3A_77 : i32
      %mul3A_79 = arith.constant 128 : i32
      %mul3A_80 = arith.muli %add3A_78, %mul3A_79 : i32
      %dma_start3A_81 = tpu.memref_slice %arg5[%mul3A_80] : memref<10000xi32, #tpu.memory_space<vmem>> -> memref<128xi32, #tpu.memory_space<vmem>>
      %dma_start3A_82 = arith.constant 0 : i32
      %dma_start3A_83 = arith.constant 0 : i32
      %dma_start3A_84 = tpu.memref_slice %arg2[%dma_start3A_82, %dma_start3A_83] : memref<10240x64xf32, #tpu.memory_space<hbm>> -> memref<10240x64xf32, #tpu.memory_space<hbm>>
      tpu.enqueue_indirect_dma source(%dma_start3A_84 : memref<10240x64xf32, #tpu.memory_space<hbm>>) target(%arg10 : memref<128x64xf32, #tpu.memory_space<vmem>>) offsets(%dma_start3A_81 : memref<128xi32, #tpu.memory_space<vmem>>) semaphore(%arg13 : memref<!tpu.dma_semaphore, #tpu.memory_space<semaphore_mem>>)
      %mul3A_85 = arith.constant 128 : i32
      %mul3A_86 = arith.muli %add3A_78, %mul3A_85 : i32
      %add3A_87 = arith.addi %mul3A_2, %mul3A_86 : i32
      %dma_start3A_88 = arith.constant 1 : i32
      %dma_start3A_89 = tpu.memref_slice %arg3[%dma_start3A_88, %add3A_87] : memref<2x320000xi32, #tpu.memory_space<hbm>> -> memref<1x128xi32, #tpu.memory_space<hbm>>
      %dma_start3A_90 = tpu.memref_squeeze %dma_start3A_89 : memref<1x128xi32, #tpu.memory_space<hbm>> -> memref<128xi32, #tpu.memory_space<hbm>>
      %dma_start3A_91 = tpu.memref_slice %arg3[%dma_start3A_88, %add3A_87] : memref<2x320000xi32, #tpu.memory_space<hbm>> -> memref<1x128xi32, #tpu.memory_space<hbm>>
      %dma_start3A_92 = tpu.memref_squeeze %dma_start3A_91 : memref<1x128xi32, #tpu.memory_space<hbm>> -> memref<128xi32, #tpu.memory_space<hbm>>
      tpu.enqueue_dma source(%dma_start3A_92 : memref<128xi32, #tpu.memory_space<hbm>>) target(%arg7 : memref<128xi32, #tpu.memory_space<vmem>>) target_semaphore(%arg15 : memref<!tpu.dma_semaphore, #tpu.memory_space<semaphore_mem>>)
      %dma_wait3A_93 = arith.constant 0 : i32
      %dma_wait3A_94 = arith.constant 0 : i32
      %dma_wait3A_95 = tpu.memref_slice %arg2[%dma_wait3A_93, %dma_wait3A_94] : memref<10240x64xf32, #tpu.memory_space<hbm>> -> memref<128x64xf32, #tpu.memory_space<hbm>>
      %dma_wait3A_96 = arith.constant 0 : i32
      %dma_wait3A_97 = arith.constant 0 : i32
      %dma_wait3A_98 = tpu.memref_slice %arg2[%dma_wait3A_96, %dma_wait3A_97] : memref<10240x64xf32, #tpu.memory_space<hbm>> -> memref<128x64xf32, #tpu.memory_space<hbm>>
      tpu.wait_dma2 semaphore(%arg12 : memref<!tpu.dma_semaphore, #tpu.memory_space<semaphore_mem>>) src(%dma_wait3A_98 : memref<128x64xf32, #tpu.memory_space<hbm>>) dst(%arg9 : memref<128x64xf32, #tpu.memory_space<vmem>>)
      %dma_wait3A_99 = arith.constant 1 : i32
      %dma_wait3A_100 = tpu.memref_slice %arg3[%dma_wait3A_99, %mul3A_2] : memref<2x320000xi32, #tpu.memory_space<hbm>> -> memref<1x128xi32, #tpu.memory_space<hbm>>
      %dma_wait3A_101 = tpu.memref_squeeze %dma_wait3A_100 : memref<1x128xi32, #tpu.memory_space<hbm>> -> memref<128xi32, #tpu.memory_space<hbm>>
      %dma_wait3A_102 = tpu.memref_slice %arg3[%dma_wait3A_99, %mul3A_2] : memref<2x320000xi32, #tpu.memory_space<hbm>> -> memref<1x128xi32, #tpu.memory_space<hbm>>
      %dma_wait3A_103 = tpu.memref_squeeze %dma_wait3A_102 : memref<1x128xi32, #tpu.memory_space<hbm>> -> memref<128xi32, #tpu.memory_space<hbm>>
      tpu.wait_dma2 semaphore(%arg14 : memref<!tpu.dma_semaphore, #tpu.memory_space<semaphore_mem>>) src(%dma_wait3A_103 : memref<128xi32, #tpu.memory_space<hbm>>) dst(%arg6 : memref<128xi32, #tpu.memory_space<vmem>>)
      "tpu.region"() ({
        %run_scoped3A_120 = tpu.sem_alloc : memref<!tpu.dma_semaphore, #tpu.memory_space<semaphore_mem>>
        %dma_start3A_121 = arith.constant 0 : i32
        %dma_start3A_122 = arith.constant 0 : i32
        %dma_start3A_123 = tpu.memref_slice %arg11[%dma_start3A_121, %dma_start3A_122] : memref<10240x64xf32, #tpu.memory_space<vmem_shared>> -> memref<10240x64xf32, #tpu.memory_space<vmem_shared>>
        tpu.enqueue_indirect_dma source(%arg9 : memref<128x64xf32, #tpu.memory_space<vmem>>) target(%dma_start3A_123 : memref<10240x64xf32, #tpu.memory_space<vmem_shared>>) offsets(%arg6 : memref<128xi32, #tpu.memory_space<vmem>>) semaphore(%run_scoped3A_120 : memref<!tpu.dma_semaphore, #tpu.memory_space<semaphore_mem>>) {add = true}
        %dma_wait3A_124 = arith.constant 0 : i32
        %dma_wait3A_125 = arith.constant 0 : i32
        %dma_wait3A_126 = tpu.memref_slice %arg11[%dma_wait3A_124, %dma_wait3A_125] : memref<10240x64xf32, #tpu.memory_space<vmem_shared>> -> memref<10240x64xf32, #tpu.memory_space<vmem_shared>>
        tpu.wait_indirect_dma semaphore(%run_scoped3A_120 : memref<!tpu.dma_semaphore, #tpu.memory_space<semaphore_mem>>) src(%arg9 : memref<128x64xf32, #tpu.memory_space<vmem>>) dst(%dma_wait3A_126 : memref<10240x64xf32, #tpu.memory_space<vmem_shared>>)
        tpu.yield
      }) : () -> ()
      %add3A_104 = arith.constant 2 : i32
      %add3A_105 = arith.addi %mul3A_76, %add3A_104 : i32
      %lt3A = arith.constant 78 : i32
      %lt3A_106 = arith.cmpi slt, %add3A_105, %lt3A : i32
      %convert_element_type3A = arith.extui %lt3A_106 : i1 to i32
      %cond3A = arith.constant 0 : i32
      %cond3A_107 = arith.cmpi ne, %convert_element_type3A, %cond3A : i32
      scf.if %cond3A_107 {
        %add3A_120 = arith.constant 2 : i32
        %add3A_121 = arith.addi %mul3A_76, %add3A_120 : i32
        %mul3A_122 = arith.constant 128 : i32
        %mul3A_123 = arith.muli %add3A_121, %mul3A_122 : i32
        %dma_start3A_124 = tpu.memref_slice %arg5[%mul3A_123] : memref<10000xi32, #tpu.memory_space<vmem>> -> memref<128xi32, #tpu.memory_space<vmem>>
        %dma_start3A_125 = arith.constant 0 : i32
        %dma_start3A_126 = arith.constant 0 : i32
        %dma_start3A_127 = tpu.memref_slice %arg2[%dma_start3A_125, %dma_start3A_126] : memref<10240x64xf32, #tpu.memory_space<hbm>> -> memref<10240x64xf32, #tpu.memory_space<hbm>>
        tpu.enqueue_indirect_dma source(%dma_start3A_127 : memref<10240x64xf32, #tpu.memory_space<hbm>>) target(%arg9 : memref<128x64xf32, #tpu.memory_space<vmem>>) offsets(%dma_start3A_124 : memref<128xi32, #tpu.memory_space<vmem>>) semaphore(%arg12 : memref<!tpu.dma_semaphore, #tpu.memory_space<semaphore_mem>>)
        %mul3A_128 = arith.constant 128 : i32
        %mul3A_129 = arith.muli %add3A_121, %mul3A_128 : i32
        %add3A_130 = arith.addi %mul3A_2, %mul3A_129 : i32
        %dma_start3A_131 = arith.constant 1 : i32
        %dma_start3A_132 = tpu.memref_slice %arg3[%dma_start3A_131, %add3A_130] : memref<2x320000xi32, #tpu.memory_space<hbm>> -> memref<1x128xi32, #tpu.memory_space<hbm>>
        %dma_start3A_133 = tpu.memref_squeeze %dma_start3A_132 : memref<1x128xi32, #tpu.memory_space<hbm>> -> memref<128xi32, #tpu.memory_space<hbm>>
        %dma_start3A_134 = tpu.memref_slice %arg3[%dma_start3A_131, %add3A_130] : memref<2x320000xi32, #tpu.memory_space<hbm>> -> memref<1x128xi32, #tpu.memory_space<hbm>>
        %dma_start3A_135 = tpu.memref_squeeze %dma_start3A_134 : memref<1x128xi32, #tpu.memory_space<hbm>> -> memref<128xi32, #tpu.memory_space<hbm>>
        tpu.enqueue_dma source(%dma_start3A_135 : memref<128xi32, #tpu.memory_space<hbm>>) target(%arg6 : memref<128xi32, #tpu.memory_space<vmem>>) target_semaphore(%arg14 : memref<!tpu.dma_semaphore, #tpu.memory_space<semaphore_mem>>)
      } else {
      }
      %dma_wait3A_108 = arith.constant 0 : i32
      %dma_wait3A_109 = arith.constant 0 : i32
      %dma_wait3A_110 = tpu.memref_slice %arg2[%dma_wait3A_108, %dma_wait3A_109] : memref<10240x64xf32, #tpu.memory_space<hbm>> -> memref<128x64xf32, #tpu.memory_space<hbm>>
      %dma_wait3A_111 = arith.constant 0 : i32
      %dma_wait3A_112 = arith.constant 0 : i32
      %dma_wait3A_113 = tpu.memref_slice %arg2[%dma_wait3A_111, %dma_wait3A_112] : memref<10240x64xf32, #tpu.memory_space<hbm>> -> memref<128x64xf32, #tpu.memory_space<hbm>>
      tpu.wait_dma2 semaphore(%arg13 : memref<!tpu.dma_semaphore, #tpu.memory_space<semaphore_mem>>) src(%dma_wait3A_113 : memref<128x64xf32, #tpu.memory_space<hbm>>) dst(%arg10 : memref<128x64xf32, #tpu.memory_space<vmem>>)
      %dma_wait3A_114 = arith.constant 1 : i32
      %dma_wait3A_115 = tpu.memref_slice %arg3[%dma_wait3A_114, %mul3A_2] : memref<2x320000xi32, #tpu.memory_space<hbm>> -> memref<1x128xi32, #tpu.memory_space<hbm>>
      %dma_wait3A_116 = tpu.memref_squeeze %dma_wait3A_115 : memref<1x128xi32, #tpu.memory_space<hbm>> -> memref<128xi32, #tpu.memory_space<hbm>>
      %dma_wait3A_117 = tpu.memref_slice %arg3[%dma_wait3A_114, %mul3A_2] : memref<2x320000xi32, #tpu.memory_space<hbm>> -> memref<1x128xi32, #tpu.memory_space<hbm>>
      %dma_wait3A_118 = tpu.memref_squeeze %dma_wait3A_117 : memref<1x128xi32, #tpu.memory_space<hbm>> -> memref<128xi32, #tpu.memory_space<hbm>>
      tpu.wait_dma2 semaphore(%arg15 : memref<!tpu.dma_semaphore, #tpu.memory_space<semaphore_mem>>) src(%dma_wait3A_118 : memref<128xi32, #tpu.memory_space<hbm>>) dst(%arg7 : memref<128xi32, #tpu.memory_space<vmem>>)
      "tpu.region"() ({
        %run_scoped3A_120 = tpu.sem_alloc : memref<!tpu.dma_semaphore, #tpu.memory_space<semaphore_mem>>
        %dma_start3A_121 = arith.constant 0 : i32
        %dma_start3A_122 = arith.constant 0 : i32
        %dma_start3A_123 = tpu.memref_slice %arg11[%dma_start3A_121, %dma_start3A_122] : memref<10240x64xf32, #tpu.memory_space<vmem_shared>> -> memref<10240x64xf32, #tpu.memory_space<vmem_shared>>
        tpu.enqueue_indirect_dma source(%arg10 : memref<128x64xf32, #tpu.memory_space<vmem>>) target(%dma_start3A_123 : memref<10240x64xf32, #tpu.memory_space<vmem_shared>>) offsets(%arg7 : memref<128xi32, #tpu.memory_space<vmem>>) semaphore(%run_scoped3A_120 : memref<!tpu.dma_semaphore, #tpu.memory_space<semaphore_mem>>) {add = true}
        %dma_wait3A_124 = arith.constant 0 : i32
        %dma_wait3A_125 = arith.constant 0 : i32
        %dma_wait3A_126 = tpu.memref_slice %arg11[%dma_wait3A_124, %dma_wait3A_125] : memref<10240x64xf32, #tpu.memory_space<vmem_shared>> -> memref<10240x64xf32, #tpu.memory_space<vmem_shared>>
        tpu.wait_indirect_dma semaphore(%run_scoped3A_120 : memref<!tpu.dma_semaphore, #tpu.memory_space<semaphore_mem>>) src(%arg10 : memref<128x64xf32, #tpu.memory_space<vmem>>) dst(%dma_wait3A_126 : memref<10240x64xf32, #tpu.memory_space<vmem_shared>>)
        tpu.yield
      }) : () -> ()
      %scan3A_119 = arith.constant 0 : i32
      scf.yield %scan3A_119 : i32
    }
    %scan3A_47 = arith.constant 39 : i32
    %add3A_48 = arith.constant 9984 : i32
    %add3A_49 = arith.addi %mul3A_2, %add3A_48 : i32
    %run_scoped3A_50 = arith.constant 1 : i32
    "tpu.region"() ({
      %run_scoped3A_73 = tpu.sem_alloc : memref<!tpu.dma_semaphore, #tpu.memory_space<semaphore_mem>>
      %dma_start3A_74 = tpu.memref_slice %arg3[%run_scoped3A_50, %add3A_49] : memref<2x320000xi32, #tpu.memory_space<hbm>> -> memref<1x16xi32, #tpu.memory_space<hbm>>
      %dma_start3A_75 = tpu.memref_squeeze %dma_start3A_74 : memref<1x16xi32, #tpu.memory_space<hbm>> -> memref<16xi32, #tpu.memory_space<hbm>>
      %dma_start3A_76 = tpu.memref_slice %arg3[%run_scoped3A_50, %add3A_49] : memref<2x320000xi32, #tpu.memory_space<hbm>> -> memref<1x16xi32, #tpu.memory_space<hbm>>
      %dma_start3A_77 = tpu.memref_squeeze %dma_start3A_76 : memref<1x16xi32, #tpu.memory_space<hbm>> -> memref<16xi32, #tpu.memory_space<hbm>>
      tpu.enqueue_dma source(%dma_start3A_77 : memref<16xi32, #tpu.memory_space<hbm>>) target(%arg8 : memref<16xi32, #tpu.memory_space<vmem>>) target_semaphore(%run_scoped3A_73 : memref<!tpu.dma_semaphore, #tpu.memory_space<semaphore_mem>>)
      %dma_wait3A_78 = tpu.memref_slice %arg3[%run_scoped3A_50, %add3A_49] : memref<2x320000xi32, #tpu.memory_space<hbm>> -> memref<1x16xi32, #tpu.memory_space<hbm>>
      %dma_wait3A_79 = tpu.memref_squeeze %dma_wait3A_78 : memref<1x16xi32, #tpu.memory_space<hbm>> -> memref<16xi32, #tpu.memory_space<hbm>>
      %dma_wait3A_80 = tpu.memref_slice %arg3[%run_scoped3A_50, %add3A_49] : memref<2x320000xi32, #tpu.memory_space<hbm>> -> memref<1x16xi32, #tpu.memory_space<hbm>>
      %dma_wait3A_81 = tpu.memref_squeeze %dma_wait3A_80 : memref<1x16xi32, #tpu.memory_space<hbm>> -> memref<16xi32, #tpu.memory_space<hbm>>
      tpu.wait_dma2 semaphore(%run_scoped3A_73 : memref<!tpu.dma_semaphore, #tpu.memory_space<semaphore_mem>>) src(%dma_wait3A_81 : memref<16xi32, #tpu.memory_space<hbm>>) dst(%arg8 : memref<16xi32, #tpu.memory_space<vmem>>)
      tpu.yield
    }) : () -> ()
    %dma_start3A_51 = arith.constant 0 : i32
    %dma_start3A_52 = arith.constant 0 : i32
    %dma_start3A_53 = tpu.memref_slice %arg9[%dma_start3A_51, %dma_start3A_52] : memref<128x64xf32, #tpu.memory_space<vmem>> -> memref<16x64xf32, #tpu.memory_space<vmem>>
    %dma_start3A_54 = arith.constant 9984 : i32
    %dma_start3A_55 = tpu.memref_slice %arg5[%dma_start3A_54] : memref<10000xi32, #tpu.memory_space<vmem>> -> memref<16xi32, #tpu.memory_space<vmem>>
    %dma_start3A_56 = arith.constant 0 : i32
    %dma_start3A_57 = arith.constant 0 : i32
    %dma_start3A_58 = tpu.memref_slice %arg2[%dma_start3A_56, %dma_start3A_57] : memref<10240x64xf32, #tpu.memory_space<hbm>> -> memref<10240x64xf32, #tpu.memory_space<hbm>>
    tpu.enqueue_indirect_dma source(%dma_start3A_58 : memref<10240x64xf32, #tpu.memory_space<hbm>>) target(%dma_start3A_53 : memref<16x64xf32, #tpu.memory_space<vmem>>) offsets(%dma_start3A_55 : memref<16xi32, #tpu.memory_space<vmem>>) semaphore(%arg12 : memref<!tpu.dma_semaphore, #tpu.memory_space<semaphore_mem>>)
    %dma_wait3A = arith.constant 0 : i32
    %dma_wait3A_59 = arith.constant 0 : i32
    %dma_wait3A_60 = tpu.memref_slice %arg9[%dma_wait3A, %dma_wait3A_59] : memref<128x64xf32, #tpu.memory_space<vmem>> -> memref<16x64xf32, #tpu.memory_space<vmem>>
    %dma_wait3A_61 = arith.constant 0 : i32
    %dma_wait3A_62 = arith.constant 0 : i32
    %dma_wait3A_63 = tpu.memref_slice %arg2[%dma_wait3A_61, %dma_wait3A_62] : memref<10240x64xf32, #tpu.memory_space<hbm>> -> memref<16x64xf32, #tpu.memory_space<hbm>>
    %dma_wait3A_64 = arith.constant 0 : i32
    %dma_wait3A_65 = arith.constant 0 : i32
    %dma_wait3A_66 = tpu.memref_slice %arg9[%dma_wait3A_64, %dma_wait3A_65] : memref<128x64xf32, #tpu.memory_space<vmem>> -> memref<16x64xf32, #tpu.memory_space<vmem>>
    %dma_wait3A_67 = arith.constant 0 : i32
    %dma_wait3A_68 = arith.constant 0 : i32
    %dma_wait3A_69 = tpu.memref_slice %arg2[%dma_wait3A_67, %dma_wait3A_68] : memref<10240x64xf32, #tpu.memory_space<hbm>> -> memref<16x64xf32, #tpu.memory_space<hbm>>
    tpu.wait_dma2 semaphore(%arg12 : memref<!tpu.dma_semaphore, #tpu.memory_space<semaphore_mem>>) src(%dma_wait3A_69 : memref<16x64xf32, #tpu.memory_space<hbm>>) dst(%dma_wait3A_66 : memref<16x64xf32, #tpu.memory_space<vmem>>)
    "tpu.region"() ({
      %run_scoped3A_73 = tpu.sem_alloc : memref<!tpu.dma_semaphore, #tpu.memory_space<semaphore_mem>>
      %dma_start3A_74 = arith.constant 0 : i32
      %dma_start3A_75 = arith.constant 0 : i32
      %dma_start3A_76 = tpu.memref_slice %arg9[%dma_start3A_74, %dma_start3A_75] : memref<128x64xf32, #tpu.memory_space<vmem>> -> memref<16x64xf32, #tpu.memory_space<vmem>>
      %dma_start3A_77 = arith.constant 0 : i32
      %dma_start3A_78 = arith.constant 0 : i32
      %dma_start3A_79 = tpu.memref_slice %arg11[%dma_start3A_77, %dma_start3A_78] : memref<10240x64xf32, #tpu.memory_space<vmem_shared>> -> memref<10240x64xf32, #tpu.memory_space<vmem_shared>>
      tpu.enqueue_indirect_dma source(%dma_start3A_76 : memref<16x64xf32, #tpu.memory_space<vmem>>) target(%dma_start3A_79 : memref<10240x64xf32, #tpu.memory_space<vmem_shared>>) offsets(%arg8 : memref<16xi32, #tpu.memory_space<vmem>>) semaphore(%run_scoped3A_73 : memref<!tpu.dma_semaphore, #tpu.memory_space<semaphore_mem>>) {add = true}
      %dma_wait3A_80 = arith.constant 0 : i32
      %dma_wait3A_81 = arith.constant 0 : i32
      %dma_wait3A_82 = tpu.memref_slice %arg9[%dma_wait3A_80, %dma_wait3A_81] : memref<128x64xf32, #tpu.memory_space<vmem>> -> memref<16x64xf32, #tpu.memory_space<vmem>>
      %dma_wait3A_83 = arith.constant 0 : i32
      %dma_wait3A_84 = arith.constant 0 : i32
      %dma_wait3A_85 = tpu.memref_slice %arg11[%dma_wait3A_83, %dma_wait3A_84] : memref<10240x64xf32, #tpu.memory_space<vmem_shared>> -> memref<10240x64xf32, #tpu.memory_space<vmem_shared>>
      tpu.wait_indirect_dma semaphore(%run_scoped3A_73 : memref<!tpu.dma_semaphore, #tpu.memory_space<semaphore_mem>>) src(%dma_wait3A_82 : memref<16x64xf32, #tpu.memory_space<vmem>>) dst(%dma_wait3A_85 : memref<10240x64xf32, #tpu.memory_space<vmem_shared>>)
      tpu.yield
    }) : () -> ()
    %barrier3A_70 = arith.constant 0 : index
    tpu.barrier barrier_id(%barrier3A_70)
    %mul3A_71 = arith.constant 640 : i32
    %mul3A_72 = arith.muli %arg1, %mul3A_71 : i32
    "tpu.region"() ({
      %run_scoped3A_73 = tpu.sem_alloc : memref<!tpu.dma_semaphore, #tpu.memory_space<semaphore_mem>>
      %dma_start3A_74 = arith.constant 0 : i32
      %dma_start3A_75 = tpu.memref_slice %arg4[%arg0, %mul3A_72, %dma_start3A_74] : memref<2x10240x64xf32, #tpu.memory_space<hbm>> -> memref<1x640x64xf32, #tpu.memory_space<hbm>>
      %dma_start3A_76 = tpu.memref_squeeze %dma_start3A_75 : memref<1x640x64xf32, #tpu.memory_space<hbm>> -> memref<640x64xf32, #tpu.memory_space<hbm>>
      %dma_start3A_77 = arith.constant 0 : i32
      %dma_start3A_78 = tpu.memref_slice %arg11[%mul3A_72, %dma_start3A_77] : memref<10240x64xf32, #tpu.memory_space<vmem_shared>> -> memref<640x64xf32, #tpu.memory_space<vmem_shared>>
      tpu.enqueue_dma source(%dma_start3A_78 : memref<640x64xf32, #tpu.memory_space<vmem_shared>>) target(%dma_start3A_76 : memref<640x64xf32, #tpu.memory_space<hbm>>) target_semaphore(%run_scoped3A_73 : memref<!tpu.dma_semaphore, #tpu.memory_space<semaphore_mem>>)
      %dma_wait3A_79 = arith.constant 0 : i32
      %dma_wait3A_80 = tpu.memref_slice %arg4[%arg0, %mul3A_72, %dma_wait3A_79] : memref<2x10240x64xf32, #tpu.memory_space<hbm>> -> memref<1x640x64xf32, #tpu.memory_space<hbm>>
      %dma_wait3A_81 = tpu.memref_squeeze %dma_wait3A_80 : memref<1x640x64xf32, #tpu.memory_space<hbm>> -> memref<640x64xf32, #tpu.memory_space<hbm>>
      %dma_wait3A_82 = arith.constant 0 : i32
      %dma_wait3A_83 = tpu.memref_slice %arg11[%mul3A_72, %dma_wait3A_82] : memref<10240x64xf32, #tpu.memory_space<vmem_shared>> -> memref<640x64xf32, #tpu.memory_space<vmem_shared>>
      tpu.wait_dma2 semaphore(%run_scoped3A_73 : memref<!tpu.dma_semaphore, #tpu.memory_space<semaphore_mem>>) src(%dma_wait3A_83 : memref<640x64xf32, #tpu.memory_space<vmem_shared>>) dst(%dma_wait3A_81 : memref<640x64xf32, #tpu.memory_space<hbm>>)
      tpu.yield
    }) : () -> ()
    return
  }
}

#map = affine_map<(d0, d1) -> (0, 0)>
#map1 = affine_map<(d0, d1) -> (0)>
module attributes {stable_mosaic.version = 14 : i64} {
  func.func @_sc_norms(%arg0: i32, %arg1: i32, %arg2: memref<2x320000xi32, #tpu.memory_space<hbm>>, %arg3: memref<10240xf32, #tpu.memory_space<hbm>>, %arg4: memref<10240xf32, #tpu.memory_space<hbm>>, %arg5: memref<20000xi32, #tpu.memory_space<vmem>>, %arg6: memref<10240xf32, #tpu.memory_space<vmem>>, %arg7: memref<16x640xf32, #tpu.memory_space<vmem>>, %arg8: memref<16x10240xf32, #tpu.memory_space<vmem_shared>>) attributes {dimension_semantics = [#tpu.dimension_semantics<core_parallel>, #tpu.dimension_semantics<subcore_parallel>], iteration_bounds = array<i64: 2, 16>, scalar_prefetch = 0 : i64, scratch_operands = 4 : i64, tpu.core_type = #tpu.core_type<sc_vector_subcore>, window_params = [{transform_indices = #map}, {transform_indices = #map1}, {transform_indices = #map1}]} {
    %mul3A = arith.constant 20000 : i32
    %mul3A_0 = arith.muli %arg1, %mul3A : i32
    "tpu.region"() ({
      %run_scoped3A = tpu.sem_alloc : memref<!tpu.dma_semaphore, #tpu.memory_space<semaphore_mem>>
      %dma_start3A = tpu.memref_slice %arg2[%arg0, %mul3A_0] : memref<2x320000xi32, #tpu.memory_space<hbm>> -> memref<1x20000xi32, #tpu.memory_space<hbm>>
      %dma_start3A_33 = tpu.memref_squeeze %dma_start3A : memref<1x20000xi32, #tpu.memory_space<hbm>> -> memref<20000xi32, #tpu.memory_space<hbm>>
      %dma_start3A_34 = tpu.memref_slice %arg2[%arg0, %mul3A_0] : memref<2x320000xi32, #tpu.memory_space<hbm>> -> memref<1x20000xi32, #tpu.memory_space<hbm>>
      %dma_start3A_35 = tpu.memref_squeeze %dma_start3A_34 : memref<1x20000xi32, #tpu.memory_space<hbm>> -> memref<20000xi32, #tpu.memory_space<hbm>>
      tpu.enqueue_dma source(%dma_start3A_35 : memref<20000xi32, #tpu.memory_space<hbm>>) target(%arg5 : memref<20000xi32, #tpu.memory_space<vmem>>) target_semaphore(%run_scoped3A : memref<!tpu.dma_semaphore, #tpu.memory_space<semaphore_mem>>)
      %dma_wait3A = tpu.memref_slice %arg2[%arg0, %mul3A_0] : memref<2x320000xi32, #tpu.memory_space<hbm>> -> memref<1x20000xi32, #tpu.memory_space<hbm>>
      %dma_wait3A_36 = tpu.memref_squeeze %dma_wait3A : memref<1x20000xi32, #tpu.memory_space<hbm>> -> memref<20000xi32, #tpu.memory_space<hbm>>
      %dma_wait3A_37 = tpu.memref_slice %arg2[%arg0, %mul3A_0] : memref<2x320000xi32, #tpu.memory_space<hbm>> -> memref<1x20000xi32, #tpu.memory_space<hbm>>
      %dma_wait3A_38 = tpu.memref_squeeze %dma_wait3A_37 : memref<1x20000xi32, #tpu.memory_space<hbm>> -> memref<20000xi32, #tpu.memory_space<hbm>>
      tpu.wait_dma2 semaphore(%run_scoped3A : memref<!tpu.dma_semaphore, #tpu.memory_space<semaphore_mem>>) src(%dma_wait3A_38 : memref<20000xi32, #tpu.memory_space<hbm>>) dst(%arg5 : memref<20000xi32, #tpu.memory_space<vmem>>)
      tpu.yield
    }) : () -> ()
    %broadcast_in_dim3A = arith.constant 0.000000e+00 : f32
    %broadcast_in_dim3A_1 = vector.broadcast %broadcast_in_dim3A : f32 to vector<16xf32>
    %scan3A = arith.constant 0 : i32
    %scan3A_2 = arith.constant 0 : i32
    %scan3A_3 = arith.constant 640 : i32
    %scan3A_4 = arith.addi %scan3A_2, %scan3A_3 : i32
    %scan3A_5 = arith.constant 1 : i32
    %scan3A_6 = scf.for %scan3A_33 = %scan3A_2 to %scan3A_4 step %scan3A_5 iter_args(%scan3A_34 = %scan3A) -> (i32)  : i32 {
      %mul3A_35 = arith.constant 16 : i32
      %mul3A_36 = arith.muli %scan3A_33, %mul3A_35 : i32
      %swap3A = arith.index_cast %mul3A_36 : i32 to index
      %swap3A_37 = tpu.vector_load %arg6[%swap3A] {strides = array<i32>} : memref<10240xf32, #tpu.memory_space<vmem>>, vector<16xf32>,
      tpu.vector_store %arg6[%swap3A], %broadcast_in_dim3A_1 {strides = array<i32>} : memref<10240xf32, #tpu.memory_space<vmem>>, vector<16xf32>,
      %scan3A_38 = arith.constant 0 : i32
      scf.yield %scan3A_38 : i32
    }
    %scan3A_7 = arith.constant 640 : i32
    %broadcast_in_dim3A_8 = arith.constant 1.000000e+00 : f32
    %broadcast_in_dim3A_9 = vector.broadcast %broadcast_in_dim3A_8 : f32 to vector<16xf32>
    %scan3A_10 = arith.constant 0 : i32
    %scan3A_11 = arith.constant 0 : i32
    %scan3A_12 = arith.constant 1250 : i32
    %scan3A_13 = arith.addi %scan3A_11, %scan3A_12 : i32
    %scan3A_14 = arith.constant 1 : i32
    %scan3A_15 = scf.for %scan3A_33 = %scan3A_11 to %scan3A_13 step %scan3A_14 iter_args(%scan3A_34 = %scan3A_10) -> (i32)  : i32 {
      %mul3A_35 = arith.constant 16 : i32
      %mul3A_36 = arith.muli %scan3A_33, %mul3A_35 : i32
      %get3A = arith.index_cast %mul3A_36 : i32 to index
      %get3A_37 = tpu.vector_load %arg5[%get3A] {strides = array<i32>} : memref<20000xi32, #tpu.memory_space<vmem>>, vector<16xi32>,
      tpu.vector_store_idx %arg6[%get3A_37], %broadcast_in_dim3A_9 {add = true} : memref<10240xf32, #tpu.memory_space<vmem>>[vector<16xi32>], vector<16xf32>,
      %scan3A_38 = arith.constant 0 : i32
      scf.yield %scan3A_38 : i32
    }
    %scan3A_16 = arith.constant 1250 : i32
    "tpu.region"() ({
      %run_scoped3A = tpu.sem_alloc : memref<!tpu.dma_semaphore, #tpu.memory_space<semaphore_mem>>
      %dma_start3A = arith.constant 0 : i32
      %dma_start3A_33 = tpu.memref_slice %arg8[%arg1, %dma_start3A] : memref<16x10240xf32, #tpu.memory_space<vmem_shared>> -> memref<1x10240xf32, #tpu.memory_space<vmem_shared>>
      %dma_start3A_34 = tpu.memref_squeeze %dma_start3A_33 : memref<1x10240xf32, #tpu.memory_space<vmem_shared>> -> memref<10240xf32, #tpu.memory_space<vmem_shared>>
      %dma_start3A_35 = arith.constant 0 : i32
      %dma_start3A_36 = tpu.memref_slice %arg8[%arg1, %dma_start3A_35] : memref<16x10240xf32, #tpu.memory_space<vmem_shared>> -> memref<1x10240xf32, #tpu.memory_space<vmem_shared>>
      %dma_start3A_37 = tpu.memref_squeeze %dma_start3A_36 : memref<1x10240xf32, #tpu.memory_space<vmem_shared>> -> memref<10240xf32, #tpu.memory_space<vmem_shared>>
      tpu.enqueue_dma source(%arg6 : memref<10240xf32, #tpu.memory_space<vmem>>) target(%dma_start3A_37 : memref<10240xf32, #tpu.memory_space<vmem_shared>>) target_semaphore(%run_scoped3A : memref<!tpu.dma_semaphore, #tpu.memory_space<semaphore_mem>>)
      %dma_wait3A = arith.constant 0 : i32
      %dma_wait3A_38 = tpu.memref_slice %arg8[%arg1, %dma_wait3A] : memref<16x10240xf32, #tpu.memory_space<vmem_shared>> -> memref<1x10240xf32, #tpu.memory_space<vmem_shared>>
      %dma_wait3A_39 = tpu.memref_squeeze %dma_wait3A_38 : memref<1x10240xf32, #tpu.memory_space<vmem_shared>> -> memref<10240xf32, #tpu.memory_space<vmem_shared>>
      %dma_wait3A_40 = arith.constant 0 : i32
      %dma_wait3A_41 = tpu.memref_slice %arg8[%arg1, %dma_wait3A_40] : memref<16x10240xf32, #tpu.memory_space<vmem_shared>> -> memref<1x10240xf32, #tpu.memory_space<vmem_shared>>
      %dma_wait3A_42 = tpu.memref_squeeze %dma_wait3A_41 : memref<1x10240xf32, #tpu.memory_space<vmem_shared>> -> memref<10240xf32, #tpu.memory_space<vmem_shared>>
      tpu.wait_dma2 semaphore(%run_scoped3A : memref<!tpu.dma_semaphore, #tpu.memory_space<semaphore_mem>>) src(%arg6 : memref<10240xf32, #tpu.memory_space<vmem>>) dst(%dma_wait3A_42 : memref<10240xf32, #tpu.memory_space<vmem_shared>>)
      tpu.yield
    }) : () -> ()
    %barrier3A = arith.constant 0 : index
    tpu.barrier barrier_id(%barrier3A)
    %mul3A_17 = arith.constant 640 : i32
    %mul3A_18 = arith.muli %arg1, %mul3A_17 : i32
    "tpu.region"() ({
      %run_scoped3A = tpu.sem_alloc : memref<!tpu.dma_semaphore, #tpu.memory_space<semaphore_mem>>
      %dma_start3A = arith.constant 0 : i32
      %dma_start3A_33 = tpu.memref_slice %arg8[%dma_start3A, %mul3A_18] : memref<16x10240xf32, #tpu.memory_space<vmem_shared>> -> memref<16x640xf32, #tpu.memory_space<vmem_shared>>
      %dma_start3A_34 = arith.constant 0 : i32
      %dma_start3A_35 = tpu.memref_slice %arg8[%dma_start3A_34, %mul3A_18] : memref<16x10240xf32, #tpu.memory_space<vmem_shared>> -> memref<16x640xf32, #tpu.memory_space<vmem_shared>>
      tpu.enqueue_dma source(%dma_start3A_35 : memref<16x640xf32, #tpu.memory_space<vmem_shared>>) target(%arg7 : memref<16x640xf32, #tpu.memory_space<vmem>>) target_semaphore(%run_scoped3A : memref<!tpu.dma_semaphore, #tpu.memory_space<semaphore_mem>>)
      %dma_wait3A = arith.constant 0 : i32
      %dma_wait3A_36 = tpu.memref_slice %arg8[%dma_wait3A, %mul3A_18] : memref<16x10240xf32, #tpu.memory_space<vmem_shared>> -> memref<16x640xf32, #tpu.memory_space<vmem_shared>>
      %dma_wait3A_37 = arith.constant 0 : i32
      %dma_wait3A_38 = tpu.memref_slice %arg8[%dma_wait3A_37, %mul3A_18] : memref<16x10240xf32, #tpu.memory_space<vmem_shared>> -> memref<16x640xf32, #tpu.memory_space<vmem_shared>>
      tpu.wait_dma2 semaphore(%run_scoped3A : memref<!tpu.dma_semaphore, #tpu.memory_space<semaphore_mem>>) src(%dma_wait3A_38 : memref<16x640xf32, #tpu.memory_space<vmem_shared>>) dst(%arg7 : memref<16x640xf32, #tpu.memory_space<vmem>>)
      tpu.yield
    }) : () -> ()
    %scan3A_19 = arith.constant 0 : i32
    %scan3A_20 = arith.constant 0 : i32
    %scan3A_21 = arith.constant 40 : i32
    %scan3A_22 = arith.addi %scan3A_20, %scan3A_21 : i32
    %scan3A_23 = arith.constant 1 : i32
    %scan3A_24 = scf.for %scan3A_33 = %scan3A_20 to %scan3A_22 step %scan3A_23 iter_args(%scan3A_34 = %scan3A_19) -> (i32)  : i32 {
      %broadcast_in_dim3A_35 = arith.constant 0.000000e+00 : f32
      %broadcast_in_dim3A_36 = vector.broadcast %broadcast_in_dim3A_35 : f32 to vector<16xf32>
      %mul3A_37 = arith.constant 16 : i32
      %mul3A_38 = arith.muli %scan3A_33, %mul3A_37 : i32
      %get3A = arith.constant 0 : i32
      %get3A_39 = arith.index_cast %get3A : i32 to index
      %get3A_40 = arith.index_cast %mul3A_38 : i32 to index
      %get3A_41 = tpu.vector_load %arg7[%get3A_39, %get3A_40] {strides = array<i32>} : memref<16x640xf32, #tpu.memory_space<vmem>>, vector<16xf32>,
      %add3A = arith.addf %broadcast_in_dim3A_36, %get3A_41 : vector<16xf32>
      %mul3A_42 = arith.constant 16 : i32
      %mul3A_43 = arith.muli %scan3A_33, %mul3A_42 : i32
      %get3A_44 = arith.constant 1 : i32
      %get3A_45 = arith.index_cast %get3A_44 : i32 to index
      %get3A_46 = arith.index_cast %mul3A_43 : i32 to index
      %get3A_47 = tpu.vector_load %arg7[%get3A_45, %get3A_46] {strides = array<i32>} : memref<16x640xf32, #tpu.memory_space<vmem>>, vector<16xf32>,
      %add3A_48 = arith.addf %add3A, %get3A_47 : vector<16xf32>
      %mul3A_49 = arith.constant 16 : i32
      %mul3A_50 = arith.muli %scan3A_33, %mul3A_49 : i32
      %get3A_51 = arith.constant 2 : i32
      %get3A_52 = arith.index_cast %get3A_51 : i32 to index
      %get3A_53 = arith.index_cast %mul3A_50 : i32 to index
      %get3A_54 = tpu.vector_load %arg7[%get3A_52, %get3A_53] {strides = array<i32>} : memref<16x640xf32, #tpu.memory_space<vmem>>, vector<16xf32>,
      %add3A_55 = arith.addf %add3A_48, %get3A_54 : vector<16xf32>
      %mul3A_56 = arith.constant 16 : i32
      %mul3A_57 = arith.muli %scan3A_33, %mul3A_56 : i32
      %get3A_58 = arith.constant 3 : i32
      %get3A_59 = arith.index_cast %get3A_58 : i32 to index
      %get3A_60 = arith.index_cast %mul3A_57 : i32 to index
      %get3A_61 = tpu.vector_load %arg7[%get3A_59, %get3A_60] {strides = array<i32>} : memref<16x640xf32, #tpu.memory_space<vmem>>, vector<16xf32>,
      %add3A_62 = arith.addf %add3A_55, %get3A_61 : vector<16xf32>
      %mul3A_63 = arith.constant 16 : i32
      %mul3A_64 = arith.muli %scan3A_33, %mul3A_63 : i32
      %get3A_65 = arith.constant 4 : i32
      %get3A_66 = arith.index_cast %get3A_65 : i32 to index
      %get3A_67 = arith.index_cast %mul3A_64 : i32 to index
      %get3A_68 = tpu.vector_load %arg7[%get3A_66, %get3A_67] {strides = array<i32>} : memref<16x640xf32, #tpu.memory_space<vmem>>, vector<16xf32>,
      %add3A_69 = arith.addf %add3A_62, %get3A_68 : vector<16xf32>
      %mul3A_70 = arith.constant 16 : i32
      %mul3A_71 = arith.muli %scan3A_33, %mul3A_70 : i32
      %get3A_72 = arith.constant 5 : i32
      %get3A_73 = arith.index_cast %get3A_72 : i32 to index
      %get3A_74 = arith.index_cast %mul3A_71 : i32 to index
      %get3A_75 = tpu.vector_load %arg7[%get3A_73, %get3A_74] {strides = array<i32>} : memref<16x640xf32, #tpu.memory_space<vmem>>, vector<16xf32>,
      %add3A_76 = arith.addf %add3A_69, %get3A_75 : vector<16xf32>
      %mul3A_77 = arith.constant 16 : i32
      %mul3A_78 = arith.muli %scan3A_33, %mul3A_77 : i32
      %get3A_79 = arith.constant 6 : i32
      %get3A_80 = arith.index_cast %get3A_79 : i32 to index
      %get3A_81 = arith.index_cast %mul3A_78 : i32 to index
      %get3A_82 = tpu.vector_load %arg7[%get3A_80, %get3A_81] {strides = array<i32>} : memref<16x640xf32, #tpu.memory_space<vmem>>, vector<16xf32>,
      %add3A_83 = arith.addf %add3A_76, %get3A_82 : vector<16xf32>
      %mul3A_84 = arith.constant 16 : i32
      %mul3A_85 = arith.muli %scan3A_33, %mul3A_84 : i32
      %get3A_86 = arith.constant 7 : i32
      %get3A_87 = arith.index_cast %get3A_86 : i32 to index
      %get3A_88 = arith.index_cast %mul3A_85 : i32 to index
      %get3A_89 = tpu.vector_load %arg7[%get3A_87, %get3A_88] {strides = array<i32>} : memref<16x640xf32, #tpu.memory_space<vmem>>, vector<16xf32>,
      %add3A_90 = arith.addf %add3A_83, %get3A_89 : vector<16xf32>
      %mul3A_91 = arith.constant 16 : i32
      %mul3A_92 = arith.muli %scan3A_33, %mul3A_91 : i32
      %get3A_93 = arith.constant 8 : i32
      %get3A_94 = arith.index_cast %get3A_93 : i32 to index
      %get3A_95 = arith.index_cast %mul3A_92 : i32 to index
      %get3A_96 = tpu.vector_load %arg7[%get3A_94, %get3A_95] {strides = array<i32>} : memref<16x640xf32, #tpu.memory_space<vmem>>, vector<16xf32>,
      %add3A_97 = arith.addf %add3A_90, %get3A_96 : vector<16xf32>
      %mul3A_98 = arith.constant 16 : i32
      %mul3A_99 = arith.muli %scan3A_33, %mul3A_98 : i32
      %get3A_100 = arith.constant 9 : i32
      %get3A_101 = arith.index_cast %get3A_100 : i32 to index
      %get3A_102 = arith.index_cast %mul3A_99 : i32 to index
      %get3A_103 = tpu.vector_load %arg7[%get3A_101, %get3A_102] {strides = array<i32>} : memref<16x640xf32, #tpu.memory_space<vmem>>, vector<16xf32>,
      %add3A_104 = arith.addf %add3A_97, %get3A_103 : vector<16xf32>
      %mul3A_105 = arith.constant 16 : i32
      %mul3A_106 = arith.muli %scan3A_33, %mul3A_105 : i32
      %get3A_107 = arith.constant 10 : i32
      %get3A_108 = arith.index_cast %get3A_107 : i32 to index
      %get3A_109 = arith.index_cast %mul3A_106 : i32 to index
      %get3A_110 = tpu.vector_load %arg7[%get3A_108, %get3A_109] {strides = array<i32>} : memref<16x640xf32, #tpu.memory_space<vmem>>, vector<16xf32>,
      %add3A_111 = arith.addf %add3A_104, %get3A_110 : vector<16xf32>
      %mul3A_112 = arith.constant 16 : i32
      %mul3A_113 = arith.muli %scan3A_33, %mul3A_112 : i32
      %get3A_114 = arith.constant 11 : i32
      %get3A_115 = arith.index_cast %get3A_114 : i32 to index
      %get3A_116 = arith.index_cast %mul3A_113 : i32 to index
      %get3A_117 = tpu.vector_load %arg7[%get3A_115, %get3A_116] {strides = array<i32>} : memref<16x640xf32, #tpu.memory_space<vmem>>, vector<16xf32>,
      %add3A_118 = arith.addf %add3A_111, %get3A_117 : vector<16xf32>
      %mul3A_119 = arith.constant 16 : i32
      %mul3A_120 = arith.muli %scan3A_33, %mul3A_119 : i32
      %get3A_121 = arith.constant 12 : i32
      %get3A_122 = arith.index_cast %get3A_121 : i32 to index
      %get3A_123 = arith.index_cast %mul3A_120 : i32 to index
      %get3A_124 = tpu.vector_load %arg7[%get3A_122, %get3A_123] {strides = array<i32>} : memref<16x640xf32, #tpu.memory_space<vmem>>, vector<16xf32>,
      %add3A_125 = arith.addf %add3A_118, %get3A_124 : vector<16xf32>
      %mul3A_126 = arith.constant 16 : i32
      %mul3A_127 = arith.muli %scan3A_33, %mul3A_126 : i32
      %get3A_128 = arith.constant 13 : i32
      %get3A_129 = arith.index_cast %get3A_128 : i32 to index
      %get3A_130 = arith.index_cast %mul3A_127 : i32 to index
      %get3A_131 = tpu.vector_load %arg7[%get3A_129, %get3A_130] {strides = array<i32>} : memref<16x640xf32, #tpu.memory_space<vmem>>, vector<16xf32>,
      %add3A_132 = arith.addf %add3A_125, %get3A_131 : vector<16xf32>
      %mul3A_133 = arith.constant 16 : i32
      %mul3A_134 = arith.muli %scan3A_33, %mul3A_133 : i32
      %get3A_135 = arith.constant 14 : i32
      %get3A_136 = arith.index_cast %get3A_135 : i32 to index
      %get3A_137 = arith.index_cast %mul3A_134 : i32 to index
      %get3A_138 = tpu.vector_load %arg7[%get3A_136, %get3A_137] {strides = array<i32>} : memref<16x640xf32, #tpu.memory_space<vmem>>, vector<16xf32>,
      %add3A_139 = arith.addf %add3A_132, %get3A_138 : vector<16xf32>
      %mul3A_140 = arith.constant 16 : i32
      %mul3A_141 = arith.muli %scan3A_33, %mul3A_140 : i32
      %get3A_142 = arith.constant 15 : i32
      %get3A_143 = arith.index_cast %get3A_142 : i32 to index
      %get3A_144 = arith.index_cast %mul3A_141 : i32 to index
      %get3A_145 = tpu.vector_load %arg7[%get3A_143, %get3A_144] {strides = array<i32>} : memref<16x640xf32, #tpu.memory_space<vmem>>, vector<16xf32>,
      %add3A_146 = arith.addf %add3A_139, %get3A_145 : vector<16xf32>
      %gt3A = arith.constant 0.000000e+00 : f32
      %gt3A_147 = vector.broadcast %gt3A : f32 to vector<16xf32>
      %gt3A_148 = arith.cmpf ogt, %add3A_146, %gt3A_147 : vector<16xf32>
      %max3A = arith.constant 1.000000e+00 : f32
      %max3A_149 = vector.broadcast %max3A : f32 to vector<16xf32>
      %max3A_150 = arith.maximumf %add3A_146, %max3A_149 : vector<16xf32>
      %bitcast_convert_type3A = tpu.bitcast %max3A_150 : vector<16xf32> -> vector<16xi32>
      %shift_right_logical3A = arith.constant 1 : i32
      %shift_right_logical3A_151 = vector.broadcast %shift_right_logical3A : i32 to vector<16xi32>
      %shift_right_logical3A_152 = arith.shrui %bitcast_convert_type3A, %shift_right_logical3A_151 : vector<16xi32>
      %sub3A = arith.constant 1597463007 : i32
      %sub3A_153 = vector.broadcast %sub3A : i32 to vector<16xi32>
      %sub3A_154 = arith.subi %sub3A_153, %shift_right_logical3A_152 : vector<16xi32>
      %bitcast_convert_type3A_155 = tpu.bitcast %sub3A_154 : vector<16xi32> -> vector<16xf32>
      %mul3A_156 = arith.constant 5.000000e-01 : f32
      %mul3A_157 = vector.broadcast %mul3A_156 : f32 to vector<16xf32>
      %mul3A_158 = arith.mulf %mul3A_157, %max3A_150 : vector<16xf32>
      %mul3A_159 = arith.mulf %mul3A_158, %bitcast_convert_type3A_155 : vector<16xf32>
      %mul3A_160 = arith.mulf %mul3A_159, %bitcast_convert_type3A_155 : vector<16xf32>
      %sub3A_161 = arith.constant 1.500000e+00 : f32
      %sub3A_162 = vector.broadcast %sub3A_161 : f32 to vector<16xf32>
      %sub3A_163 = arith.subf %sub3A_162, %mul3A_160 : vector<16xf32>
      %mul3A_164 = arith.mulf %bitcast_convert_type3A_155, %sub3A_163 : vector<16xf32>
      %mul3A_165 = arith.constant 5.000000e-01 : f32
      %mul3A_166 = vector.broadcast %mul3A_165 : f32 to vector<16xf32>
      %mul3A_167 = arith.mulf %mul3A_166, %max3A_150 : vector<16xf32>
      %mul3A_168 = arith.mulf %mul3A_167, %mul3A_164 : vector<16xf32>
      %mul3A_169 = arith.mulf %mul3A_168, %mul3A_164 : vector<16xf32>
      %sub3A_170 = arith.constant 1.500000e+00 : f32
      %sub3A_171 = vector.broadcast %sub3A_170 : f32 to vector<16xf32>
      %sub3A_172 = arith.subf %sub3A_171, %mul3A_169 : vector<16xf32>
      %mul3A_173 = arith.mulf %mul3A_164, %sub3A_172 : vector<16xf32>
      %mul3A_174 = arith.constant 5.000000e-01 : f32
      %mul3A_175 = vector.broadcast %mul3A_174 : f32 to vector<16xf32>
      %mul3A_176 = arith.mulf %mul3A_175, %max3A_150 : vector<16xf32>
      %mul3A_177 = arith.mulf %mul3A_176, %mul3A_173 : vector<16xf32>
      %mul3A_178 = arith.mulf %mul3A_177, %mul3A_173 : vector<16xf32>
      %sub3A_179 = arith.constant 1.500000e+00 : f32
      %sub3A_180 = vector.broadcast %sub3A_179 : f32 to vector<16xf32>
      %sub3A_181 = arith.subf %sub3A_180, %mul3A_178 : vector<16xf32>
      %mul3A_182 = arith.mulf %mul3A_173, %sub3A_181 : vector<16xf32>
      %jit3A = arith.constant 0.000000e+00 : f32
      %broadcast_in_dim3A_183 = vector.broadcast %jit3A : f32 to vector<16xf32>
      %select_n3A = arith.select %gt3A_148, %mul3A_182, %broadcast_in_dim3A_183 : vector<16xi1>, vector<16xf32>
      %mul3A_184 = arith.constant 16 : i32
      %mul3A_185 = arith.muli %scan3A_33, %mul3A_184 : i32
      %swap3A = arith.index_cast %mul3A_185 : i32 to index
      %swap3A_186 = tpu.vector_load %arg6[%swap3A] {strides = array<i32>} : memref<10240xf32, #tpu.memory_space<vmem>>, vector<16xf32>,
      tpu.vector_store %arg6[%swap3A], %select_n3A {strides = array<i32>} : memref<10240xf32, #tpu.memory_space<vmem>>, vector<16xf32>,
      %scan3A_187 = arith.constant 0 : i32
      scf.yield %scan3A_187 : i32
    }
    %scan3A_25 = arith.constant 40 : i32
    %eq3A = arith.constant 0 : i32
    %eq3A_26 = arith.cmpi eq, %arg0, %eq3A : i32
    %convert_element_type3A = arith.extui %eq3A_26 : i1 to i32
    %cond3A = arith.constant 0 : i32
    %cond3A_27 = arith.cmpi ne, %convert_element_type3A, %cond3A : i32
    scf.if %cond3A_27 {
      "tpu.region"() ({
        %run_scoped3A = tpu.sem_alloc : memref<!tpu.dma_semaphore, #tpu.memory_space<semaphore_mem>>
        %dma_start3A = arith.constant 0 : i32
        %dma_start3A_33 = tpu.memref_slice %arg6[%dma_start3A] : memref<10240xf32, #tpu.memory_space<vmem>> -> memref<640xf32, #tpu.memory_space<vmem>>
        %dma_start3A_34 = tpu.memref_slice %arg3[%mul3A_18] : memref<10240xf32, #tpu.memory_space<hbm>> -> memref<640xf32, #tpu.memory_space<hbm>>
        %dma_start3A_35 = tpu.memref_slice %arg3[%mul3A_18] : memref<10240xf32, #tpu.memory_space<hbm>> -> memref<640xf32, #tpu.memory_space<hbm>>
        %dma_start3A_36 = arith.constant 0 : i32
        %dma_start3A_37 = tpu.memref_slice %arg6[%dma_start3A_36] : memref<10240xf32, #tpu.memory_space<vmem>> -> memref<640xf32, #tpu.memory_space<vmem>>
        tpu.enqueue_dma source(%dma_start3A_37 : memref<640xf32, #tpu.memory_space<vmem>>) target(%dma_start3A_35 : memref<640xf32, #tpu.memory_space<hbm>>) target_semaphore(%run_scoped3A : memref<!tpu.dma_semaphore, #tpu.memory_space<semaphore_mem>>)
        %dma_wait3A = arith.constant 0 : i32
        %dma_wait3A_38 = tpu.memref_slice %arg6[%dma_wait3A] : memref<10240xf32, #tpu.memory_space<vmem>> -> memref<640xf32, #tpu.memory_space<vmem>>
        %dma_wait3A_39 = tpu.memref_slice %arg3[%mul3A_18] : memref<10240xf32, #tpu.memory_space<hbm>> -> memref<640xf32, #tpu.memory_space<hbm>>
        %dma_wait3A_40 = tpu.memref_slice %arg3[%mul3A_18] : memref<10240xf32, #tpu.memory_space<hbm>> -> memref<640xf32, #tpu.memory_space<hbm>>
        %dma_wait3A_41 = arith.constant 0 : i32
        %dma_wait3A_42 = tpu.memref_slice %arg6[%dma_wait3A_41] : memref<10240xf32, #tpu.memory_space<vmem>> -> memref<640xf32, #tpu.memory_space<vmem>>
        tpu.wait_dma2 semaphore(%run_scoped3A : memref<!tpu.dma_semaphore, #tpu.memory_space<semaphore_mem>>) src(%dma_wait3A_42 : memref<640xf32, #tpu.memory_space<vmem>>) dst(%dma_wait3A_40 : memref<640xf32, #tpu.memory_space<hbm>>)
        tpu.yield
      }) : () -> ()
    } else {
    }
    %eq3A_28 = arith.constant 1 : i32
    %eq3A_29 = arith.cmpi eq, %arg0, %eq3A_28 : i32
    %convert_element_type3A_30 = arith.extui %eq3A_29 : i1 to i32
    %cond3A_31 = arith.constant 0 : i32
    %cond3A_32 = arith.cmpi ne, %convert_element_type3A_30, %cond3A_31 : i32
    scf.if %cond3A_32 {
      "tpu.region"() ({
        %run_scoped3A = tpu.sem_alloc : memref<!tpu.dma_semaphore, #tpu.memory_space<semaphore_mem>>
        %dma_start3A = arith.constant 0 : i32
        %dma_start3A_33 = tpu.memref_slice %arg6[%dma_start3A] : memref<10240xf32, #tpu.memory_space<vmem>> -> memref<640xf32, #tpu.memory_space<vmem>>
        %dma_start3A_34 = tpu.memref_slice %arg4[%mul3A_18] : memref<10240xf32, #tpu.memory_space<hbm>> -> memref<640xf32, #tpu.memory_space<hbm>>
        %dma_start3A_35 = tpu.memref_slice %arg4[%mul3A_18] : memref<10240xf32, #tpu.memory_space<hbm>> -> memref<640xf32, #tpu.memory_space<hbm>>
        %dma_start3A_36 = arith.constant 0 : i32
        %dma_start3A_37 = tpu.memref_slice %arg6[%dma_start3A_36] : memref<10240xf32, #tpu.memory_space<vmem>> -> memref<640xf32, #tpu.memory_space<vmem>>
        tpu.enqueue_dma source(%dma_start3A_37 : memref<640xf32, #tpu.memory_space<vmem>>) target(%dma_start3A_35 : memref<640xf32, #tpu.memory_space<hbm>>) target_semaphore(%run_scoped3A : memref<!tpu.dma_semaphore, #tpu.memory_space<semaphore_mem>>)
        %dma_wait3A = arith.constant 0 : i32
        %dma_wait3A_38 = tpu.memref_slice %arg6[%dma_wait3A] : memref<10240xf32, #tpu.memory_space<vmem>> -> memref<640xf32, #tpu.memory_space<vmem>>
        %dma_wait3A_39 = tpu.memref_slice %arg4[%mul3A_18] : memref<10240xf32, #tpu.memory_space<hbm>> -> memref<640xf32, #tpu.memory_space<hbm>>
        %dma_wait3A_40 = tpu.memref_slice %arg4[%mul3A_18] : memref<10240xf32, #tpu.memory_space<hbm>> -> memref<640xf32, #tpu.memory_space<hbm>>
        %dma_wait3A_41 = arith.constant 0 : i32
        %dma_wait3A_42 = tpu.memref_slice %arg6[%dma_wait3A_41] : memref<10240xf32, #tpu.memory_space<vmem>> -> memref<640xf32, #tpu.memory_space<vmem>>
        tpu.wait_dma2 semaphore(%run_scoped3A : memref<!tpu.dma_semaphore, #tpu.memory_space<semaphore_mem>>) src(%dma_wait3A_42 : memref<640xf32, #tpu.memory_space<vmem>>) dst(%dma_wait3A_40 : memref<640xf32, #tpu.memory_space<hbm>>)
        tpu.yield
      }) : () -> ()
    } else {
    }
    return
  }
}

#map = affine_map<(d0, d1) -> (0, 0)>
#map1 = affine_map<(d0, d1) -> (0, 0, 0)>
module attributes {stable_mosaic.version = 14 : i64} {
  func.func @_sc_agg(%arg0: i32, %arg1: i32, %arg2: memref<10240x128xf32, #tpu.memory_space<hbm>>, %arg3: memref<2x320000xi32, #tpu.memory_space<hbm>>, %arg4: memref<2x10240x128xf32, #tpu.memory_space<hbm>>, %arg5: memref<10000xi32, #tpu.memory_space<vmem>>, %arg6: memref<128xi32, #tpu.memory_space<vmem>>, %arg7: memref<128xi32, #tpu.memory_space<vmem>>, %arg8: memref<16xi32, #tpu.memory_space<vmem>>, %arg9: memref<128x128xf32, #tpu.memory_space<vmem>>, %arg10: memref<128x128xf32, #tpu.memory_space<vmem>>, %arg11: memref<10240x128xf32, #tpu.memory_space<vmem_shared>>, %arg12: memref<!tpu.dma_semaphore, #tpu.memory_space<semaphore_mem>>, %arg13: memref<!tpu.dma_semaphore, #tpu.memory_space<semaphore_mem>>, %arg14: memref<!tpu.dma_semaphore, #tpu.memory_space<semaphore_mem>>, %arg15: memref<!tpu.dma_semaphore, #tpu.memory_space<semaphore_mem>>) attributes {dimension_semantics = [#tpu.dimension_semantics<core_parallel>, #tpu.dimension_semantics<subcore_parallel>], iteration_bounds = array<i64: 2, 16>, scalar_prefetch = 0 : i64, scratch_operands = 11 : i64, tpu.core_type = #tpu.core_type<sc_vector_subcore>, window_params = [{transform_indices = #map}, {transform_indices = #map}, {transform_indices = #map1}]} {
    %mul3A = arith.constant 2 : i32
    %mul3A_0 = arith.muli %arg1, %mul3A : i32
    %add3A = arith.addi %mul3A_0, %arg0 : i32
    %mul3A_1 = arith.constant 10000 : i32
    %mul3A_2 = arith.muli %add3A, %mul3A_1 : i32
    %run_scoped3A = arith.constant 0 : i32
    "tpu.region"() ({
      %run_scoped3A_73 = tpu.sem_alloc : memref<!tpu.dma_semaphore, #tpu.memory_space<semaphore_mem>>
      %dma_start3A_74 = tpu.memref_slice %arg3[%run_scoped3A, %mul3A_2] : memref<2x320000xi32, #tpu.memory_space<hbm>> -> memref<1x10000xi32, #tpu.memory_space<hbm>>
      %dma_start3A_75 = tpu.memref_squeeze %dma_start3A_74 : memref<1x10000xi32, #tpu.memory_space<hbm>> -> memref<10000xi32, #tpu.memory_space<hbm>>
      %dma_start3A_76 = tpu.memref_slice %arg3[%run_scoped3A, %mul3A_2] : memref<2x320000xi32, #tpu.memory_space<hbm>> -> memref<1x10000xi32, #tpu.memory_space<hbm>>
      %dma_start3A_77 = tpu.memref_squeeze %dma_start3A_76 : memref<1x10000xi32, #tpu.memory_space<hbm>> -> memref<10000xi32, #tpu.memory_space<hbm>>
      tpu.enqueue_dma source(%dma_start3A_77 : memref<10000xi32, #tpu.memory_space<hbm>>) target(%arg5 : memref<10000xi32, #tpu.memory_space<vmem>>) target_semaphore(%run_scoped3A_73 : memref<!tpu.dma_semaphore, #tpu.memory_space<semaphore_mem>>)
      %dma_wait3A_78 = tpu.memref_slice %arg3[%run_scoped3A, %mul3A_2] : memref<2x320000xi32, #tpu.memory_space<hbm>> -> memref<1x10000xi32, #tpu.memory_space<hbm>>
      %dma_wait3A_79 = tpu.memref_squeeze %dma_wait3A_78 : memref<1x10000xi32, #tpu.memory_space<hbm>> -> memref<10000xi32, #tpu.memory_space<hbm>>
      %dma_wait3A_80 = tpu.memref_slice %arg3[%run_scoped3A, %mul3A_2] : memref<2x320000xi32, #tpu.memory_space<hbm>> -> memref<1x10000xi32, #tpu.memory_space<hbm>>
      %dma_wait3A_81 = tpu.memref_squeeze %dma_wait3A_80 : memref<1x10000xi32, #tpu.memory_space<hbm>> -> memref<10000xi32, #tpu.memory_space<hbm>>
      tpu.wait_dma2 semaphore(%run_scoped3A_73 : memref<!tpu.dma_semaphore, #tpu.memory_space<semaphore_mem>>) src(%dma_wait3A_81 : memref<10000xi32, #tpu.memory_space<hbm>>) dst(%arg5 : memref<10000xi32, #tpu.memory_space<vmem>>)
      tpu.yield
    }) : () -> ()
    %broadcast_in_dim3A = arith.constant 0.000000e+00 : f32
    %broadcast_in_dim3A_3 = vector.broadcast %broadcast_in_dim3A : f32 to vector<16xf32>
    %scan3A = arith.constant 0 : i32
    %scan3A_4 = arith.constant 0 : i32
    %scan3A_5 = arith.constant 128 : i32
    %scan3A_6 = arith.addi %scan3A_4, %scan3A_5 : i32
    %scan3A_7 = arith.constant 1 : i32
    %scan3A_8 = scf.for %scan3A_73 = %scan3A_4 to %scan3A_6 step %scan3A_7 iter_args(%scan3A_74 = %scan3A) -> (i32)  : i32 {
      %swap3A = arith.index_cast %scan3A_73 : i32 to index
      %swap3A_75 = arith.constant 0 : index
      %swap3A_76 = tpu.vector_load %arg9[%swap3A, %swap3A_75] {strides = array<i32>} : memref<128x128xf32, #tpu.memory_space<vmem>>, vector<1x16xf32>,
      %swap3A_77 = vector.shape_cast %swap3A_76 : vector<1x16xf32> to vector<16xf32>
      %swap3A_78 = vector.shape_cast %broadcast_in_dim3A_3 : vector<16xf32> to vector<1x16xf32>
      tpu.vector_store %arg9[%swap3A, %swap3A_75], %swap3A_78 {strides = array<i32>} : memref<128x128xf32, #tpu.memory_space<vmem>>, vector<1x16xf32>,
      %swap3A_79 = arith.index_cast %scan3A_73 : i32 to index
      %swap3A_80 = arith.constant 16 : index
      %swap3A_81 = tpu.vector_load %arg9[%swap3A_79, %swap3A_80] {strides = array<i32>} : memref<128x128xf32, #tpu.memory_space<vmem>>, vector<1x16xf32>,
      %swap3A_82 = vector.shape_cast %swap3A_81 : vector<1x16xf32> to vector<16xf32>
      %swap3A_83 = vector.shape_cast %broadcast_in_dim3A_3 : vector<16xf32> to vector<1x16xf32>
      tpu.vector_store %arg9[%swap3A_79, %swap3A_80], %swap3A_83 {strides = array<i32>} : memref<128x128xf32, #tpu.memory_space<vmem>>, vector<1x16xf32>,
      %swap3A_84 = arith.index_cast %scan3A_73 : i32 to index
      %swap3A_85 = arith.constant 32 : index
      %swap3A_86 = tpu.vector_load %arg9[%swap3A_84, %swap3A_85] {strides = array<i32>} : memref<128x128xf32, #tpu.memory_space<vmem>>, vector<1x16xf32>,
      %swap3A_87 = vector.shape_cast %swap3A_86 : vector<1x16xf32> to vector<16xf32>
      %swap3A_88 = vector.shape_cast %broadcast_in_dim3A_3 : vector<16xf32> to vector<1x16xf32>
      tpu.vector_store %arg9[%swap3A_84, %swap3A_85], %swap3A_88 {strides = array<i32>} : memref<128x128xf32, #tpu.memory_space<vmem>>, vector<1x16xf32>,
      %swap3A_89 = arith.index_cast %scan3A_73 : i32 to index
      %swap3A_90 = arith.constant 48 : index
      %swap3A_91 = tpu.vector_load %arg9[%swap3A_89, %swap3A_90] {strides = array<i32>} : memref<128x128xf32, #tpu.memory_space<vmem>>, vector<1x16xf32>,
      %swap3A_92 = vector.shape_cast %swap3A_91 : vector<1x16xf32> to vector<16xf32>
      %swap3A_93 = vector.shape_cast %broadcast_in_dim3A_3 : vector<16xf32> to vector<1x16xf32>
      tpu.vector_store %arg9[%swap3A_89, %swap3A_90], %swap3A_93 {strides = array<i32>} : memref<128x128xf32, #tpu.memory_space<vmem>>, vector<1x16xf32>,
      %swap3A_94 = arith.index_cast %scan3A_73 : i32 to index
      %swap3A_95 = arith.constant 64 : index
      %swap3A_96 = tpu.vector_load %arg9[%swap3A_94, %swap3A_95] {strides = array<i32>} : memref<128x128xf32, #tpu.memory_space<vmem>>, vector<1x16xf32>,
      %swap3A_97 = vector.shape_cast %swap3A_96 : vector<1x16xf32> to vector<16xf32>
      %swap3A_98 = vector.shape_cast %broadcast_in_dim3A_3 : vector<16xf32> to vector<1x16xf32>
      tpu.vector_store %arg9[%swap3A_94, %swap3A_95], %swap3A_98 {strides = array<i32>} : memref<128x128xf32, #tpu.memory_space<vmem>>, vector<1x16xf32>,
      %swap3A_99 = arith.index_cast %scan3A_73 : i32 to index
      %swap3A_100 = arith.constant 80 : index
      %swap3A_101 = tpu.vector_load %arg9[%swap3A_99, %swap3A_100] {strides = array<i32>} : memref<128x128xf32, #tpu.memory_space<vmem>>, vector<1x16xf32>,
      %swap3A_102 = vector.shape_cast %swap3A_101 : vector<1x16xf32> to vector<16xf32>
      %swap3A_103 = vector.shape_cast %broadcast_in_dim3A_3 : vector<16xf32> to vector<1x16xf32>
      tpu.vector_store %arg9[%swap3A_99, %swap3A_100], %swap3A_103 {strides = array<i32>} : memref<128x128xf32, #tpu.memory_space<vmem>>, vector<1x16xf32>,
      %swap3A_104 = arith.index_cast %scan3A_73 : i32 to index
      %swap3A_105 = arith.constant 96 : index
      %swap3A_106 = tpu.vector_load %arg9[%swap3A_104, %swap3A_105] {strides = array<i32>} : memref<128x128xf32, #tpu.memory_space<vmem>>, vector<1x16xf32>,
      %swap3A_107 = vector.shape_cast %swap3A_106 : vector<1x16xf32> to vector<16xf32>
      %swap3A_108 = vector.shape_cast %broadcast_in_dim3A_3 : vector<16xf32> to vector<1x16xf32>
      tpu.vector_store %arg9[%swap3A_104, %swap3A_105], %swap3A_108 {strides = array<i32>} : memref<128x128xf32, #tpu.memory_space<vmem>>, vector<1x16xf32>,
      %swap3A_109 = arith.index_cast %scan3A_73 : i32 to index
      %swap3A_110 = arith.constant 112 : index
      %swap3A_111 = tpu.vector_load %arg9[%swap3A_109, %swap3A_110] {strides = array<i32>} : memref<128x128xf32, #tpu.memory_space<vmem>>, vector<1x16xf32>,
      %swap3A_112 = vector.shape_cast %swap3A_111 : vector<1x16xf32> to vector<16xf32>
      %swap3A_113 = vector.shape_cast %broadcast_in_dim3A_3 : vector<16xf32> to vector<1x16xf32>
      tpu.vector_store %arg9[%swap3A_109, %swap3A_110], %swap3A_113 {strides = array<i32>} : memref<128x128xf32, #tpu.memory_space<vmem>>, vector<1x16xf32>,
      %scan3A_114 = arith.constant 0 : i32
      scf.yield %scan3A_114 : i32
    }
    %scan3A_9 = arith.constant 128 : i32
    %mul3A_10 = arith.constant 640 : i32
    %mul3A_11 = arith.muli %arg1, %mul3A_10 : i32
    %add3A_12 = arith.constant 0 : i32
    %add3A_13 = arith.addi %mul3A_11, %add3A_12 : i32
    "tpu.region"() ({
      %run_scoped3A_73 = tpu.sem_alloc : memref<!tpu.dma_semaphore, #tpu.memory_space<semaphore_mem>>
      %dma_start3A_74 = arith.constant 0 : i32
      %dma_start3A_75 = tpu.memref_slice %arg11[%add3A_13, %dma_start3A_74] : memref<10240x128xf32, #tpu.memory_space<vmem_shared>> -> memref<128x128xf32, #tpu.memory_space<vmem_shared>>
      %dma_start3A_76 = arith.constant 0 : i32
      %dma_start3A_77 = tpu.memref_slice %arg11[%add3A_13, %dma_start3A_76] : memref<10240x128xf32, #tpu.memory_space<vmem_shared>> -> memref<128x128xf32, #tpu.memory_space<vmem_shared>>
      tpu.enqueue_dma source(%arg9 : memref<128x128xf32, #tpu.memory_space<vmem>>) target(%dma_start3A_77 : memref<128x128xf32, #tpu.memory_space<vmem_shared>>) target_semaphore(%run_scoped3A_73 : memref<!tpu.dma_semaphore, #tpu.memory_space<semaphore_mem>>)
      %dma_wait3A_78 = arith.constant 0 : i32
      %dma_wait3A_79 = tpu.memref_slice %arg11[%add3A_13, %dma_wait3A_78] : memref<10240x128xf32, #tpu.memory_space<vmem_shared>> -> memref<128x128xf32, #tpu.memory_space<vmem_shared>>
      %dma_wait3A_80 = arith.constant 0 : i32
      %dma_wait3A_81 = tpu.memref_slice %arg11[%add3A_13, %dma_wait3A_80] : memref<10240x128xf32, #tpu.memory_space<vmem_shared>> -> memref<128x128xf32, #tpu.memory_space<vmem_shared>>
      tpu.wait_dma2 semaphore(%run_scoped3A_73 : memref<!tpu.dma_semaphore, #tpu.memory_space<semaphore_mem>>) src(%arg9 : memref<128x128xf32, #tpu.memory_space<vmem>>) dst(%dma_wait3A_81 : memref<128x128xf32, #tpu.memory_space<vmem_shared>>)
      tpu.yield
    }) : () -> ()
    %mul3A_14 = arith.constant 640 : i32
    %mul3A_15 = arith.muli %arg1, %mul3A_14 : i32
    %add3A_16 = arith.constant 128 : i32
    %add3A_17 = arith.addi %mul3A_15, %add3A_16 : i32
    "tpu.region"() ({
      %run_scoped3A_73 = tpu.sem_alloc : memref<!tpu.dma_semaphore, #tpu.memory_space<semaphore_mem>>
      %dma_start3A_74 = arith.constant 0 : i32
      %dma_start3A_75 = tpu.memref_slice %arg11[%add3A_17, %dma_start3A_74] : memref<10240x128xf32, #tpu.memory_space<vmem_shared>> -> memref<128x128xf32, #tpu.memory_space<vmem_shared>>
      %dma_start3A_76 = arith.constant 0 : i32
      %dma_start3A_77 = tpu.memref_slice %arg11[%add3A_17, %dma_start3A_76] : memref<10240x128xf32, #tpu.memory_space<vmem_shared>> -> memref<128x128xf32, #tpu.memory_space<vmem_shared>>
      tpu.enqueue_dma source(%arg9 : memref<128x128xf32, #tpu.memory_space<vmem>>) target(%dma_start3A_77 : memref<128x128xf32, #tpu.memory_space<vmem_shared>>) target_semaphore(%run_scoped3A_73 : memref<!tpu.dma_semaphore, #tpu.memory_space<semaphore_mem>>)
      %dma_wait3A_78 = arith.constant 0 : i32
      %dma_wait3A_79 = tpu.memref_slice %arg11[%add3A_17, %dma_wait3A_78] : memref<10240x128xf32, #tpu.memory_space<vmem_shared>> -> memref<128x128xf32, #tpu.memory_space<vmem_shared>>
      %dma_wait3A_80 = arith.constant 0 : i32
      %dma_wait3A_81 = tpu.memref_slice %arg11[%add3A_17, %dma_wait3A_80] : memref<10240x128xf32, #tpu.memory_space<vmem_shared>> -> memref<128x128xf32, #tpu.memory_space<vmem_shared>>
      tpu.wait_dma2 semaphore(%run_scoped3A_73 : memref<!tpu.dma_semaphore, #tpu.memory_space<semaphore_mem>>) src(%arg9 : memref<128x128xf32, #tpu.memory_space<vmem>>) dst(%dma_wait3A_81 : memref<128x128xf32, #tpu.memory_space<vmem_shared>>)
      tpu.yield
    }) : () -> ()
    %mul3A_18 = arith.constant 640 : i32
    %mul3A_19 = arith.muli %arg1, %mul3A_18 : i32
    %add3A_20 = arith.constant 256 : i32
    %add3A_21 = arith.addi %mul3A_19, %add3A_20 : i32
    "tpu.region"() ({
      %run_scoped3A_73 = tpu.sem_alloc : memref<!tpu.dma_semaphore, #tpu.memory_space<semaphore_mem>>
      %dma_start3A_74 = arith.constant 0 : i32
      %dma_start3A_75 = tpu.memref_slice %arg11[%add3A_21, %dma_start3A_74] : memref<10240x128xf32, #tpu.memory_space<vmem_shared>> -> memref<128x128xf32, #tpu.memory_space<vmem_shared>>
      %dma_start3A_76 = arith.constant 0 : i32
      %dma_start3A_77 = tpu.memref_slice %arg11[%add3A_21, %dma_start3A_76] : memref<10240x128xf32, #tpu.memory_space<vmem_shared>> -> memref<128x128xf32, #tpu.memory_space<vmem_shared>>
      tpu.enqueue_dma source(%arg9 : memref<128x128xf32, #tpu.memory_space<vmem>>) target(%dma_start3A_77 : memref<128x128xf32, #tpu.memory_space<vmem_shared>>) target_semaphore(%run_scoped3A_73 : memref<!tpu.dma_semaphore, #tpu.memory_space<semaphore_mem>>)
      %dma_wait3A_78 = arith.constant 0 : i32
      %dma_wait3A_79 = tpu.memref_slice %arg11[%add3A_21, %dma_wait3A_78] : memref<10240x128xf32, #tpu.memory_space<vmem_shared>> -> memref<128x128xf32, #tpu.memory_space<vmem_shared>>
      %dma_wait3A_80 = arith.constant 0 : i32
      %dma_wait3A_81 = tpu.memref_slice %arg11[%add3A_21, %dma_wait3A_80] : memref<10240x128xf32, #tpu.memory_space<vmem_shared>> -> memref<128x128xf32, #tpu.memory_space<vmem_shared>>
      tpu.wait_dma2 semaphore(%run_scoped3A_73 : memref<!tpu.dma_semaphore, #tpu.memory_space<semaphore_mem>>) src(%arg9 : memref<128x128xf32, #tpu.memory_space<vmem>>) dst(%dma_wait3A_81 : memref<128x128xf32, #tpu.memory_space<vmem_shared>>)
      tpu.yield
    }) : () -> ()
    %mul3A_22 = arith.constant 640 : i32
    %mul3A_23 = arith.muli %arg1, %mul3A_22 : i32
    %add3A_24 = arith.constant 384 : i32
    %add3A_25 = arith.addi %mul3A_23, %add3A_24 : i32
    "tpu.region"() ({
      %run_scoped3A_73 = tpu.sem_alloc : memref<!tpu.dma_semaphore, #tpu.memory_space<semaphore_mem>>
      %dma_start3A_74 = arith.constant 0 : i32
      %dma_start3A_75 = tpu.memref_slice %arg11[%add3A_25, %dma_start3A_74] : memref<10240x128xf32, #tpu.memory_space<vmem_shared>> -> memref<128x128xf32, #tpu.memory_space<vmem_shared>>
      %dma_start3A_76 = arith.constant 0 : i32
      %dma_start3A_77 = tpu.memref_slice %arg11[%add3A_25, %dma_start3A_76] : memref<10240x128xf32, #tpu.memory_space<vmem_shared>> -> memref<128x128xf32, #tpu.memory_space<vmem_shared>>
      tpu.enqueue_dma source(%arg9 : memref<128x128xf32, #tpu.memory_space<vmem>>) target(%dma_start3A_77 : memref<128x128xf32, #tpu.memory_space<vmem_shared>>) target_semaphore(%run_scoped3A_73 : memref<!tpu.dma_semaphore, #tpu.memory_space<semaphore_mem>>)
      %dma_wait3A_78 = arith.constant 0 : i32
      %dma_wait3A_79 = tpu.memref_slice %arg11[%add3A_25, %dma_wait3A_78] : memref<10240x128xf32, #tpu.memory_space<vmem_shared>> -> memref<128x128xf32, #tpu.memory_space<vmem_shared>>
      %dma_wait3A_80 = arith.constant 0 : i32
      %dma_wait3A_81 = tpu.memref_slice %arg11[%add3A_25, %dma_wait3A_80] : memref<10240x128xf32, #tpu.memory_space<vmem_shared>> -> memref<128x128xf32, #tpu.memory_space<vmem_shared>>
      tpu.wait_dma2 semaphore(%run_scoped3A_73 : memref<!tpu.dma_semaphore, #tpu.memory_space<semaphore_mem>>) src(%arg9 : memref<128x128xf32, #tpu.memory_space<vmem>>) dst(%dma_wait3A_81 : memref<128x128xf32, #tpu.memory_space<vmem_shared>>)
      tpu.yield
    }) : () -> ()
    %mul3A_26 = arith.constant 640 : i32
    %mul3A_27 = arith.muli %arg1, %mul3A_26 : i32
    %add3A_28 = arith.constant 512 : i32
    %add3A_29 = arith.addi %mul3A_27, %add3A_28 : i32
    "tpu.region"() ({
      %run_scoped3A_73 = tpu.sem_alloc : memref<!tpu.dma_semaphore, #tpu.memory_space<semaphore_mem>>
      %dma_start3A_74 = arith.constant 0 : i32
      %dma_start3A_75 = tpu.memref_slice %arg11[%add3A_29, %dma_start3A_74] : memref<10240x128xf32, #tpu.memory_space<vmem_shared>> -> memref<128x128xf32, #tpu.memory_space<vmem_shared>>
      %dma_start3A_76 = arith.constant 0 : i32
      %dma_start3A_77 = tpu.memref_slice %arg11[%add3A_29, %dma_start3A_76] : memref<10240x128xf32, #tpu.memory_space<vmem_shared>> -> memref<128x128xf32, #tpu.memory_space<vmem_shared>>
      tpu.enqueue_dma source(%arg9 : memref<128x128xf32, #tpu.memory_space<vmem>>) target(%dma_start3A_77 : memref<128x128xf32, #tpu.memory_space<vmem_shared>>) target_semaphore(%run_scoped3A_73 : memref<!tpu.dma_semaphore, #tpu.memory_space<semaphore_mem>>)
      %dma_wait3A_78 = arith.constant 0 : i32
      %dma_wait3A_79 = tpu.memref_slice %arg11[%add3A_29, %dma_wait3A_78] : memref<10240x128xf32, #tpu.memory_space<vmem_shared>> -> memref<128x128xf32, #tpu.memory_space<vmem_shared>>
      %dma_wait3A_80 = arith.constant 0 : i32
      %dma_wait3A_81 = tpu.memref_slice %arg11[%add3A_29, %dma_wait3A_80] : memref<10240x128xf32, #tpu.memory_space<vmem_shared>> -> memref<128x128xf32, #tpu.memory_space<vmem_shared>>
      tpu.wait_dma2 semaphore(%run_scoped3A_73 : memref<!tpu.dma_semaphore, #tpu.memory_space<semaphore_mem>>) src(%arg9 : memref<128x128xf32, #tpu.memory_space<vmem>>) dst(%dma_wait3A_81 : memref<128x128xf32, #tpu.memory_space<vmem_shared>>)
      tpu.yield
    }) : () -> ()
    %barrier3A = arith.constant 0 : index
    tpu.barrier barrier_id(%barrier3A)
    %dma_start3A = arith.constant 0 : i32
    %dma_start3A_30 = tpu.memref_slice %arg5[%dma_start3A] : memref<10000xi32, #tpu.memory_space<vmem>> -> memref<128xi32, #tpu.memory_space<vmem>>
    %dma_start3A_31 = arith.constant 0 : i32
    %dma_start3A_32 = arith.constant 0 : i32
    %dma_start3A_33 = tpu.memref_slice %arg2[%dma_start3A_31, %dma_start3A_32] : memref<10240x128xf32, #tpu.memory_space<hbm>> -> memref<10240x128xf32, #tpu.memory_space<hbm>>
    tpu.enqueue_indirect_dma source(%dma_start3A_33 : memref<10240x128xf32, #tpu.memory_space<hbm>>) target(%arg9 : memref<128x128xf32, #tpu.memory_space<vmem>>) offsets(%dma_start3A_30 : memref<128xi32, #tpu.memory_space<vmem>>) semaphore(%arg12 : memref<!tpu.dma_semaphore, #tpu.memory_space<semaphore_mem>>)
    %add3A_34 = arith.constant 0 : i32
    %add3A_35 = arith.addi %mul3A_2, %add3A_34 : i32
    %dma_start3A_36 = arith.constant 1 : i32
    %dma_start3A_37 = tpu.memref_slice %arg3[%dma_start3A_36, %add3A_35] : memref<2x320000xi32, #tpu.memory_space<hbm>> -> memref<1x128xi32, #tpu.memory_space<hbm>>
    %dma_start3A_38 = tpu.memref_squeeze %dma_start3A_37 : memref<1x128xi32, #tpu.memory_space<hbm>> -> memref<128xi32, #tpu.memory_space<hbm>>
    %dma_start3A_39 = tpu.memref_slice %arg3[%dma_start3A_36, %add3A_35] : memref<2x320000xi32, #tpu.memory_space<hbm>> -> memref<1x128xi32, #tpu.memory_space<hbm>>
    %dma_start3A_40 = tpu.memref_squeeze %dma_start3A_39 : memref<1x128xi32, #tpu.memory_space<hbm>> -> memref<128xi32, #tpu.memory_space<hbm>>
    tpu.enqueue_dma source(%dma_start3A_40 : memref<128xi32, #tpu.memory_space<hbm>>) target(%arg6 : memref<128xi32, #tpu.memory_space<vmem>>) target_semaphore(%arg14 : memref<!tpu.dma_semaphore, #tpu.memory_space<semaphore_mem>>)
    %scan3A_41 = arith.constant 0 : i32
    %scan3A_42 = arith.constant 0 : i32
    %scan3A_43 = arith.constant 39 : i32
    %scan3A_44 = arith.addi %scan3A_42, %scan3A_43 : i32
    %scan3A_45 = arith.constant 1 : i32
    %scan3A_46 = scf.for %scan3A_73 = %scan3A_42 to %scan3A_44 step %scan3A_45 iter_args(%scan3A_74 = %scan3A_41) -> (i32)  : i32 {
      %mul3A_75 = arith.constant 2 : i32
      %mul3A_76 = arith.muli %mul3A_75, %scan3A_73 : i32
      %add3A_77 = arith.constant 1 : i32
      %add3A_78 = arith.addi %mul3A_76, %add3A_77 : i32
      %mul3A_79 = arith.constant 128 : i32
      %mul3A_80 = arith.muli %add3A_78, %mul3A_79 : i32
      %dma_start3A_81 = tpu.memref_slice %arg5[%mul3A_80] : memref<10000xi32, #tpu.memory_space<vmem>> -> memref<128xi32, #tpu.memory_space<vmem>>
      %dma_start3A_82 = arith.constant 0 : i32
      %dma_start3A_83 = arith.constant 0 : i32
      %dma_start3A_84 = tpu.memref_slice %arg2[%dma_start3A_82, %dma_start3A_83] : memref<10240x128xf32, #tpu.memory_space<hbm>> -> memref<10240x128xf32, #tpu.memory_space<hbm>>
      tpu.enqueue_indirect_dma source(%dma_start3A_84 : memref<10240x128xf32, #tpu.memory_space<hbm>>) target(%arg10 : memref<128x128xf32, #tpu.memory_space<vmem>>) offsets(%dma_start3A_81 : memref<128xi32, #tpu.memory_space<vmem>>) semaphore(%arg13 : memref<!tpu.dma_semaphore, #tpu.memory_space<semaphore_mem>>)
      %mul3A_85 = arith.constant 128 : i32
      %mul3A_86 = arith.muli %add3A_78, %mul3A_85 : i32
      %add3A_87 = arith.addi %mul3A_2, %mul3A_86 : i32
      %dma_start3A_88 = arith.constant 1 : i32
      %dma_start3A_89 = tpu.memref_slice %arg3[%dma_start3A_88, %add3A_87] : memref<2x320000xi32, #tpu.memory_space<hbm>> -> memref<1x128xi32, #tpu.memory_space<hbm>>
      %dma_start3A_90 = tpu.memref_squeeze %dma_start3A_89 : memref<1x128xi32, #tpu.memory_space<hbm>> -> memref<128xi32, #tpu.memory_space<hbm>>
      %dma_start3A_91 = tpu.memref_slice %arg3[%dma_start3A_88, %add3A_87] : memref<2x320000xi32, #tpu.memory_space<hbm>> -> memref<1x128xi32, #tpu.memory_space<hbm>>
      %dma_start3A_92 = tpu.memref_squeeze %dma_start3A_91 : memref<1x128xi32, #tpu.memory_space<hbm>> -> memref<128xi32, #tpu.memory_space<hbm>>
      tpu.enqueue_dma source(%dma_start3A_92 : memref<128xi32, #tpu.memory_space<hbm>>) target(%arg7 : memref<128xi32, #tpu.memory_space<vmem>>) target_semaphore(%arg15 : memref<!tpu.dma_semaphore, #tpu.memory_space<semaphore_mem>>)
      %dma_wait3A_93 = arith.constant 0 : i32
      %dma_wait3A_94 = arith.constant 0 : i32
      %dma_wait3A_95 = tpu.memref_slice %arg2[%dma_wait3A_93, %dma_wait3A_94] : memref<10240x128xf32, #tpu.memory_space<hbm>> -> memref<128x128xf32, #tpu.memory_space<hbm>>
      %dma_wait3A_96 = arith.constant 0 : i32
      %dma_wait3A_97 = arith.constant 0 : i32
      %dma_wait3A_98 = tpu.memref_slice %arg2[%dma_wait3A_96, %dma_wait3A_97] : memref<10240x128xf32, #tpu.memory_space<hbm>> -> memref<128x128xf32, #tpu.memory_space<hbm>>
      tpu.wait_dma2 semaphore(%arg12 : memref<!tpu.dma_semaphore, #tpu.memory_space<semaphore_mem>>) src(%dma_wait3A_98 : memref<128x128xf32, #tpu.memory_space<hbm>>) dst(%arg9 : memref<128x128xf32, #tpu.memory_space<vmem>>)
      %dma_wait3A_99 = arith.constant 1 : i32
      %dma_wait3A_100 = tpu.memref_slice %arg3[%dma_wait3A_99, %mul3A_2] : memref<2x320000xi32, #tpu.memory_space<hbm>> -> memref<1x128xi32, #tpu.memory_space<hbm>>
      %dma_wait3A_101 = tpu.memref_squeeze %dma_wait3A_100 : memref<1x128xi32, #tpu.memory_space<hbm>> -> memref<128xi32, #tpu.memory_space<hbm>>
      %dma_wait3A_102 = tpu.memref_slice %arg3[%dma_wait3A_99, %mul3A_2] : memref<2x320000xi32, #tpu.memory_space<hbm>> -> memref<1x128xi32, #tpu.memory_space<hbm>>
      %dma_wait3A_103 = tpu.memref_squeeze %dma_wait3A_102 : memref<1x128xi32, #tpu.memory_space<hbm>> -> memref<128xi32, #tpu.memory_space<hbm>>
      tpu.wait_dma2 semaphore(%arg14 : memref<!tpu.dma_semaphore, #tpu.memory_space<semaphore_mem>>) src(%dma_wait3A_103 : memref<128xi32, #tpu.memory_space<hbm>>) dst(%arg6 : memref<128xi32, #tpu.memory_space<vmem>>)
      "tpu.region"() ({
        %run_scoped3A_120 = tpu.sem_alloc : memref<!tpu.dma_semaphore, #tpu.memory_space<semaphore_mem>>
        %dma_start3A_121 = arith.constant 0 : i32
        %dma_start3A_122 = arith.constant 0 : i32
        %dma_start3A_123 = tpu.memref_slice %arg11[%dma_start3A_121, %dma_start3A_122] : memref<10240x128xf32, #tpu.memory_space<vmem_shared>> -> memref<10240x128xf32, #tpu.memory_space<vmem_shared>>
        tpu.enqueue_indirect_dma source(%arg9 : memref<128x128xf32, #tpu.memory_space<vmem>>) target(%dma_start3A_123 : memref<10240x128xf32, #tpu.memory_space<vmem_shared>>) offsets(%arg6 : memref<128xi32, #tpu.memory_space<vmem>>) semaphore(%run_scoped3A_120 : memref<!tpu.dma_semaphore, #tpu.memory_space<semaphore_mem>>) {add = true}
        %dma_wait3A_124 = arith.constant 0 : i32
        %dma_wait3A_125 = arith.constant 0 : i32
        %dma_wait3A_126 = tpu.memref_slice %arg11[%dma_wait3A_124, %dma_wait3A_125] : memref<10240x128xf32, #tpu.memory_space<vmem_shared>> -> memref<10240x128xf32, #tpu.memory_space<vmem_shared>>
        tpu.wait_indirect_dma semaphore(%run_scoped3A_120 : memref<!tpu.dma_semaphore, #tpu.memory_space<semaphore_mem>>) src(%arg9 : memref<128x128xf32, #tpu.memory_space<vmem>>) dst(%dma_wait3A_126 : memref<10240x128xf32, #tpu.memory_space<vmem_shared>>)
        tpu.yield
      }) : () -> ()
      %add3A_104 = arith.constant 2 : i32
      %add3A_105 = arith.addi %mul3A_76, %add3A_104 : i32
      %lt3A = arith.constant 78 : i32
      %lt3A_106 = arith.cmpi slt, %add3A_105, %lt3A : i32
      %convert_element_type3A = arith.extui %lt3A_106 : i1 to i32
      %cond3A = arith.constant 0 : i32
      %cond3A_107 = arith.cmpi ne, %convert_element_type3A, %cond3A : i32
      scf.if %cond3A_107 {
        %add3A_120 = arith.constant 2 : i32
        %add3A_121 = arith.addi %mul3A_76, %add3A_120 : i32
        %mul3A_122 = arith.constant 128 : i32
        %mul3A_123 = arith.muli %add3A_121, %mul3A_122 : i32
        %dma_start3A_124 = tpu.memref_slice %arg5[%mul3A_123] : memref<10000xi32, #tpu.memory_space<vmem>> -> memref<128xi32, #tpu.memory_space<vmem>>
        %dma_start3A_125 = arith.constant 0 : i32
        %dma_start3A_126 = arith.constant 0 : i32
        %dma_start3A_127 = tpu.memref_slice %arg2[%dma_start3A_125, %dma_start3A_126] : memref<10240x128xf32, #tpu.memory_space<hbm>> -> memref<10240x128xf32, #tpu.memory_space<hbm>>
        tpu.enqueue_indirect_dma source(%dma_start3A_127 : memref<10240x128xf32, #tpu.memory_space<hbm>>) target(%arg9 : memref<128x128xf32, #tpu.memory_space<vmem>>) offsets(%dma_start3A_124 : memref<128xi32, #tpu.memory_space<vmem>>) semaphore(%arg12 : memref<!tpu.dma_semaphore, #tpu.memory_space<semaphore_mem>>)
        %mul3A_128 = arith.constant 128 : i32
        %mul3A_129 = arith.muli %add3A_121, %mul3A_128 : i32
        %add3A_130 = arith.addi %mul3A_2, %mul3A_129 : i32
        %dma_start3A_131 = arith.constant 1 : i32
        %dma_start3A_132 = tpu.memref_slice %arg3[%dma_start3A_131, %add3A_130] : memref<2x320000xi32, #tpu.memory_space<hbm>> -> memref<1x128xi32, #tpu.memory_space<hbm>>
        %dma_start3A_133 = tpu.memref_squeeze %dma_start3A_132 : memref<1x128xi32, #tpu.memory_space<hbm>> -> memref<128xi32, #tpu.memory_space<hbm>>
        %dma_start3A_134 = tpu.memref_slice %arg3[%dma_start3A_131, %add3A_130] : memref<2x320000xi32, #tpu.memory_space<hbm>> -> memref<1x128xi32, #tpu.memory_space<hbm>>
        %dma_start3A_135 = tpu.memref_squeeze %dma_start3A_134 : memref<1x128xi32, #tpu.memory_space<hbm>> -> memref<128xi32, #tpu.memory_space<hbm>>
        tpu.enqueue_dma source(%dma_start3A_135 : memref<128xi32, #tpu.memory_space<hbm>>) target(%arg6 : memref<128xi32, #tpu.memory_space<vmem>>) target_semaphore(%arg14 : memref<!tpu.dma_semaphore, #tpu.memory_space<semaphore_mem>>)
      } else {
      }
      %dma_wait3A_108 = arith.constant 0 : i32
      %dma_wait3A_109 = arith.constant 0 : i32
      %dma_wait3A_110 = tpu.memref_slice %arg2[%dma_wait3A_108, %dma_wait3A_109] : memref<10240x128xf32, #tpu.memory_space<hbm>> -> memref<128x128xf32, #tpu.memory_space<hbm>>
      %dma_wait3A_111 = arith.constant 0 : i32
      %dma_wait3A_112 = arith.constant 0 : i32
      %dma_wait3A_113 = tpu.memref_slice %arg2[%dma_wait3A_111, %dma_wait3A_112] : memref<10240x128xf32, #tpu.memory_space<hbm>> -> memref<128x128xf32, #tpu.memory_space<hbm>>
      tpu.wait_dma2 semaphore(%arg13 : memref<!tpu.dma_semaphore, #tpu.memory_space<semaphore_mem>>) src(%dma_wait3A_113 : memref<128x128xf32, #tpu.memory_space<hbm>>) dst(%arg10 : memref<128x128xf32, #tpu.memory_space<vmem>>)
      %dma_wait3A_114 = arith.constant 1 : i32
      %dma_wait3A_115 = tpu.memref_slice %arg3[%dma_wait3A_114, %mul3A_2] : memref<2x320000xi32, #tpu.memory_space<hbm>> -> memref<1x128xi32, #tpu.memory_space<hbm>>
      %dma_wait3A_116 = tpu.memref_squeeze %dma_wait3A_115 : memref<1x128xi32, #tpu.memory_space<hbm>> -> memref<128xi32, #tpu.memory_space<hbm>>
      %dma_wait3A_117 = tpu.memref_slice %arg3[%dma_wait3A_114, %mul3A_2] : memref<2x320000xi32, #tpu.memory_space<hbm>> -> memref<1x128xi32, #tpu.memory_space<hbm>>
      %dma_wait3A_118 = tpu.memref_squeeze %dma_wait3A_117 : memref<1x128xi32, #tpu.memory_space<hbm>> -> memref<128xi32, #tpu.memory_space<hbm>>
      tpu.wait_dma2 semaphore(%arg15 : memref<!tpu.dma_semaphore, #tpu.memory_space<semaphore_mem>>) src(%dma_wait3A_118 : memref<128xi32, #tpu.memory_space<hbm>>) dst(%arg7 : memref<128xi32, #tpu.memory_space<vmem>>)
      "tpu.region"() ({
        %run_scoped3A_120 = tpu.sem_alloc : memref<!tpu.dma_semaphore, #tpu.memory_space<semaphore_mem>>
        %dma_start3A_121 = arith.constant 0 : i32
        %dma_start3A_122 = arith.constant 0 : i32
        %dma_start3A_123 = tpu.memref_slice %arg11[%dma_start3A_121, %dma_start3A_122] : memref<10240x128xf32, #tpu.memory_space<vmem_shared>> -> memref<10240x128xf32, #tpu.memory_space<vmem_shared>>
        tpu.enqueue_indirect_dma source(%arg10 : memref<128x128xf32, #tpu.memory_space<vmem>>) target(%dma_start3A_123 : memref<10240x128xf32, #tpu.memory_space<vmem_shared>>) offsets(%arg7 : memref<128xi32, #tpu.memory_space<vmem>>) semaphore(%run_scoped3A_120 : memref<!tpu.dma_semaphore, #tpu.memory_space<semaphore_mem>>) {add = true}
        %dma_wait3A_124 = arith.constant 0 : i32
        %dma_wait3A_125 = arith.constant 0 : i32
        %dma_wait3A_126 = tpu.memref_slice %arg11[%dma_wait3A_124, %dma_wait3A_125] : memref<10240x128xf32, #tpu.memory_space<vmem_shared>> -> memref<10240x128xf32, #tpu.memory_space<vmem_shared>>
        tpu.wait_indirect_dma semaphore(%run_scoped3A_120 : memref<!tpu.dma_semaphore, #tpu.memory_space<semaphore_mem>>) src(%arg10 : memref<128x128xf32, #tpu.memory_space<vmem>>) dst(%dma_wait3A_126 : memref<10240x128xf32, #tpu.memory_space<vmem_shared>>)
        tpu.yield
      }) : () -> ()
      %scan3A_119 = arith.constant 0 : i32
      scf.yield %scan3A_119 : i32
    }
    %scan3A_47 = arith.constant 39 : i32
    %add3A_48 = arith.constant 9984 : i32
    %add3A_49 = arith.addi %mul3A_2, %add3A_48 : i32
    %run_scoped3A_50 = arith.constant 1 : i32
    "tpu.region"() ({
      %run_scoped3A_73 = tpu.sem_alloc : memref<!tpu.dma_semaphore, #tpu.memory_space<semaphore_mem>>
      %dma_start3A_74 = tpu.memref_slice %arg3[%run_scoped3A_50, %add3A_49] : memref<2x320000xi32, #tpu.memory_space<hbm>> -> memref<1x16xi32, #tpu.memory_space<hbm>>
      %dma_start3A_75 = tpu.memref_squeeze %dma_start3A_74 : memref<1x16xi32, #tpu.memory_space<hbm>> -> memref<16xi32, #tpu.memory_space<hbm>>
      %dma_start3A_76 = tpu.memref_slice %arg3[%run_scoped3A_50, %add3A_49] : memref<2x320000xi32, #tpu.memory_space<hbm>> -> memref<1x16xi32, #tpu.memory_space<hbm>>
      %dma_start3A_77 = tpu.memref_squeeze %dma_start3A_76 : memref<1x16xi32, #tpu.memory_space<hbm>> -> memref<16xi32, #tpu.memory_space<hbm>>
      tpu.enqueue_dma source(%dma_start3A_77 : memref<16xi32, #tpu.memory_space<hbm>>) target(%arg8 : memref<16xi32, #tpu.memory_space<vmem>>) target_semaphore(%run_scoped3A_73 : memref<!tpu.dma_semaphore, #tpu.memory_space<semaphore_mem>>)
      %dma_wait3A_78 = tpu.memref_slice %arg3[%run_scoped3A_50, %add3A_49] : memref<2x320000xi32, #tpu.memory_space<hbm>> -> memref<1x16xi32, #tpu.memory_space<hbm>>
      %dma_wait3A_79 = tpu.memref_squeeze %dma_wait3A_78 : memref<1x16xi32, #tpu.memory_space<hbm>> -> memref<16xi32, #tpu.memory_space<hbm>>
      %dma_wait3A_80 = tpu.memref_slice %arg3[%run_scoped3A_50, %add3A_49] : memref<2x320000xi32, #tpu.memory_space<hbm>> -> memref<1x16xi32, #tpu.memory_space<hbm>>
      %dma_wait3A_81 = tpu.memref_squeeze %dma_wait3A_80 : memref<1x16xi32, #tpu.memory_space<hbm>> -> memref<16xi32, #tpu.memory_space<hbm>>
      tpu.wait_dma2 semaphore(%run_scoped3A_73 : memref<!tpu.dma_semaphore, #tpu.memory_space<semaphore_mem>>) src(%dma_wait3A_81 : memref<16xi32, #tpu.memory_space<hbm>>) dst(%arg8 : memref<16xi32, #tpu.memory_space<vmem>>)
      tpu.yield
    }) : () -> ()
    %dma_start3A_51 = arith.constant 0 : i32
    %dma_start3A_52 = arith.constant 0 : i32
    %dma_start3A_53 = tpu.memref_slice %arg9[%dma_start3A_51, %dma_start3A_52] : memref<128x128xf32, #tpu.memory_space<vmem>> -> memref<16x128xf32, #tpu.memory_space<vmem>>
    %dma_start3A_54 = arith.constant 9984 : i32
    %dma_start3A_55 = tpu.memref_slice %arg5[%dma_start3A_54] : memref<10000xi32, #tpu.memory_space<vmem>> -> memref<16xi32, #tpu.memory_space<vmem>>
    %dma_start3A_56 = arith.constant 0 : i32
    %dma_start3A_57 = arith.constant 0 : i32
    %dma_start3A_58 = tpu.memref_slice %arg2[%dma_start3A_56, %dma_start3A_57] : memref<10240x128xf32, #tpu.memory_space<hbm>> -> memref<10240x128xf32, #tpu.memory_space<hbm>>
    tpu.enqueue_indirect_dma source(%dma_start3A_58 : memref<10240x128xf32, #tpu.memory_space<hbm>>) target(%dma_start3A_53 : memref<16x128xf32, #tpu.memory_space<vmem>>) offsets(%dma_start3A_55 : memref<16xi32, #tpu.memory_space<vmem>>) semaphore(%arg12 : memref<!tpu.dma_semaphore, #tpu.memory_space<semaphore_mem>>)
    %dma_wait3A = arith.constant 0 : i32
    %dma_wait3A_59 = arith.constant 0 : i32
    %dma_wait3A_60 = tpu.memref_slice %arg9[%dma_wait3A, %dma_wait3A_59] : memref<128x128xf32, #tpu.memory_space<vmem>> -> memref<16x128xf32, #tpu.memory_space<vmem>>
    %dma_wait3A_61 = arith.constant 0 : i32
    %dma_wait3A_62 = arith.constant 0 : i32
    %dma_wait3A_63 = tpu.memref_slice %arg2[%dma_wait3A_61, %dma_wait3A_62] : memref<10240x128xf32, #tpu.memory_space<hbm>> -> memref<16x128xf32, #tpu.memory_space<hbm>>
    %dma_wait3A_64 = arith.constant 0 : i32
    %dma_wait3A_65 = arith.constant 0 : i32
    %dma_wait3A_66 = tpu.memref_slice %arg9[%dma_wait3A_64, %dma_wait3A_65] : memref<128x128xf32, #tpu.memory_space<vmem>> -> memref<16x128xf32, #tpu.memory_space<vmem>>
    %dma_wait3A_67 = arith.constant 0 : i32
    %dma_wait3A_68 = arith.constant 0 : i32
    %dma_wait3A_69 = tpu.memref_slice %arg2[%dma_wait3A_67, %dma_wait3A_68] : memref<10240x128xf32, #tpu.memory_space<hbm>> -> memref<16x128xf32, #tpu.memory_space<hbm>>
    tpu.wait_dma2 semaphore(%arg12 : memref<!tpu.dma_semaphore, #tpu.memory_space<semaphore_mem>>) src(%dma_wait3A_69 : memref<16x128xf32, #tpu.memory_space<hbm>>) dst(%dma_wait3A_66 : memref<16x128xf32, #tpu.memory_space<vmem>>)
    "tpu.region"() ({
      %run_scoped3A_73 = tpu.sem_alloc : memref<!tpu.dma_semaphore, #tpu.memory_space<semaphore_mem>>
      %dma_start3A_74 = arith.constant 0 : i32
      %dma_start3A_75 = arith.constant 0 : i32
      %dma_start3A_76 = tpu.memref_slice %arg9[%dma_start3A_74, %dma_start3A_75] : memref<128x128xf32, #tpu.memory_space<vmem>> -> memref<16x128xf32, #tpu.memory_space<vmem>>
      %dma_start3A_77 = arith.constant 0 : i32
      %dma_start3A_78 = arith.constant 0 : i32
      %dma_start3A_79 = tpu.memref_slice %arg11[%dma_start3A_77, %dma_start3A_78] : memref<10240x128xf32, #tpu.memory_space<vmem_shared>> -> memref<10240x128xf32, #tpu.memory_space<vmem_shared>>
      tpu.enqueue_indirect_dma source(%dma_start3A_76 : memref<16x128xf32, #tpu.memory_space<vmem>>) target(%dma_start3A_79 : memref<10240x128xf32, #tpu.memory_space<vmem_shared>>) offsets(%arg8 : memref<16xi32, #tpu.memory_space<vmem>>) semaphore(%run_scoped3A_73 : memref<!tpu.dma_semaphore, #tpu.memory_space<semaphore_mem>>) {add = true}
      %dma_wait3A_80 = arith.constant 0 : i32
      %dma_wait3A_81 = arith.constant 0 : i32
      %dma_wait3A_82 = tpu.memref_slice %arg9[%dma_wait3A_80, %dma_wait3A_81] : memref<128x128xf32, #tpu.memory_space<vmem>> -> memref<16x128xf32, #tpu.memory_space<vmem>>
      %dma_wait3A_83 = arith.constant 0 : i32
      %dma_wait3A_84 = arith.constant 0 : i32
      %dma_wait3A_85 = tpu.memref_slice %arg11[%dma_wait3A_83, %dma_wait3A_84] : memref<10240x128xf32, #tpu.memory_space<vmem_shared>> -> memref<10240x128xf32, #tpu.memory_space<vmem_shared>>
      tpu.wait_indirect_dma semaphore(%run_scoped3A_73 : memref<!tpu.dma_semaphore, #tpu.memory_space<semaphore_mem>>) src(%dma_wait3A_82 : memref<16x128xf32, #tpu.memory_space<vmem>>) dst(%dma_wait3A_85 : memref<10240x128xf32, #tpu.memory_space<vmem_shared>>)
      tpu.yield
    }) : () -> ()
    %barrier3A_70 = arith.constant 0 : index
    tpu.barrier barrier_id(%barrier3A_70)
    %mul3A_71 = arith.constant 640 : i32
    %mul3A_72 = arith.muli %arg1, %mul3A_71 : i32
    "tpu.region"() ({
      %run_scoped3A_73 = tpu.sem_alloc : memref<!tpu.dma_semaphore, #tpu.memory_space<semaphore_mem>>
      %dma_start3A_74 = arith.constant 0 : i32
      %dma_start3A_75 = tpu.memref_slice %arg4[%arg0, %mul3A_72, %dma_start3A_74] : memref<2x10240x128xf32, #tpu.memory_space<hbm>> -> memref<1x640x128xf32, #tpu.memory_space<hbm>>
      %dma_start3A_76 = tpu.memref_squeeze %dma_start3A_75 : memref<1x640x128xf32, #tpu.memory_space<hbm>> -> memref<640x128xf32, #tpu.memory_space<hbm>>
      %dma_start3A_77 = arith.constant 0 : i32
      %dma_start3A_78 = tpu.memref_slice %arg11[%mul3A_72, %dma_start3A_77] : memref<10240x128xf32, #tpu.memory_space<vmem_shared>> -> memref<640x128xf32, #tpu.memory_space<vmem_shared>>
      tpu.enqueue_dma source(%dma_start3A_78 : memref<640x128xf32, #tpu.memory_space<vmem_shared>>) target(%dma_start3A_76 : memref<640x128xf32, #tpu.memory_space<hbm>>) target_semaphore(%run_scoped3A_73 : memref<!tpu.dma_semaphore, #tpu.memory_space<semaphore_mem>>)
      %dma_wait3A_79 = arith.constant 0 : i32
      %dma_wait3A_80 = tpu.memref_slice %arg4[%arg0, %mul3A_72, %dma_wait3A_79] : memref<2x10240x128xf32, #tpu.memory_space<hbm>> -> memref<1x640x128xf32, #tpu.memory_space<hbm>>
      %dma_wait3A_81 = tpu.memref_squeeze %dma_wait3A_80 : memref<1x640x128xf32, #tpu.memory_space<hbm>> -> memref<640x128xf32, #tpu.memory_space<hbm>>
      %dma_wait3A_82 = arith.constant 0 : i32
      %dma_wait3A_83 = tpu.memref_slice %arg11[%mul3A_72, %dma_wait3A_82] : memref<10240x128xf32, #tpu.memory_space<vmem_shared>> -> memref<640x128xf32, #tpu.memory_space<vmem_shared>>
      tpu.wait_dma2 semaphore(%run_scoped3A_73 : memref<!tpu.dma_semaphore, #tpu.memory_space<semaphore_mem>>) src(%dma_wait3A_83 : memref<640x128xf32, #tpu.memory_space<vmem_shared>>) dst(%dma_wait3A_81 : memref<640x128xf32, #tpu.memory_space<hbm>>)
      tpu.yield
    }) : () -> ()
    return
  }
}

module attributes {stable_mosaic.version = 14 : i64} {
  func.func @_tc_mm1_body(%arg0: i32, %arg1: memref<512x128xf32, #tpu.memory_space<vmem>>, %arg2: memref<128x128xf32, #tpu.memory_space<vmem>>, %arg3: memref<512x128xf32, #tpu.memory_space<vmem>>) attributes {dimension_semantics = [#tpu.dimension_semantics<arbitrary>], iteration_bounds = array<i64: 20>, scalar_prefetch = 0 : i64, scratch_operands = 0 : i64, tpu.core_type = #tpu.core_type<tc>, window_params = [{transform_indices = @transform_0, window_bounds = array<i64: 512, 128>}, {pipeline_mode = #tpu.pipeline_mode<synchronous>, transform_indices = @transform_1, window_bounds = array<i64: 128, 128>}, {transform_indices = @transform_2, window_bounds = array<i64: 512, 128>}]} {
    %get3A = arith.constant 0 : index
    %get3A_0 = arith.constant 0 : index
    %get3A_1 = vector.load %arg1[%get3A, %get3A_0] : memref<512x128xf32, #tpu.memory_space<vmem>>, vector<512x128xf32>
    %get3A_2 = arith.constant 0 : index
    %get3A_3 = arith.constant 0 : index
    %get3A_4 = vector.load %arg2[%get3A_2, %get3A_3] : memref<128x128xf32, #tpu.memory_space<vmem>>, vector<128x128xf32>
    %dot_general3A = arith.constant dense<0.000000e+00> : vector<512x128xf32>
    %dot_general3A_5 = tpu.matmul %get3A_1, %get3A_4, %dot_general3A {dimension_numbers = #tpu.dot_dimension_numbers<[1], [0], [0], [1], [0, 0, 1, 1], [], []>, transpose_lhs_hint = false} : vector<512x128xf32>, vector<128x128xf32>, vector<512x128xf32> -> vector<512x128xf32>
    %swap3A = arith.constant 0 : index
    %swap3A_6 = arith.constant 0 : index
    %swap3A_7 = vector.load %arg3[%swap3A, %swap3A_6] : memref<512x128xf32, #tpu.memory_space<vmem>>, vector<512x128xf32>
    tpu.vector_store %arg3[%swap3A, %swap3A_6], %dot_general3A_5 {strides = array<i32>} : memref<512x128xf32, #tpu.memory_space<vmem>>, vector<512x128xf32>,
    return
  }
  func.func @transform_0(%arg0: i32) -> (i32, i32) {
    %c0_i32 = arith.constant 0 : i32
    %c0_i32_0 = arith.constant 0 : i32
    return %arg0, %c0_i32 : i32, i32
  }
  func.func @transform_1(%arg0: i32) -> (i32, i32) {
    %c0_i32 = arith.constant 0 : i32
    %c0_i32_0 = arith.constant 0 : i32
    %c0_i32_1 = arith.constant 0 : i32
    return %c0_i32, %c0_i32_0 : i32, i32
  }
  func.func @transform_2(%arg0: i32) -> (i32, i32) {
    %c0_i32 = arith.constant 0 : i32
    %c0_i32_0 = arith.constant 0 : i32
    return %arg0, %c0_i32 : i32, i32
  }
}

module attributes {stable_mosaic.version = 14 : i64} {
  func.func @_tc_scale_body(%arg0: i32, %arg1: memref<512x128xf32, #tpu.memory_space<vmem>>, %arg2: memref<512x1xf32, #tpu.memory_space<vmem>>, %arg3: memref<512x128xf32, #tpu.memory_space<vmem>>) attributes {dimension_semantics = [#tpu.dimension_semantics<arbitrary>], iteration_bounds = array<i64: 20>, scalar_prefetch = 0 : i64, scratch_operands = 0 : i64, tpu.core_type = #tpu.core_type<tc>, window_params = [{transform_indices = @transform_0, window_bounds = array<i64: 512, 128>}, {transform_indices = @transform_1, window_bounds = array<i64: 512, 1>}, {transform_indices = @transform_2, window_bounds = array<i64: 512, 128>}]} {
    %get3A = arith.constant 0 : index
    %get3A_0 = arith.constant 0 : index
    %get3A_1 = vector.load %arg2[%get3A, %get3A_0] : memref<512x1xf32, #tpu.memory_space<vmem>>, vector<512x1xf32>
    %gt3A = arith.constant 0.000000e+00 : f32
    %gt3A_2 = vector.broadcast %gt3A : f32 to vector<512x1xf32>
    %gt3A_3 = arith.cmpf ogt, %get3A_1, %gt3A_2 : vector<512x1xf32>
    %get3A_4 = arith.constant 0 : index
    %get3A_5 = arith.constant 0 : index
    %get3A_6 = vector.load %arg1[%get3A_4, %get3A_5] : memref<512x128xf32, #tpu.memory_space<vmem>>, vector<512x128xf32>
    %mul3A = vector.broadcast %get3A_1 : vector<512x1xf32> to vector<512x128xf32>
    %mul3A_7 = arith.mulf %get3A_6, %mul3A : vector<512x128xf32>
    %jit3A = arith.constant 0.000000e+00 : f32
    %broadcast_in_dim3A = vector.shape_cast %gt3A_3 : vector<512x1xi1> to vector<512x1xi1>
    %broadcast_in_dim3A_8 = vector.broadcast %broadcast_in_dim3A : vector<512x1xi1> to vector<512x128xi1>
    %broadcast_in_dim3A_9 = vector.broadcast %jit3A : f32 to vector<512x128xf32>
    %select_n3A = arith.select %broadcast_in_dim3A_8, %mul3A_7, %broadcast_in_dim3A_9 : vector<512x128xi1>, vector<512x128xf32>
    %swap3A = arith.constant 0 : index
    %swap3A_10 = arith.constant 0 : index
    %swap3A_11 = vector.load %arg3[%swap3A, %swap3A_10] : memref<512x128xf32, #tpu.memory_space<vmem>>, vector<512x128xf32>
    tpu.vector_store %arg3[%swap3A, %swap3A_10], %select_n3A {strides = array<i32>} : memref<512x128xf32, #tpu.memory_space<vmem>>, vector<512x128xf32>,
    return
  }
  func.func @transform_0(%arg0: i32) -> (i32, i32) {
    %c0_i32 = arith.constant 0 : i32
    %c0_i32_0 = arith.constant 0 : i32
    return %arg0, %c0_i32 : i32, i32
  }
  func.func @transform_1(%arg0: i32) -> (i32, i32) {
    %c0_i32 = arith.constant 0 : i32
    %c0_i32_0 = arith.constant 0 : i32
    return %arg0, %c0_i32 : i32, i32
  }
  func.func @transform_2(%arg0: i32) -> (i32, i32) {
    %c0_i32 = arith.constant 0 : i32
    %c0_i32_0 = arith.constant 0 : i32
    return %arg0, %c0_i32 : i32, i32
  }
}

module attributes {stable_mosaic.version = 14 : i64} {
  func.func @_tc_l2_body(%arg0: i32, %arg1: memref<2x512x128xf32, #tpu.memory_space<vmem>>, %arg2: memref<512x1xf32, #tpu.memory_space<vmem>>, %arg3: memref<512x1xf32, #tpu.memory_space<vmem>>, %arg4: memref<1x128xf32, #tpu.memory_space<vmem>>, %arg5: memref<128x64xf32, #tpu.memory_space<vmem>>, %arg6: memref<512x64xf32, #tpu.memory_space<vmem>>) attributes {dimension_semantics = [#tpu.dimension_semantics<arbitrary>], iteration_bounds = array<i64: 20>, scalar_prefetch = 0 : i64, scratch_operands = 0 : i64, tpu.core_type = #tpu.core_type<tc>, window_params = [{transform_indices = @transform_0, window_bounds = array<i64: 2, 512, 128>}, {transform_indices = @transform_1, window_bounds = array<i64: 512, 1>}, {transform_indices = @transform_2, window_bounds = array<i64: 512, 1>}, {pipeline_mode = #tpu.pipeline_mode<synchronous>, transform_indices = @transform_3, window_bounds = array<i64: 1, 128>}, {pipeline_mode = #tpu.pipeline_mode<synchronous>, transform_indices = @transform_4, window_bounds = array<i64: 128, 64>}, {transform_indices = @transform_5, window_bounds = array<i64: 512, 64>}]} {
    %get3A = arith.constant 0 : index
    %get3A_0 = arith.constant 0 : index
    %get3A_1 = arith.constant 0 : index
    %get3A_2 = vector.load %arg1[%get3A, %get3A_0, %get3A_1] : memref<2x512x128xf32, #tpu.memory_space<vmem>>, vector<1x512x128xf32>
    %get3A_3 = vector.shape_cast %get3A_2 : vector<1x512x128xf32> to vector<512x128xf32>
    %get3A_4 = arith.constant 1 : index
    %get3A_5 = arith.constant 0 : index
    %get3A_6 = arith.constant 0 : index
    %get3A_7 = vector.load %arg1[%get3A_4, %get3A_5, %get3A_6] : memref<2x512x128xf32, #tpu.memory_space<vmem>>, vector<1x512x128xf32>
    %get3A_8 = vector.shape_cast %get3A_7 : vector<1x512x128xf32> to vector<512x128xf32>
    %add3A = arith.addf %get3A_3, %get3A_8 : vector<512x128xf32>
    %get3A_9 = arith.constant 0 : index
    %get3A_10 = arith.constant 0 : index
    %get3A_11 = vector.load %arg2[%get3A_9, %get3A_10] : memref<512x1xf32, #tpu.memory_space<vmem>>, vector<512x1xf32>
    %mul3A = vector.broadcast %get3A_11 : vector<512x1xf32> to vector<512x128xf32>
    %mul3A_12 = arith.mulf %add3A, %mul3A : vector<512x128xf32>
    %get3A_13 = arith.constant 0 : index
    %get3A_14 = arith.constant 0 : index
    %get3A_15 = vector.load %arg4[%get3A_13, %get3A_14] : memref<1x128xf32, #tpu.memory_space<vmem>>, vector<1x128xf32>
    %add3A_16 = vector.broadcast %get3A_15 : vector<1x128xf32> to vector<512x128xf32>
    %add3A_17 = arith.addf %mul3A_12, %add3A_16 : vector<512x128xf32>
    %max3A = arith.constant 0.000000e+00 : f32
    %max3A_18 = vector.broadcast %max3A : f32 to vector<512x128xf32>
    %max3A_19 = arith.maximumf %add3A_17, %max3A_18 : vector<512x128xf32>
    %get3A_20 = arith.constant 0 : index
    %get3A_21 = arith.constant 0 : index
    %get3A_22 = vector.load %arg3[%get3A_20, %get3A_21] : memref<512x1xf32, #tpu.memory_space<vmem>>, vector<512x1xf32>
    %mul3A_23 = vector.broadcast %get3A_22 : vector<512x1xf32> to vector<512x128xf32>
    %mul3A_24 = arith.mulf %max3A_19, %mul3A_23 : vector<512x128xf32>
    %get3A_25 = arith.constant 0 : index
    %get3A_26 = arith.constant 0 : index
    %get3A_27 = vector.load %arg5[%get3A_25, %get3A_26] : memref<128x64xf32, #tpu.memory_space<vmem>>, vector<128x64xf32>
    %dot_general3A = arith.constant dense<0.000000e+00> : vector<512x64xf32>
    %dot_general3A_28 = tpu.matmul %mul3A_24, %get3A_27, %dot_general3A {dimension_numbers = #tpu.dot_dimension_numbers<[1], [0], [0], [1], [0, 0, 1, 1], [], []>, transpose_lhs_hint = false} : vector<512x128xf32>, vector<128x64xf32>, vector<512x64xf32> -> vector<512x64xf32>
    %swap3A = arith.constant 0 : index
    %swap3A_29 = arith.constant 0 : index
    %swap3A_30 = vector.load %arg6[%swap3A, %swap3A_29] : memref<512x64xf32, #tpu.memory_space<vmem>>, vector<512x64xf32>
    tpu.vector_store %arg6[%swap3A, %swap3A_29], %dot_general3A_28 {strides = array<i32>} : memref<512x64xf32, #tpu.memory_space<vmem>>, vector<512x64xf32>,
    return
  }
  func.func @transform_0(%arg0: i32) -> (i32, i32, i32) {
    %c0_i32 = arith.constant 0 : i32
    %c0_i32_0 = arith.constant 0 : i32
    %c0_i32_1 = arith.constant 0 : i32
    return %c0_i32, %arg0, %c0_i32_0 : i32, i32, i32
  }
  func.func @transform_1(%arg0: i32) -> (i32, i32) {
    %c0_i32 = arith.constant 0 : i32
    %c0_i32_0 = arith.constant 0 : i32
    return %arg0, %c0_i32 : i32, i32
  }
  func.func @transform_2(%arg0: i32) -> (i32, i32) {
    %c0_i32 = arith.constant 0 : i32
    %c0_i32_0 = arith.constant 0 : i32
    return %arg0, %c0_i32 : i32, i32
  }
  func.func @transform_3(%arg0: i32) -> (i32, i32) {
    %c0_i32 = arith.constant 0 : i32
    %c0_i32_0 = arith.constant 0 : i32
    %c0_i32_1 = arith.constant 0 : i32
    return %c0_i32, %c0_i32_0 : i32, i32
  }
  func.func @transform_4(%arg0: i32) -> (i32, i32) {
    %c0_i32 = arith.constant 0 : i32
    %c0_i32_0 = arith.constant 0 : i32
    %c0_i32_1 = arith.constant 0 : i32
    return %c0_i32, %c0_i32_0 : i32, i32
  }
  func.func @transform_5(%arg0: i32) -> (i32, i32) {
    %c0_i32 = arith.constant 0 : i32
    %c0_i32_0 = arith.constant 0 : i32
    return %arg0, %c0_i32 : i32, i32
  }
}

module attributes {stable_mosaic.version = 14 : i64} {
  func.func @_tc_out_body(%arg0: i32, %arg1: memref<2x512x64xf32, #tpu.memory_space<vmem>>, %arg2: memref<512x1xf32, #tpu.memory_space<vmem>>, %arg3: memref<1x64xf32, #tpu.memory_space<vmem>>, %arg4: memref<512x64xf32, #tpu.memory_space<vmem>>) attributes {dimension_semantics = [#tpu.dimension_semantics<arbitrary>], iteration_bounds = array<i64: 20>, scalar_prefetch = 0 : i64, scratch_operands = 0 : i64, tpu.core_type = #tpu.core_type<tc>, window_params = [{transform_indices = @transform_0, window_bounds = array<i64: 2, 512, 64>}, {transform_indices = @transform_1, window_bounds = array<i64: 512, 1>}, {pipeline_mode = #tpu.pipeline_mode<synchronous>, transform_indices = @transform_2, window_bounds = array<i64: 1, 64>}, {transform_indices = @transform_3, window_bounds = array<i64: 512, 64>}]} {
    %get3A = arith.constant 0 : index
    %get3A_0 = arith.constant 0 : index
    %get3A_1 = arith.constant 0 : index
    %get3A_2 = vector.load %arg1[%get3A, %get3A_0, %get3A_1] : memref<2x512x64xf32, #tpu.memory_space<vmem>>, vector<1x512x64xf32>
    %get3A_3 = vector.shape_cast %get3A_2 : vector<1x512x64xf32> to vector<512x64xf32>
    %get3A_4 = arith.constant 1 : index
    %get3A_5 = arith.constant 0 : index
    %get3A_6 = arith.constant 0 : index
    %get3A_7 = vector.load %arg1[%get3A_4, %get3A_5, %get3A_6] : memref<2x512x64xf32, #tpu.memory_space<vmem>>, vector<1x512x64xf32>
    %get3A_8 = vector.shape_cast %get3A_7 : vector<1x512x64xf32> to vector<512x64xf32>
    %add3A = arith.addf %get3A_3, %get3A_8 : vector<512x64xf32>
    %get3A_9 = arith.constant 0 : index
    %get3A_10 = arith.constant 0 : index
    %get3A_11 = vector.load %arg2[%get3A_9, %get3A_10] : memref<512x1xf32, #tpu.memory_space<vmem>>, vector<512x1xf32>
    %mul3A = vector.broadcast %get3A_11 : vector<512x1xf32> to vector<512x64xf32>
    %mul3A_12 = arith.mulf %add3A, %mul3A : vector<512x64xf32>
    %get3A_13 = arith.constant 0 : index
    %get3A_14 = arith.constant 0 : index
    %get3A_15 = vector.load %arg3[%get3A_13, %get3A_14] : memref<1x64xf32, #tpu.memory_space<vmem>>, vector<1x64xf32>
    %add3A_16 = vector.broadcast %get3A_15 : vector<1x64xf32> to vector<512x64xf32>
    %add3A_17 = arith.addf %mul3A_12, %add3A_16 : vector<512x64xf32>
    %reduce_max3A = arith.constant dense<0xFF800000> : vector<512xf32>
    %reduce_max3A_18 = vector.multi_reduction <maximumf>, %add3A_17, %reduce_max3A [1] : vector<512x64xf32> to vector<512xf32>
    %broadcast_in_dim3A = vector.shape_cast %reduce_max3A_18 : vector<512xf32> to vector<512x1xf32>
    %sub3A = vector.broadcast %broadcast_in_dim3A : vector<512x1xf32> to vector<512x64xf32>
    %sub3A_19 = arith.subf %add3A_17, %sub3A : vector<512x64xf32>
    %exp3A = math.exp %sub3A_19 : vector<512x64xf32>
    %sub3A_20 = vector.broadcast %broadcast_in_dim3A : vector<512x1xf32> to vector<512x64xf32>
    %sub3A_21 = arith.subf %add3A_17, %sub3A_20 : vector<512x64xf32>
    %reduce_sum3A = arith.constant dense<0.000000e+00> : vector<512xf32>
    %reduce_sum3A_22 = vector.multi_reduction <add>, %exp3A, %reduce_sum3A [1] : vector<512x64xf32> to vector<512xf32>
    %broadcast_in_dim3A_23 = vector.shape_cast %reduce_sum3A_22 : vector<512xf32> to vector<512x1xf32>
    %log3A = math.log %broadcast_in_dim3A_23 : vector<512x1xf32>
    %sub3A_24 = vector.broadcast %log3A : vector<512x1xf32> to vector<512x64xf32>
    %sub3A_25 = arith.subf %sub3A_21, %sub3A_24 : vector<512x64xf32>
    %swap3A = arith.constant 0 : index
    %swap3A_26 = arith.constant 0 : index
    %swap3A_27 = vector.load %arg4[%swap3A, %swap3A_26] : memref<512x64xf32, #tpu.memory_space<vmem>>, vector<512x64xf32>
    tpu.vector_store %arg4[%swap3A, %swap3A_26], %sub3A_25 {strides = array<i32>} : memref<512x64xf32, #tpu.memory_space<vmem>>, vector<512x64xf32>,
    return
  }
  func.func @transform_0(%arg0: i32) -> (i32, i32, i32) {
    %c0_i32 = arith.constant 0 : i32
    %c0_i32_0 = arith.constant 0 : i32
    %c0_i32_1 = arith.constant 0 : i32
    return %c0_i32, %arg0, %c0_i32_0 : i32, i32, i32
  }
  func.func @transform_1(%arg0: i32) -> (i32, i32) {
    %c0_i32 = arith.constant 0 : i32
    %c0_i32_0 = arith.constant 0 : i32
    return %arg0, %c0_i32 : i32, i32
  }
  func.func @transform_2(%arg0: i32) -> (i32, i32) {
    %c0_i32 = arith.constant 0 : i32
    %c0_i32_0 = arith.constant 0 : i32
    %c0_i32_1 = arith.constant 0 : i32
    return %c0_i32, %c0_i32_0 : i32, i32
  }
  func.func @transform_3(%arg0: i32) -> (i32, i32) {
    %c0_i32 = arith.constant 0 : i32
    %c0_i32_0 = arith.constant 0 : i32
    return %arg0, %c0_i32 : i32, i32
  }
}

</mosaic_0001>

<sc_bundles>
// kernel: kernel.12.cloned.1.call-start
scs
__scs_entry_jumppad:
0x0: {  	(pc) =	sbr.rel $0x88, $3  }
0x1: {  	(tag) =	ssettag $0x0;
	lr =	simm.s32 $0x1  }
0x2: {  	[smem:$0x3F9B] =	sst lr;
	_ =	strace $0xD0000000  }
0x3: {  	_ = 	snop  }
0x4: {  	_ = 	snop  }
0x5: {  	_ = 	snop  }
0x6: {  	_ = 	snop  }
0x7: {  	_ = 	snop  }
__scs_overlays_trampoline_lowered:
0x8: {  	[smem:$0x3FAA] =	sst s0  }
0x9: {  	[smem:$0x3FAB] =	sst s1  }
0xa: {  	[smem:$0x3FAC] =	sst s2  }
0xb: {  	[smem:$0x3FAD] =	sst s3  }
0xc: {  	[smem:$0x3FAE] =	sst s4  }
0xd: {  	[smem:$0x3FAF] =	sst s5  }
0xe: {  	[smem:$0x3FB0] =	sst s6  }
0xf: {  	[smem:$0x3FB1] =	sst s7  }
0x10: {  	[smem:$0x3FB2] =	sst s8  }
0x11: {  	[smem:$0x3FB3] =	sst s9;
	s0 =	simm.s32 @!p0 $0x0  }
0x12: {  	s1 =	sld [smem:$0x3F99];
	s0 =	simm.s32 @p0 $0x1  }
0x13: {  	[smem:$0x3FB4] =	sst s0;
	s0 =	simm.s32 @!p1 $0x0  }
0x14: {  	s2 =	sld [smem:$0x3F98];
	s0 =	simm.s32 @p1 $0x1  }
0x15: {  	[smem:$0x3FB5] =	sst s0;
	s0 =	simm.s32 @!p2 $0x0  }
0x16: {  	s3 =	sld [smem:$0x3FDB];
	s0 =	simm.s32 @p2 $0x1  }
0x17: {  	s4 =	simm.s32 $0x1BF5;
	[smem:$0x3FB7] =	sst s0  }
0x18: {  	s0 =	sld [smem:$0x3F9A];
	_ =	swait.ge [sflag:s4], $0x0  }
0x19: {  	s7 =	sld [smem:$0x3F9B]  }
0x1a: {  	s8 =	sadd.s32 $0xFFFFE003, lr  }
0x1b: {  	s9 =	sadd.s32 $0xFFFFFEF7, lr;
	s5 =	simm.s32 $0xFFFFFFFF;
	p2 =	slt.u32 s8, $0xFFFFF086  }
0x1c: {  	p1 =	slt.u32 s9, $0xF7A;
	s5 =	simm.s32 @!p2 $0x0  }
0x1d: {  	s5 =	simm.s32 @p1 $0x1;
	p0 =	seq.s32 s7, s2  }
0x1e: {  	s7 =	smul.u32 @!p0 $0xF7A, s2;
	p2 =	seq.s32 @!p0 s5, $0x0  }
0x1f: {  	s9 =	smul.u32 $0xF7A, s1;
	s8 =	simm.s32 @!p0 $0x1BF5;
	p2 =	por !p2, p0  }
0x20: {  	[sflag:s8] =	ssyncset.s32 @!p0 $0xFFFFF086;
	s6 =	sadd.s32 @!p0 s3, s7;
	s7 =	simm.s32 @!p0 $0x108  }
0x21: {  	s3 =	sadd.s32 s3, s9;
	s6 =	sadd.s32 @!p0 $0x88, s6;
	s7 =	simm.s32 @p2 $0x1082  }
0x22: {  	[simem:s7], [sflag:s8] =	dma.local @!p0 [hbm:s6], $0xF7A  }
0x23: {  	s9 =	sor.u32 $0xD0000000, s2;
	s6 =	simm.s32 $0x108;
	_ =	swait.ge @!p0 [sflag:s8], $0x0  }
0x24: {  	s3 =	sadd.s32 $0x88, s3;
	s6 =	simm.s32 @!p1 $0x1082;
	[sflag:s4] =	ssyncset.s32 $0xFFFFF086  }
0x25: {  	[simem:s6], [sflag:s4] =	dma.local [hbm:s3], $0xF7A  }
0x26: {  	[smem:$0x3F9B] =	sst s1;
	(tag) =	ssettag s2;
	_ =	strace s9  }
0x27: {  	s1 =	sld [smem:$0x3FAB]  }
0x28: {  	s2 =	sld [smem:$0x3FAC]  }
0x29: {  	s4 =	sld [smem:$0x3FAE]  }
0x2a: {  	p0 =	seq.s32 s5, $0x0;
	s5 =	sld [smem:$0x3FAF]  }
0x2b: {  	s6 =	sld [smem:$0x3FB0]  }
0x2c: {  	s7 =	sld [smem:$0x3FB1]  }
0x2d: {  	s3 =	simm.s32 $0x108;
	s8 =	sld [smem:$0x3FB2]  }
0x2e: {  	s3 =	simm.s32 @!p0 $0x1082;
	s9 =	sld [smem:$0x3FB3]  }
0x2f: {  	lr =	sadd.s32 s0, s3;
	s0 =	sld [smem:$0x3FAA]  }
0x30: {  	s3 =	sld [smem:$0x3FAD]  }
0x31: {  	[smem:$0x3FB6] =	sst s10  }
0x32: {  	s10 =	sld [smem:$0x3FB4];
	_ =	sdelay $0x3  }
0x33: {  	p0 =	seq.s32 s10, $0x1;
	s10 =	sld [smem:$0x3FB6];
	_ =	sdelay $0x3  }
0x34: {  	[smem:$0x3FB6] =	sst s10  }
0x35: {  	s10 =	sld [smem:$0x3FB5];
	_ =	sdelay $0x3  }
0x36: {  	p1 =	seq.s32 s10, $0x1;
	s10 =	sld [smem:$0x3FB6];
	_ =	sdelay $0x3  }
0x37: {  	[smem:$0x3FB6] =	sst s10  }
0x38: {  	s10 =	sld [smem:$0x3FB7]  }
0x39: {  	_ = 	snop;
	(pc) =	sbr.ind lr, $3  }
0x3a: {  	_ = 	snop  }
0x3b: {  	_ = 	snop  }
0x3c: {  	p2 =	seq.s32 s10, $0x1;
	s10 =	sld [smem:$0x3FB6]  }
0x3d: {  	_ =	shalt  }
0x3e: {  	_ =	shalt  }
0x3f: {  	_ =	shalt  }
0x40: {  	_ =	shalt  }
0x41: {  	_ =	shalt  }
0x42: {  	_ =	shalt  }
0x43: {  	_ =	shalt  }
0x44: {  	_ =	shalt  }
0x45: {  	_ =	shalt  }
0x46: {  	_ =	shalt  }
0x47: {  	_ =	shalt  }
0x48: {  	_ =	shalt  }
0x49: {  	_ =	shalt  }
0x4a: {  	_ =	shalt  }
0x4b: {  	_ =	shalt  }
0x4c: {  	_ =	shalt  }
0x4d: {  	_ =	shalt  }
0x4e: {  	_ =	shalt  }
0x4f: {  	_ =	shalt  }
0x50: {  	_ =	shalt  }
0x51: {  	_ =	shalt  }
0x52: {  	_ =	shalt  }
0x53: {  	_ =	shalt  }
0x54: {  	_ =	shalt  }
0x55: {  	_ =	shalt  }
0x56: {  	_ =	shalt  }
0x57: {  	_ =	shalt  }
0x58: {  	_ =	shalt  }
0x59: {  	_ =	shalt  }
0x5a: {  	_ =	shalt  }
0x5b: {  	_ =	shalt  }
0x5c: {  	_ =	shalt  }
0x5d: {  	_ =	shalt  }
0x5e: {  	_ =	shalt  }
0x5f: {  	_ =	shalt  }
0x60: {  	_ =	shalt  }
0x61: {  	_ =	shalt  }
0x62: {  	_ =	shalt  }
0x63: {  	_ =	shalt  }
0x64: {  	_ =	shalt  }
0x65: {  	_ =	shalt  }
0x66: {  	_ =	shalt  }
0x67: {  	_ =	shalt  }
0x68: {  	_ =	shalt  }
0x69: {  	_ =	shalt  }
0x6a: {  	_ =	shalt  }
0x6b: {  	_ =	shalt  }
0x6c: {  	_ =	shalt  }
0x6d: {  	_ =	shalt  }
0x6e: {  	_ =	shalt  }
0x6f: {  	_ =	shalt  }
0x70: {  	_ =	shalt  }
0x71: {  	_ =	shalt  }
0x72: {  	_ =	shalt  }
0x73: {  	_ =	shalt  }
0x74: {  	_ =	shalt  }
0x75: {  	_ =	shalt  }
0x76: {  	_ =	shalt  }
0x77: {  	_ =	shalt  }
0x78: {  	_ =	shalt  }
0x79: {  	_ =	shalt  }
0x7a: {  	_ =	shalt  }
0x7b: {  	_ =	shalt  }
0x7c: {  	_ =	shalt  }
0x7d: {  	_ =	shalt  }
0x7e: {  	_ =	shalt  }
0x7f: {  	_ =	shalt  }
0x80: {  	_ =	shalt  }
0x81: {  	_ =	shalt  }
0x82: {  	_ =	shalt  }
0x83: {  	_ =	shalt  }
0x84: {  	_ =	shalt  }
0x85: {  	_ =	shalt  }
0x86: {  	_ =	shalt  }
0x87: {  	_ =	shalt  }
.Lfunc_end0:
.L_simem_size_0:
called_computation.1_lowered:
.L_overlay_start_0:
0x88: {  	s2 =	sld [smem:$0x3FD9]  }
0x89: {  	s3 =	sld [smem:$0x3FFE];
	_ =	sdelay $0x1  }
0x8a: {  	s1 =	srdreg.scid  }
0x8b: {  	s0 =	sand.u32 $0x1, s1  }
0x8c: {  	s17 =	sshll.u32 s0, $0xA;
	s2 =	sadd.s32 s3, s2  }
0x8d: {  	s2 =	sadd.s32 s2, s17  }
0x8e: {  	[smem:$0x3FC2] =	sst s2  }
0x8f: {  	_ = 	snop  }
0x90: {  	s2 =	sld [smem:$0x3FD0];
	(tm) =	ssettm $0x1  }
0x91: {  	s18 =	sld [smem:$0x3FFB];
	_ =	sdelay $0x3  }
0x92: {  	_ =	strace s18  }
0x93: {  	s3 =	sld [smem:$0x3FFC];
	_ =	sdelay $0x3  }
0x94: {  	_ =	strace s3  }
0x95: {  	s3 =	sld [smem:$0x3FFD];
	_ =	sdelay $0x3  }
0x96: {  	_ =	strace s3  }
0x97: {  	_ =	strace $0x8FFFFFFF  }
0x98: {  	s19 =	sld [smem:$0x3FDB];
	_ =	sdelay $0x1  }
0x99: {  	s4 =	simm.s32 $_scs_section_size  }
0x9a: {  	s5 =	simm.s32 $_size__tile_overlayer_lowered;
	s6 =	simm.s32 $_tile_overlayer_lowered  }
0x9b: {  	s22 =	simm.s32 $0x1BFF;
	s21 =	sshll.u32 s6, $0x1;
	s3 =	sadd.s32 s4, s19  }
0x9c: {  	s7 =	simm.s32 $0x0;
	s20 =	sshll.u32 s5, $0x1;
	s5 =	sadd.s32 s21, s3  }
0x9d: {  	[timem:s7], [sflag:s22] =	dma.local [hbm:s5], s20  }
0x9e: {  	_ =	swait.ge [sflag:s22], s20  }
0x9f: {  	s4 =	ssub.s32 $0x0, s20;
	[sflag:s22] =	ssyncset.done $0x0  }
0xa0: {  	[sflag:s22] =	ssyncadd.s32 s4;
	_ =	sdelay $0x1  }
0xa1: {  	s23 =	simm.s32 $0x1B8B  }
0xa2: {  	_ =	swait.ge [sflag:s23], $0x1  }
0xa3: {  	[sflag:s23] =	ssyncset.done $0x0  }
0xa4: {  	s25 =	simm.s32 $0x1B8E;
	s24 =	sld [smem:$0x3FFE];
	[sflag:s23] =	ssyncadd.s32 $0xFFFFFFFF  }
0xa5: {  	s26 =	simm.s32 $execute0_lowered;
	[smem:$0x3FD2] =	sst s25  }
0xa6: {  	s5 =	sshll.u32 s26, $0x1;
	_ =	strace $0x80000049;
	[dreg:$0x1] =	wrdreg $0xFFFFFFFF  }
0xa7: {  	s28 =	simm.s32 $_size_execute0_lowered;
	s3 =	sadd.s32 s3, s5;
	[dreg:$0x0] =	wrdreg $0x0  }
0xa8: {  	s5 =	sshll.u32 s28, $0x1;
	[dreg:$0x2] =	wrdreg s3  }
0xa9: {  	[dreg:$0x3] =	wrdreg s5  }
0xaa: {  	[dreg:$0x4] =	wrdreg $0xC0  }
0xab: {  	_ =	task [dreg:s7], $0x5FFFF  }
0xac: {  	[dreg:$0x1] =	wrdreg $0xFFFFFFFF  }
0xad: {  	[dreg:$0x0] =	wrdreg $0x60  }
0xae: {  	[dreg:$0x2] =	wrdreg s24  }
0xaf: {  	[dreg:$0x3] =	wrdreg s2  }
0xb0: {  	[dreg:$0x4] =	wrdreg $0xA8200  }
0xb1: {  	[dreg:$0x5] =	wrdreg $0x9  }
0xb2: {  	_ =	task.clear_ibuf [dreg:s7], $0x6FFFF;
	_ =	strace $0x90000049  }
0xb3: {  	s29 =	simm.s32 $0x9;
	_ =	strace $0x8000004B  }
0xb4: {  	_ =	swait.ge [sflag:s29], $0x1  }
0xb5: {  	[sflag:s29] =	ssyncadd.s32 $0xFFFFFFFF  }
0xb6: {  	_ =	strace $0x9000004B  }
0xb7: {  	_ =	sfence  }
0xb8: {  	s30 =	sld [smem:$0x0];
	_ =	sdelay $0x2  }
0xb9: {  	s31 =	sshll.u32 s1, $0xD;
	s1 =	sshrl.u32 s1, $0x2  }
0xba: {  	s3 =	sand.u32 $0x4000, s31;
	s1 =	sadd.s32 s1, s30  }
0xbb: {  	s0 =	sor.u32 s3, s0;
	s1 =	sshll.u32 s1, $0x11  }
0xbc: {  	s0 =	sor.u32 s1, s0  }
0xbd: {  	s0 =	sadd.s32 $0x8F2B, s0  }
0xbe: {  	[sflag:s0] =	ssyncadd.remote.s32 $0x1  }
0xbf: {  	_ =	sfence.sel $0xFFFF  }
0xc0: {  	[dreg:$0x0] =	wrdreg $0xFFFFFFFF;
	(pc) =	sbr.abs _section_cstart, $3  }
0xc1: {  	[dreg:$0x1] =	wrdreg $0xFFFFFFFF  }
0xc2: {  	_ =	task.clear_ibuf [dreg:s7], $0x2FFFF;
	_ =	strace $0x9FFFFFFF  }
0xc3: {  	(tm) =	ssettm $0x7FFFFFFF  }
tec
execute0_lowered:
.L_overlay_start_1:
0x0: {  	(tag) =	ssettag $0x1  }
0x1: {  	s0 =	rddreg [dreg:$0x0]  }
0x2: {  	s1 =	rddreg [dreg:$0x1]  }
0x3: {  	s2 =	rddreg [dreg:$0x2];
	s3 =	srdreg.scid  }
0x4: {  	s11 =	stileid.u32;
	s18 =	simm.s32 $0x5;
	s19 =	simm.s32 $0x2820  }
0x5: {  	s20 =	simm.s32 $0x80;
	s21 =	simm.s32 $0x2710;
	s22 =	simm.s32 $0x6820  }
0x6: {  	s28 =	simm.s32 $0x4;
	s30 =	simm.s32 $0x2810;
	s6 =	smul.u32 $0x14000, s11  }
0x7: {  	s31 =	simm.s32 $0x10;
	s7 =	sand.u32 $0x1, s3;
	s10 =	smul.u32 $0x50000, s11  }
0x8: {  	s3 =	simm.s32 $0x0;
	s5 =	sshll.u32 s11, $0x1;
	s13 =	smul.u32 $0x4E20, s11  }
0x9: {  	s4 =	smul.u32 $0x140000, s7;
	[smem:$0x7FF] =	sst s3;
	s5 =	sor.u32 s7, s5  }
0xa: {  	s9 =	ssub.s32 $0x2, s7;
	s7 =	smul.u32 $0x2710, s7;
	_ =	strace $0x8000004A  }
0xb: {  	s5 =	smul.u32 $0x2710, s5;
	s23 =	sshrl.u32 s9, $0x1;
	s24 =	sshrl.u32 s10, $0x2  }
0xc: {  	s4 =	sadd.s32 s6, s4;
	s14 =	ssub.s32 s9, s23;
	s10 =	sadd.s32 s24, s2  }
0xd: {  	s6 =	sadd.s32 s6, s2;
	s7 =	sadd.s32 s7, s13;
	s23 =	simm.s32 $0x2790  }
0xe: {  	s24 =	simm.s32 $0x1;
	s8 =	sshrl.u32 s4, $0x3;
	s4 =	sadd.s32 $0x3000, s0  }
0xf: {  	s5 =	sshrl.u32 s5, $0x3;
	s25 =	sadd.s32 $0x8000, s10;
	s26 =	sadd.s32 $0xC000, s10  }
0x10: {  	s29 =	sadd.s32 $0x4E300, s7;
	s7 =	sadd.s32 $0x4E280, s7;
	s14 =	smax.u32 s14, $0x1  }
0x11: {  	s0 =	sadd.s32 s8, s0;
	s5 =	sadd.s32 s1, s5;
	[dreg:$0x5] =	wrdreg s25  }
0x12: {  	s8 =	sadd.s32 $0x4000, s10;
	[dreg:$0x6] =	wrdreg s26;
	s10 =	sadd.s32 $0x10000, s10  }
0x13: {  	s7 =	sshrl.u32 s7, $0x3;
	s25 =	simm.s32 $0x3;
	s26 =	simm.s32 $0x2  }
0x14: {  	[dreg:$0x4] =	wrdreg s8;
	s11 =	sadd.s32 $0x9C40, s5;
	s12 =	sadd.s32 $0xA120, s5  }
0x15: {  	s13 =	sadd.s32 $0x2B000, s0;
	s0 =	sshrl.u32 s29, $0x3;
	s15 =	sadd.s32 $0xA110, s5  }
0x16: {  	v0 =	vimm.f32 $0.0e+00;
	s17 =	sadd.s32 s7, s1;
	s16 =	sadd.s32 s0, s1;
	s1 =	simm.s32 $0x0  }
.LBB2_1:
0x17: {  	[tilespmem:s3], [sflag:$0x5] =	stream.linear.gather [hbm4b:s5+s3], $0x2710, $0x38;
	[tilespmem:$0x1E820] =	vst v63  }
0x18: {  	_ =	swait.ge [sflag:s18], $0x2710  }
0x19: {  	[sflag:s18] =	ssyncset.done $0x0  }
0x1a: {  	s0 =	simm.s32 $0x0;
	s7 =	simm.s32 $0x200;
	[sflag:s18] =	ssyncadd.s32 $0xFFFFD8F0  }
.LBB2_2:
0x1b: {  	p0 =	sne.s32 s7, $0xFE00;
	[tilespmem:s0+$0x2890] =	vst v0  }
0x1c: {  	[tilespmem:s0+$0x2820] =	vst v0  }
0x1d: {  	[tilespmem:s0+$0x2830] =	vst v0  }
.Ltmp0:
0x1e: {  	[tilespmem:s0+$0x2840] =	vst v0;
	(pc) =	sbr.rel @p0 .LBB2_2-.Ltmp0, $4  }
0x1f: {  	[tilespmem:s0+$0x2850] =	vst v0  }
0x20: {  	[tilespmem:s0+$0x2860] =	vst v0  }
0x21: {  	[tilespmem:s0+$0x2870] =	vst v0  }
0x22: {  	[tilespmem:s0+$0x2880] =	vst v0;
	s0 =	sshra.s32 s7, $0x2;
	s7 =	sadd.s32 $0x200, s7  }
0x23: {  	[tilespmem:s0+$0x2890] =	vst v0  }
0x24: {  	[tilespmem:s0+$0x2820] =	vst v0  }
0x25: {  	[tilespmem:s0+$0x2830] =	vst v0  }
0x26: {  	[tilespmem:s0+$0x2840] =	vst v0  }
0x27: {  	[tilespmem:s0+$0x2850] =	vst v0  }
0x28: {  	[tilespmem:s0+$0x2860] =	vst v0  }
0x29: {  	[tilespmem:s0+$0x2870] =	vst v0  }
0x2a: {  	[tilespmem:s0+$0x2880] =	vst v0  }
0x2b: {  	[spmem:s6] =	stream.linear.scatter [tilespmem:s19], [sflag:$0x5], $0x4000, $0x38;
	[tilespmem:$0x1E820] =	vst v63  }
0x2c: {  	_ =	swait.ge [sflag:s18], $0x4000  }
0x2d: {  	[sflag:s18] =	ssyncset.done $0x0  }
0x2e: {  	s8 =	rddreg [dreg:$0x4];
	[sflag:s18] =	ssyncadd.s32 $0xFFFFC000  }
0x2f: {  	[spmem:s8] =	stream.linear.scatter [tilespmem:s19], [sflag:$0x5], $0x4000, $0x38;
	[tilespmem:$0x1E820] =	vst v63  }
0x30: {  	_ =	swait.ge [sflag:s18], $0x4000  }
0x31: {  	[sflag:s18] =	ssyncset.done $0x0  }
0x32: {  	s9 =	rddreg [dreg:$0x5];
	[sflag:s18] =	ssyncadd.s32 $0xFFFFC000  }
0x33: {  	[spmem:s9] =	stream.linear.scatter [tilespmem:s19], [sflag:$0x5], $0x4000, $0x38;
	[tilespmem:$0x1E820] =	vst v63  }
0x34: {  	_ =	swait.ge [sflag:s18], $0x4000  }
0x35: {  	[sflag:s18] =	ssyncset.done $0x0  }
0x36: {  	s7 =	rddreg [dreg:$0x6];
	[sflag:s18] =	ssyncadd.s32 $0xFFFFC000  }
0x37: {  	[spmem:s7] =	stream.linear.scatter [tilespmem:s19], [sflag:$0x5], $0x4000, $0x38;
	[tilespmem:$0x1E820] =	vst v63  }
0x38: {  	_ =	swait.ge [sflag:s18], $0x4000  }
0x39: {  	[sflag:s18] =	ssyncset.done $0x0  }
0x3a: {  	[sflag:s18] =	ssyncadd.s32 $0xFFFFC000  }
0x3b: {  	[spmem:s10] =	stream.linear.scatter [tilespmem:s19], [sflag:$0x5], $0x4000, $0x38;
	[tilespmem:$0x1E820] =	vst v63  }
0x3c: {  	_ =	swait.ge [sflag:s18], $0x4000  }
0x3d: {  	[sflag:s18] =	ssyncset.done $0x0  }
0x3e: {  	[sflag:s18] =	ssyncadd.s32 $0xFFFFC000  }
0x3f: {  	s8 =	simm.s32 $0x0;
	[bflag:$0x0] =	sbarrier.arrive $0xFFFF  }
0x40: {  	[tilespmem:s19], [sflag:$0x1] =	stream.indirect.gather [hbm4b:s4+s20], $0x80, s8, s20, $0xb8;
	[tilespmem:$0x1E820] =	vst v63  }
0x41: {  	_ = 	snop  }
0x42: {  	[tilespmem:s21], [sflag:$0x3] =	stream.linear.gather [hbm4b:s11+s8], $0x80, $0x38;
	[tilespmem:$0x1E820] =	vst v63  }
0x43: {  	s9 =	simm.s32 $0x80  }
0x44: {  	[tilespmem:s22], [sflag:$0x2] =	stream.indirect.gather [hbm4b:s4+s20], $0x80, s9, s20, $0xb8;
	[tilespmem:$0x1E820] =	vst v63  }
0x45: {  	s7 =	sadd.s32 $0x0, s17  }
0x46: {  	[tilespmem:s23], [sflag:$0x4] =	stream.linear.gather [hbm4b:s7+s3], $0x80, $0x38;
	[tilespmem:$0x1E820] =	vst v63  }
0x47: {  	_ =	swait.ge [sflag:s24], $0x4000  }
0x48: {  	[sflag:s24] =	ssyncset.done $0x0  }
0x49: {  	[sflag:s24] =	ssyncadd.s32 $0xFFFFC000  }
0x4a: {  	_ =	swait.ge [sflag:s25], $0x80  }
0x4b: {  	[sflag:s25] =	ssyncset.done $0x0  }
0x4c: {  	[sflag:s25] =	ssyncadd.s32 $0xFFFFFF80  }
0x4d: {  	[spmem:s2] =	stream.indirect.scatter.add.f32 [tilespmem:s19], [sflag:$0x5], $0x80, s21, s20, $0xb8;
	[tilespmem:$0x1E820] =	vst v63  }
0x4e: {  	_ =	swait.ge [sflag:s18], $0x4000  }
0x4f: {  	[sflag:s18] =	ssyncset.done $0x0  }
0x50: {  	s8 =	simm.s32 $0x100;
	[sflag:s18] =	ssyncadd.s32 $0xFFFFC000  }
0x51: {  	[tilespmem:s19], [sflag:$0x1] =	stream.indirect.gather [hbm4b:s4+s20], $0x80, s8, s20, $0xb8;
	[tilespmem:$0x1E820] =	vst v63  }
0x52: {  	s9 =	sadd.s32 $0x0, s16  }
0x53: {  	[tilespmem:s21], [sflag:$0x3] =	stream.linear.gather [hbm4b:s9+s3], $0x80, $0x38;
	[tilespmem:$0x1E820] =	vst v63  }
0x54: {  	_ =	swait.ge [sflag:s26], $0x4000  }
0x55: {  	[sflag:s26] =	ssyncset.done $0x0  }
0x56: {  	[sflag:s26] =	ssyncadd.s32 $0xFFFFC000  }
0x57: {  	_ =	swait.ge [sflag:s28], $0x80  }
0x58: {  	[sflag:s28] =	ssyncset.done $0x0  }
0x59: {  	[sflag:s28] =	ssyncadd.s32 $0xFFFFFF80  }
0x5a: {  	[spmem:s2] =	stream.indirect.scatter.add.f32 [tilespmem:s22], [sflag:$0x5], $0x80, s23, s20, $0xb8;
	[tilespmem:$0x1E820] =	vst v63  }
0x5b: {  	s29 =	simm.s32 $0x20;
	_ =	swait.ge [sflag:s18], $0x4000  }
0x5c: {  	s0 =	simm.s32 $0x200;
	s7 =	simm.s32 $0x40;
	[sflag:s18] =	ssyncset.done $0x0  }
.LBB2_4:
0x5d: {  	p0 =	sne.s32 s7, $0x4A0;
	s8 =	sadd.s32 $0xFFFFFF80, s0;
	[sflag:s18] =	ssyncadd.s32 $0xFFFFC000  }
0x5e: {  	[tilespmem:s22], [sflag:$0x2] =	stream.indirect.gather [hbm4b:s4+s20], $0x80, s8, s20, $0xb8;
	[tilespmem:$0x1E820] =	vst v63  }
0x5f: {  	s9 =	smov.u32 s7;
	s7 =	sadd.s32 $0x20, s7;
	s8 =	sadd.s32 s29, s17  }
0x60: {  	[tilespmem:s23], [sflag:$0x4] =	stream.linear.gather [hbm4b:s8+s3], $0x80, $0x38;
	[tilespmem:$0x1E820] =	vst v63  }
0x61: {  	_ =	swait.ge [sflag:s24], $0x4000  }
0x62: {  	[sflag:s24] =	ssyncset.done $0x0  }
0x63: {  	[sflag:s24] =	ssyncadd.s32 $0xFFFFC000  }
0x64: {  	_ =	swait.ge [sflag:s25], $0x80  }
0x65: {  	[sflag:s25] =	ssyncset.done $0x0  }
0x66: {  	[sflag:s25] =	ssyncadd.s32 $0xFFFFFF80  }
0x67: {  	[spmem:s2] =	stream.indirect.scatter.add.f32 [tilespmem:s19], [sflag:$0x5], $0x80, s21, s20, $0xb8;
	[tilespmem:$0x1E820] =	vst v63  }
0x68: {  	_ =	swait.ge [sflag:s18], $0x4000  }
0x69: {  	[sflag:s18] =	ssyncset.done $0x0  }
0x6a: {  	[sflag:s18] =	ssyncadd.s32 $0xFFFFC000  }
0x6b: {  	[tilespmem:s19], [sflag:$0x1] =	stream.indirect.gather [hbm4b:s4+s20], $0x80, s0, s20, $0xb8;
	[tilespmem:$0x1E820] =	vst v63  }
0x6c: {  	s8 =	sadd.s32 s29, s16;
	s29 =	smov.u32 s9  }
0x6d: {  	[tilespmem:s21], [sflag:$0x3] =	stream.linear.gather [hbm4b:s8+s3], $0x80, $0x38;
	[tilespmem:$0x1E820] =	vst v63  }
0x6e: {  	_ =	swait.ge [sflag:s26], $0x4000  }
0x6f: {  	[sflag:s26] =	ssyncset.done $0x0  }
0x70: {  	[sflag:s26] =	ssyncadd.s32 $0xFFFFC000  }
0x71: {  	_ =	swait.ge [sflag:s28], $0x80  }
.Ltmp1:
0x72: {  	[sflag:s28] =	ssyncset.done $0x0;
	(pc) =	sbr.rel @p0 .LBB2_4-.Ltmp1, $4  }
0x73: {  	[sflag:s28] =	ssyncadd.s32 $0xFFFFFF80  }
0x74: {  	[spmem:s2] =	stream.indirect.scatter.add.f32 [tilespmem:s22], [sflag:$0x5], $0x80, s23, s20, $0xb8;
	[tilespmem:$0x1E820] =	vst v63  }
0x75: {  	_ =	swait.ge [sflag:s18], $0x4000  }
0x76: {  	s0 =	sadd.s32 $0x100, s0;
	[sflag:s18] =	ssyncset.done $0x0  }
0x77: {  	s7 =	sadd.s32 $0xFFFFFF80, s0;
	[sflag:s18] =	ssyncadd.s32 $0xFFFFC000  }
0x78: {  	[tilespmem:s22], [sflag:$0x2] =	stream.indirect.gather [hbm4b:s4+s20], $0x80, s7, s20, $0xb8;
	[tilespmem:$0x1E820] =	vst v63  }
0x79: {  	s9 =	sadd.s32 s29, s17  }
0x7a: {  	[tilespmem:s23], [sflag:$0x4] =	stream.linear.gather [hbm4b:s9+s3], $0x80, $0x38;
	[tilespmem:$0x1E820] =	vst v63  }
0x7b: {  	_ =	swait.ge [sflag:s24], $0x4000  }
0x7c: {  	[sflag:s24] =	ssyncset.done $0x0  }
0x7d: {  	[sflag:s24] =	ssyncadd.s32 $0xFFFFC000  }
0x7e: {  	_ =	swait.ge [sflag:s25], $0x80  }
0x7f: {  	[sflag:s25] =	ssyncset.done $0x0  }
0x80: {  	[sflag:s25] =	ssyncadd.s32 $0xFFFFFF80  }
0x81: {  	[spmem:s2] =	stream.indirect.scatter.add.f32 [tilespmem:s19], [sflag:$0x5], $0x80, s21, s20, $0xb8;
	[tilespmem:$0x1E820] =	vst v63  }
0x82: {  	_ =	swait.ge [sflag:s18], $0x4000  }
0x83: {  	[sflag:s18] =	ssyncset.done $0x0  }
0x84: {  	[sflag:s18] =	ssyncadd.s32 $0xFFFFC000  }
0x85: {  	[tilespmem:s19], [sflag:$0x1] =	stream.indirect.gather [hbm4b:s4+s20], $0x80, s0, s20, $0xb8;
	[tilespmem:$0x1E820] =	vst v63  }
0x86: {  	s29 =	sadd.s32 s29, s16  }
0x87: {  	[tilespmem:s21], [sflag:$0x3] =	stream.linear.gather [hbm4b:s29+s3], $0x80, $0x38;
	[tilespmem:$0x1E820] =	vst v63  }
0x88: {  	_ =	swait.ge [sflag:s26], $0x4000  }
0x89: {  	[sflag:s26] =	ssyncset.done $0x0  }
0x8a: {  	[sflag:s26] =	ssyncadd.s32 $0xFFFFC000  }
0x8b: {  	_ =	swait.ge [sflag:s28], $0x80  }
0x8c: {  	[sflag:s28] =	ssyncset.done $0x0  }
0x8d: {  	[sflag:s28] =	ssyncadd.s32 $0xFFFFFF80  }
0x8e: {  	[spmem:s2] =	stream.indirect.scatter.add.f32 [tilespmem:s22], [sflag:$0x5], $0x80, s23, s20, $0xb8;
	[tilespmem:$0x1E820] =	vst v63  }
0x8f: {  	_ =	swait.ge [sflag:s18], $0x4000  }
0x90: {  	[sflag:s18] =	ssyncset.done $0x0  }
0x91: {  	s7 =	simm.s32 $0x2680;
	[sflag:s18] =	ssyncadd.s32 $0xFFFFC000  }
0x92: {  	[tilespmem:s22], [sflag:$0x2] =	stream.indirect.gather [hbm4b:s4+s20], $0x80, s7, s20, $0xb8;
	[tilespmem:$0x1E820] =	vst v63  }
0x93: {  	_ = 	snop  }
0x94: {  	[tilespmem:s23], [sflag:$0x4] =	stream.linear.gather [hbm4b:s15+s3], $0x80, $0x38;
	[tilespmem:$0x1E820] =	vst v63  }
0x95: {  	_ =	swait.ge [sflag:s24], $0x4000  }
0x96: {  	[sflag:s24] =	ssyncset.done $0x0  }
0x97: {  	[sflag:s24] =	ssyncadd.s32 $0xFFFFC000  }
0x98: {  	_ =	swait.ge [sflag:s25], $0x80  }
0x99: {  	[sflag:s25] =	ssyncset.done $0x0  }
0x9a: {  	[sflag:s25] =	ssyncadd.s32 $0xFFFFFF80  }
0x9b: {  	[spmem:s2] =	stream.indirect.scatter.add.f32 [tilespmem:s19], [sflag:$0x5], $0x80, s21, s20, $0xb8;
	[tilespmem:$0x1E820] =	vst v63  }
0x9c: {  	_ =	swait.ge [sflag:s18], $0x4000  }
0x9d: {  	[sflag:s18] =	ssyncset.done $0x0  }
0x9e: {  	[sflag:s18] =	ssyncadd.s32 $0xFFFFC000  }
0x9f: {  	_ =	swait.ge [sflag:s26], $0x4000  }
0xa0: {  	[sflag:s26] =	ssyncset.done $0x0  }
0xa1: {  	[sflag:s26] =	ssyncadd.s32 $0xFFFFC000  }
0xa2: {  	_ =	swait.ge [sflag:s28], $0x80  }
0xa3: {  	[sflag:s28] =	ssyncset.done $0x0  }
0xa4: {  	[sflag:s28] =	ssyncadd.s32 $0xFFFFFF80  }
0xa5: {  	[spmem:s2] =	stream.indirect.scatter.add.f32 [tilespmem:s22], [sflag:$0x5], $0x80, s23, s20, $0xb8;
	[tilespmem:$0x1E820] =	vst v63  }
0xa6: {  	_ =	swait.ge [sflag:s18], $0x4000  }
0xa7: {  	[sflag:s18] =	ssyncset.done $0x0  }
0xa8: {  	[sflag:s18] =	ssyncadd.s32 $0xFFFFC000  }
0xa9: {  	[tilespmem:s30], [sflag:$0x5] =	stream.linear.gather [hbm4b:s12+s3], $0x10, $0x38;
	[tilespmem:$0x1E820] =	vst v63  }
0xaa: {  	_ =	swait.ge [sflag:s18], $0x10  }
0xab: {  	[sflag:s18] =	ssyncset.done $0x0  }
0xac: {  	s8 =	simm.s32 $0x2700;
	[sflag:s18] =	ssyncadd.s32 $0xFFFFFFF0  }
0xad: {  	[tilespmem:s19], [sflag:$0x1] =	stream.indirect.gather [hbm4b:s4+s31], $0x80, s8, s31, $0xb8;
	[tilespmem:$0x1E820] =	vst v63  }
0xae: {  	_ =	swait.ge [sflag:s24], $0x800  }
0xaf: {  	[sflag:s24] =	ssyncset.done $0x0  }
0xb0: {  	[sflag:s24] =	ssyncadd.s32 $0xFFFFF800  }
0xb1: {  	[spmem:s2] =	stream.indirect.scatter.add.f32 [tilespmem:s19], [sflag:$0x5], $0x80, s30, s31, $0xb8;
	[tilespmem:$0x1E820] =	vst v63  }
0xb2: {  	s9 =	stileid.u32;
	_ =	swait.ge [sflag:s18], $0x800  }
0xb3: {  	s1 =	sadd.s32 $0x1, s1;
	s0 =	sshll.u32 s9, $0x6;
	[sflag:s18] =	ssyncset.done $0x0  }
0xb4: {  	p0 =	sne.s32 s1, s14;
	s0 =	sor.u32 $0x1C05, s0;
	[sflag:s18] =	ssyncadd.s32 $0xFFFFF800  }
.Ltmp2:
0xb5: {  	s29 =	sshrl.u32 s6, $0x3;
	[bflag:$0x0] =	sbarrier.arrive $0xFFFF;
	(pc) =	sbr.rel @p0 .LBB2_1-.Ltmp2, $4  }
0xb6: {  	[hbm:s13], [sflag:s0] =	dma.local [spmem:s29], $0x2800  }
0xb7: {  	_ =	swait.ge [sflag:s18], $0x2800  }
0xb8: {  	[sflag:s18] =	ssyncset.done $0x0  }
0xb9: {  	[sflag:s18] =	ssyncadd.s32 $0xFFFFD800  }
0xba: {  	_ =	sfence.sel $0x180000  }
0xbb: {  	[bflag:$0x0] =	sbarrier.arrive $0xFFFF  }
0xbc: {  	_ =	strace $0x9000004A  }
0xbd: {  	s0 =	stileid.u32;
	[bflag:$0x2] =	sbarrier.arrive $0xFFFF  }
0xbe: {  	p0 =	sne.s32 s0, $0x0;
	s0 =	rddreg [dreg:$0x3]  }
0xbf: {  	s0 =	sadd.s32 @!p0 $0x100000, s0  }
0xc0: {  	[sflag:s0] =	ssyncadd.tile.s32 @!p0 $0x1;
	_ =	shalt  }
.Lfunc_end2:
_tile_overlayer_lowered:
.L_overlay_start_2:
0xc1: {  	(tag) =	ssettag $0x2  }
0xc2: {  	s0 =	rddreg [dreg:$0x0];
	s2 =	stileid.u32  }
0xc3: {  	s1 =	rddreg [dreg:$0x1];
	p0 =	sne.s32 s2, $0x0  }
0xc4: {  	s3 =	rddreg [dreg:$0x2];
	[bflag:$0x3] =	sbarrier.arrive $0xFFFF;
	s2 =	simm.s32 @!p0 $0x1C05  }
0xc5: {  	[timem:s3], [sflag:s2] =	dma.local @!p0 [hbm:s0], s1  }
0xc6: {  	s0 =	simm.s32 @!p0 $0x5  }
0xc7: {  	_ =	swait.ge @!p0 [sflag:s0], s1  }
0xc8: {  	s1 =	ssub.s32 @!p0 $0x0, s1;
	[sflag:s0] =	ssyncset.done @!p0 $0x0  }
0xc9: {  	[sflag:s0] =	ssyncadd.s32 @!p0 s1  }
0xca: {  	[bflag:$0x3] =	sbarrier.arrive $0xFFFF  }
0xcb: {  	_ =	shalt  }

// kernel: kernel.15.cloned.1.call-start
scs
__scs_entry_jumppad:
0x0: {  	(pc) =	sbr.rel $0x88, $3  }
0x1: {  	(tag) =	ssettag $0x0;
	lr =	simm.s32 $0x1  }
0x2: {  	[smem:$0x3F9B] =	sst lr;
	_ =	strace $0xD0000000  }
0x3: {  	_ = 	snop  }
0x4: {  	_ = 	snop  }
0x5: {  	_ = 	snop  }
0x6: {  	_ = 	snop  }
0x7: {  	_ = 	snop  }
__scs_overlays_trampoline_lowered:
0x8: {  	[smem:$0x3FAA] =	sst s0  }
0x9: {  	[smem:$0x3FAB] =	sst s1  }
0xa: {  	[smem:$0x3FAC] =	sst s2  }
0xb: {  	[smem:$0x3FAD] =	sst s3  }
0xc: {  	[smem:$0x3FAE] =	sst s4  }
0xd: {  	[smem:$0x3FAF] =	sst s5  }
0xe: {  	[smem:$0x3FB0] =	sst s6  }
0xf: {  	[smem:$0x3FB1] =	sst s7  }
0x10: {  	[smem:$0x3FB2] =	sst s8  }
0x11: {  	[smem:$0x3FB3] =	sst s9;
	s0 =	simm.s32 @!p0 $0x0  }
0x12: {  	s1 =	sld [smem:$0x3F99];
	s0 =	simm.s32 @p0 $0x1  }
0x13: {  	[smem:$0x3FB4] =	sst s0;
	s0 =	simm.s32 @!p1 $0x0  }
0x14: {  	s2 =	sld [smem:$0x3F98];
	s0 =	simm.s32 @p1 $0x1  }
0x15: {  	[smem:$0x3FB5] =	sst s0;
	s0 =	simm.s32 @!p2 $0x0  }
0x16: {  	s3 =	sld [smem:$0x3FDB];
	s0 =	simm.s32 @p2 $0x1  }
0x17: {  	s4 =	simm.s32 $0x1BF5;
	[smem:$0x3FB7] =	sst s0  }
0x18: {  	s0 =	sld [smem:$0x3F9A];
	_ =	swait.ge [sflag:s4], $0x0  }
0x19: {  	s7 =	sld [smem:$0x3F9B]  }
0x1a: {  	s8 =	sadd.s32 $0xFFFFE003, lr  }
0x1b: {  	s9 =	sadd.s32 $0xFFFFFEF7, lr;
	s5 =	simm.s32 $0xFFFFFFFF;
	p2 =	slt.u32 s8, $0xFFFFF086  }
0x1c: {  	p1 =	slt.u32 s9, $0xF7A;
	s5 =	simm.s32 @!p2 $0x0  }
0x1d: {  	s5 =	simm.s32 @p1 $0x1;
	p0 =	seq.s32 s7, s2  }
0x1e: {  	s7 =	smul.u32 @!p0 $0xF7A, s2;
	p2 =	seq.s32 @!p0 s5, $0x0  }
0x1f: {  	s9 =	smul.u32 $0xF7A, s1;
	s8 =	simm.s32 @!p0 $0x1BF5;
	p2 =	por !p2, p0  }
0x20: {  	[sflag:s8] =	ssyncset.s32 @!p0 $0xFFFFF086;
	s6 =	sadd.s32 @!p0 s3, s7;
	s7 =	simm.s32 @!p0 $0x108  }
0x21: {  	s3 =	sadd.s32 s3, s9;
	s6 =	sadd.s32 @!p0 $0x88, s6;
	s7 =	simm.s32 @p2 $0x1082  }
0x22: {  	[simem:s7], [sflag:s8] =	dma.local @!p0 [hbm:s6], $0xF7A  }
0x23: {  	s9 =	sor.u32 $0xD0000000, s2;
	s6 =	simm.s32 $0x108;
	_ =	swait.ge @!p0 [sflag:s8], $0x0  }
0x24: {  	s3 =	sadd.s32 $0x88, s3;
	s6 =	simm.s32 @!p1 $0x1082;
	[sflag:s4] =	ssyncset.s32 $0xFFFFF086  }
0x25: {  	[simem:s6], [sflag:s4] =	dma.local [hbm:s3], $0xF7A  }
0x26: {  	[smem:$0x3F9B] =	sst s1;
	(tag) =	ssettag s2;
	_ =	strace s9  }
0x27: {  	s1 =	sld [smem:$0x3FAB]  }
0x28: {  	s2 =	sld [smem:$0x3FAC]  }
0x29: {  	s4 =	sld [smem:$0x3FAE]  }
0x2a: {  	p0 =	seq.s32 s5, $0x0;
	s5 =	sld [smem:$0x3FAF]  }
0x2b: {  	s6 =	sld [smem:$0x3FB0]  }
0x2c: {  	s7 =	sld [smem:$0x3FB1]  }
0x2d: {  	s3 =	simm.s32 $0x108;
	s8 =	sld [smem:$0x3FB2]  }
0x2e: {  	s3 =	simm.s32 @!p0 $0x1082;
	s9 =	sld [smem:$0x3FB3]  }
0x2f: {  	lr =	sadd.s32 s0, s3;
	s0 =	sld [smem:$0x3FAA]  }
0x30: {  	s3 =	sld [smem:$0x3FAD]  }
0x31: {  	[smem:$0x3FB6] =	sst s10  }
0x32: {  	s10 =	sld [smem:$0x3FB4];
	_ =	sdelay $0x3  }
0x33: {  	p0 =	seq.s32 s10, $0x1;
	s10 =	sld [smem:$0x3FB6];
	_ =	sdelay $0x3  }
0x34: {  	[smem:$0x3FB6] =	sst s10  }
0x35: {  	s10 =	sld [smem:$0x3FB5];
	_ =	sdelay $0x3  }
0x36: {  	p1 =	seq.s32 s10, $0x1;
	s10 =	sld [smem:$0x3FB6];
	_ =	sdelay $0x3  }
0x37: {  	[smem:$0x3FB6] =	sst s10  }
0x38: {  	s10 =	sld [smem:$0x3FB7]  }
0x39: {  	_ = 	snop;
	(pc) =	sbr.ind lr, $3  }
0x3a: {  	_ = 	snop  }
0x3b: {  	_ = 	snop  }
0x3c: {  	p2 =	seq.s32 s10, $0x1;
	s10 =	sld [smem:$0x3FB6]  }
0x3d: {  	_ =	shalt  }
0x3e: {  	_ =	shalt  }
0x3f: {  	_ =	shalt  }
0x40: {  	_ =	shalt  }
0x41: {  	_ =	shalt  }
0x42: {  	_ =	shalt  }
0x43: {  	_ =	shalt  }
0x44: {  	_ =	shalt  }
0x45: {  	_ =	shalt  }
0x46: {  	_ =	shalt  }
0x47: {  	_ =	shalt  }
0x48: {  	_ =	shalt  }
0x49: {  	_ =	shalt  }
0x4a: {  	_ =	shalt  }
0x4b: {  	_ =	shalt  }
0x4c: {  	_ =	shalt  }
0x4d: {  	_ =	shalt  }
0x4e: {  	_ =	shalt  }
0x4f: {  	_ =	shalt  }
0x50: {  	_ =	shalt  }
0x51: {  	_ =	shalt  }
0x52: {  	_ =	shalt  }
0x53: {  	_ =	shalt  }
0x54: {  	_ =	shalt  }
0x55: {  	_ =	shalt  }
0x56: {  	_ =	shalt  }
0x57: {  	_ =	shalt  }
0x58: {  	_ =	shalt  }
0x59: {  	_ =	shalt  }
0x5a: {  	_ =	shalt  }
0x5b: {  	_ =	shalt  }
0x5c: {  	_ =	shalt  }
0x5d: {  	_ =	shalt  }
0x5e: {  	_ =	shalt  }
0x5f: {  	_ =	shalt  }
0x60: {  	_ =	shalt  }
0x61: {  	_ =	shalt  }
0x62: {  	_ =	shalt  }
0x63: {  	_ =	shalt  }
0x64: {  	_ =	shalt  }
0x65: {  	_ =	shalt  }
0x66: {  	_ =	shalt  }
0x67: {  	_ =	shalt  }
0x68: {  	_ =	shalt  }
0x69: {  	_ =	shalt  }
0x6a: {  	_ =	shalt  }
0x6b: {  	_ =	shalt  }
0x6c: {  	_ =	shalt  }
0x6d: {  	_ =	shalt  }
0x6e: {  	_ =	shalt  }
0x6f: {  	_ =	shalt  }
0x70: {  	_ =	shalt  }
0x71: {  	_ =	shalt  }
0x72: {  	_ =	shalt  }
0x73: {  	_ =	shalt  }
0x74: {  	_ =	shalt  }
0x75: {  	_ =	shalt  }
0x76: {  	_ =	shalt  }
0x77: {  	_ =	shalt  }
0x78: {  	_ =	shalt  }
0x79: {  	_ =	shalt  }
0x7a: {  	_ =	shalt  }
0x7b: {  	_ =	shalt  }
0x7c: {  	_ =	shalt  }
0x7d: {  	_ =	shalt  }
0x7e: {  	_ =	shalt  }
0x7f: {  	_ =	shalt  }
0x80: {  	_ =	shalt  }
0x81: {  	_ =	shalt  }
0x82: {  	_ =	shalt  }
0x83: {  	_ =	shalt  }
0x84: {  	_ =	shalt  }
0x85: {  	_ =	shalt  }
0x86: {  	_ =	shalt  }
0x87: {  	_ =	shalt  }
.Lfunc_end0:
.L_simem_size_0:
called_computation.2_lowered:
.L_overlay_start_0:
0x88: {  	s2 =	sld [smem:$0x3FD9]  }
0x89: {  	s3 =	sld [smem:$0x3FFE];
	_ =	sdelay $0x1  }
0x8a: {  	s1 =	srdreg.scid  }
0x8b: {  	s0 =	sand.u32 $0x1, s1  }
0x8c: {  	s17 =	sshll.u32 s0, $0xA;
	s2 =	sadd.s32 s3, s2  }
0x8d: {  	s2 =	sadd.s32 s2, s17  }
0x8e: {  	[smem:$0x3FC2] =	sst s2  }
0x8f: {  	_ = 	snop  }
0x90: {  	s2 =	sld [smem:$0x3FD0];
	(tm) =	ssettm $0x1  }
0x91: {  	s18 =	sld [smem:$0x3FFB];
	_ =	sdelay $0x3  }
0x92: {  	_ =	strace s18  }
0x93: {  	s3 =	sld [smem:$0x3FFC];
	_ =	sdelay $0x3  }
0x94: {  	_ =	strace s3  }
0x95: {  	s3 =	sld [smem:$0x3FFD];
	_ =	sdelay $0x3  }
0x96: {  	_ =	strace s3  }
0x97: {  	_ =	strace $0x8FFFFFFF  }
0x98: {  	s19 =	sld [smem:$0x3FDB];
	_ =	sdelay $0x1  }
0x99: {  	s4 =	simm.s32 $_scs_section_size  }
0x9a: {  	s5 =	simm.s32 $_size__tile_overlayer_lowered;
	s6 =	simm.s32 $_tile_overlayer_lowered  }
0x9b: {  	s22 =	simm.s32 $0x1BFF;
	s21 =	sshll.u32 s6, $0x1;
	s3 =	sadd.s32 s4, s19  }
0x9c: {  	s7 =	simm.s32 $0x0;
	s20 =	sshll.u32 s5, $0x1;
	s5 =	sadd.s32 s21, s3  }
0x9d: {  	[timem:s7], [sflag:s22] =	dma.local [hbm:s5], s20  }
0x9e: {  	_ =	swait.ge [sflag:s22], s20  }
0x9f: {  	s4 =	ssub.s32 $0x0, s20;
	[sflag:s22] =	ssyncset.done $0x0  }
0xa0: {  	[sflag:s22] =	ssyncadd.s32 s4;
	_ =	sdelay $0x1  }
0xa1: {  	s23 =	simm.s32 $0x1B8B  }
0xa2: {  	_ =	swait.ge [sflag:s23], $0x1  }
0xa3: {  	[sflag:s23] =	ssyncset.done $0x0  }
0xa4: {  	s25 =	simm.s32 $0x1B8E;
	s24 =	sld [smem:$0x3FFE];
	[sflag:s23] =	ssyncadd.s32 $0xFFFFFFFF  }
0xa5: {  	s26 =	simm.s32 $execute0_lowered;
	[smem:$0x3FD2] =	sst s25  }
0xa6: {  	s5 =	sshll.u32 s26, $0x1;
	_ =	strace $0x8000004C;
	[dreg:$0x1] =	wrdreg $0xFFFFFFFF  }
0xa7: {  	s28 =	simm.s32 $_size_execute0_lowered;
	s3 =	sadd.s32 s3, s5;
	[dreg:$0x0] =	wrdreg $0x0  }
0xa8: {  	s5 =	sshll.u32 s28, $0x1;
	[dreg:$0x2] =	wrdreg s3  }
0xa9: {  	[dreg:$0x3] =	wrdreg s5  }
0xaa: {  	[dreg:$0x4] =	wrdreg $0xC0  }
0xab: {  	_ =	task [dreg:s7], $0x5FFFF  }
0xac: {  	[dreg:$0x1] =	wrdreg $0xFFFFFFFF  }
0xad: {  	[dreg:$0x0] =	wrdreg $0x60  }
0xae: {  	[dreg:$0x2] =	wrdreg s24  }
0xaf: {  	[dreg:$0x3] =	wrdreg s2  }
0xb0: {  	[dreg:$0x4] =	wrdreg $0x68200  }
0xb1: {  	[dreg:$0x5] =	wrdreg $0x9  }
0xb2: {  	_ =	task.clear_ibuf [dreg:s7], $0x6FFFF;
	_ =	strace $0x9000004C  }
0xb3: {  	s29 =	simm.s32 $0x9;
	_ =	strace $0x8000004E  }
0xb4: {  	_ =	swait.ge [sflag:s29], $0x1  }
0xb5: {  	[sflag:s29] =	ssyncadd.s32 $0xFFFFFFFF  }
0xb6: {  	_ =	strace $0x9000004E  }
0xb7: {  	_ =	sfence  }
0xb8: {  	s30 =	sld [smem:$0x0];
	_ =	sdelay $0x2  }
0xb9: {  	s31 =	sshll.u32 s1, $0xD;
	s1 =	sshrl.u32 s1, $0x2  }
0xba: {  	s3 =	sand.u32 $0x4000, s31;
	s1 =	sadd.s32 s1, s30  }
0xbb: {  	s0 =	sor.u32 s3, s0;
	s1 =	sshll.u32 s1, $0x11  }
0xbc: {  	s0 =	sor.u32 s1, s0  }
0xbd: {  	s0 =	sadd.s32 $0x8F2B, s0  }
0xbe: {  	[sflag:s0] =	ssyncadd.remote.s32 $0x1  }
0xbf: {  	_ =	sfence.sel $0xFFFF  }
0xc0: {  	[dreg:$0x0] =	wrdreg $0xFFFFFFFF;
	(pc) =	sbr.abs _section_cstart, $3  }
0xc1: {  	[dreg:$0x1] =	wrdreg $0xFFFFFFFF  }
0xc2: {  	_ =	task.clear_ibuf [dreg:s7], $0x2FFFF;
	_ =	strace $0x9FFFFFFF  }
0xc3: {  	(tm) =	ssettm $0x7FFFFFFF  }
tec
execute0_lowered:
.L_overlay_start_1:
0x0: {  	(tag) =	ssettag $0x1  }
0x1: {  	s0 =	rddreg [dreg:$0x0]  }
0x2: {  	s1 =	rddreg [dreg:$0x1]  }
0x3: {  	s2 =	rddreg [dreg:$0x2];
	s3 =	srdreg.scid  }
0x4: {  	s11 =	stileid.u32;
	s18 =	simm.s32 $0x5;
	s19 =	simm.s32 $0x2820  }
0x5: {  	s20 =	simm.s32 $0x80;
	s21 =	simm.s32 $0x2710;
	s22 =	simm.s32 $0x4820  }
0x6: {  	s28 =	simm.s32 $0x4;
	s30 =	simm.s32 $0x2810;
	s6 =	smul.u32 $0xA000, s11  }
0x7: {  	s31 =	simm.s32 $0x10;
	s7 =	sand.u32 $0x1, s3;
	s10 =	smul.u32 $0x28000, s11  }
0x8: {  	s3 =	simm.s32 $0x0;
	s5 =	sshll.u32 s11, $0x1;
	s13 =	smul.u32 $0x4E20, s11  }
0x9: {  	s4 =	smul.u32 $0xA0000, s7;
	[smem:$0x7FF] =	sst s3;
	s5 =	sor.u32 s7, s5  }
0xa: {  	s9 =	ssub.s32 $0x2, s7;
	s7 =	smul.u32 $0x2710, s7;
	_ =	strace $0x8000004D  }
0xb: {  	s5 =	smul.u32 $0x2710, s5;
	s23 =	sshrl.u32 s9, $0x1;
	s24 =	sshrl.u32 s10, $0x2  }
0xc: {  	s4 =	sadd.s32 s6, s4;
	s14 =	ssub.s32 s9, s23;
	s10 =	sadd.s32 s24, s2  }
0xd: {  	s6 =	sadd.s32 s6, s2;
	s7 =	sadd.s32 s7, s13;
	s23 =	simm.s32 $0x2790  }
0xe: {  	s24 =	simm.s32 $0x1;
	s8 =	sshrl.u32 s4, $0x3;
	s4 =	sadd.s32 $0x2400, s0  }
0xf: {  	s5 =	sshrl.u32 s5, $0x3;
	s25 =	sadd.s32 $0x4000, s10;
	s26 =	sadd.s32 $0x6000, s10  }
0x10: {  	s29 =	sadd.s32 $0x4E300, s7;
	s7 =	sadd.s32 $0x4E280, s7;
	s14 =	smax.u32 s14, $0x1  }
0x11: {  	s0 =	sadd.s32 s8, s0;
	s5 =	sadd.s32 s1, s5;
	[dreg:$0x5] =	wrdreg s25  }
0x12: {  	s8 =	sadd.s32 $0x2000, s10;
	[dreg:$0x6] =	wrdreg s26;
	s10 =	sadd.s32 $0x8000, s10  }
0x13: {  	s7 =	sshrl.u32 s7, $0x3;
	s25 =	simm.s32 $0x3;
	s26 =	simm.s32 $0x2  }
0x14: {  	[dreg:$0x4] =	wrdreg s8;
	s11 =	sadd.s32 $0x9C40, s5;
	s12 =	sadd.s32 $0xA120, s5  }
0x15: {  	s13 =	sadd.s32 $0x16400, s0;
	s0 =	sshrl.u32 s29, $0x3;
	s15 =	sadd.s32 $0xA110, s5  }
0x16: {  	v0 =	vimm.f32 $0.0e+00;
	s17 =	sadd.s32 s7, s1;
	s16 =	sadd.s32 s0, s1;
	s1 =	simm.s32 $0x0  }
.LBB2_1:
0x17: {  	[tilespmem:s3], [sflag:$0x5] =	stream.linear.gather [hbm4b:s5+s3], $0x2710, $0x38;
	[tilespmem:$0x10820] =	vst v63  }
0x18: {  	_ =	swait.ge [sflag:s18], $0x2710  }
0x19: {  	[sflag:s18] =	ssyncset.done $0x0  }
0x1a: {  	s7 =	simm.s32 $0x100;
	s0 =	simm.s32 $0x0;
	[sflag:s18] =	ssyncadd.s32 $0xFFFFD8F0  }
.LBB2_2:
0x1b: {  	p0 =	sne.s32 s7, $0x7F00;
	[tilespmem:s0+$0x2850] =	vst v0;
	s29 =	smov.u32 s7;
	s7 =	sadd.s32 $0x100, s7  }
.Ltmp0:
0x1c: {  	[tilespmem:s0+$0x2840] =	vst v0;
	(pc) =	sbr.rel @p0 .LBB2_2-.Ltmp0, $3  }
0x1d: {  	[tilespmem:s0+$0x2820] =	vst v0  }
0x1e: {  	[tilespmem:s0+$0x2830] =	vst v0;
	_ =	sdelay $0x1  }
0x1f: {  	s0 =	sshra.s32 s29, $0x2  }
0x20: {  	[tilespmem:s0+$0x2850] =	vst v0  }
0x21: {  	[tilespmem:s0+$0x2840] =	vst v0  }
0x22: {  	[tilespmem:s0+$0x2820] =	vst v0  }
0x23: {  	[tilespmem:s0+$0x2830] =	vst v0  }
0x24: {  	[spmem:s6] =	stream.linear.scatter [tilespmem:s19], [sflag:$0x5], $0x2000, $0x38;
	[tilespmem:$0x10820] =	vst v63  }
0x25: {  	_ =	swait.ge [sflag:s18], $0x2000  }
0x26: {  	[sflag:s18] =	ssyncset.done $0x0  }
0x27: {  	s8 =	rddreg [dreg:$0x4];
	[sflag:s18] =	ssyncadd.s32 $0xFFFFE000  }
0x28: {  	[spmem:s8] =	stream.linear.scatter [tilespmem:s19], [sflag:$0x5], $0x2000, $0x38;
	[tilespmem:$0x10820] =	vst v63  }
0x29: {  	_ =	swait.ge [sflag:s18], $0x2000  }
0x2a: {  	[sflag:s18] =	ssyncset.done $0x0  }
0x2b: {  	s9 =	rddreg [dreg:$0x5];
	[sflag:s18] =	ssyncadd.s32 $0xFFFFE000  }
0x2c: {  	[spmem:s9] =	stream.linear.scatter [tilespmem:s19], [sflag:$0x5], $0x2000, $0x38;
	[tilespmem:$0x10820] =	vst v63  }
0x2d: {  	_ =	swait.ge [sflag:s18], $0x2000  }
0x2e: {  	[sflag:s18] =	ssyncset.done $0x0  }
0x2f: {  	s7 =	rddreg [dreg:$0x6];
	[sflag:s18] =	ssyncadd.s32 $0xFFFFE000  }
0x30: {  	[spmem:s7] =	stream.linear.scatter [tilespmem:s19], [sflag:$0x5], $0x2000, $0x38;
	[tilespmem:$0x10820] =	vst v63  }
0x31: {  	_ =	swait.ge [sflag:s18], $0x2000  }
0x32: {  	[sflag:s18] =	ssyncset.done $0x0  }
0x33: {  	[sflag:s18] =	ssyncadd.s32 $0xFFFFE000  }
0x34: {  	[spmem:s10] =	stream.linear.scatter [tilespmem:s19], [sflag:$0x5], $0x2000, $0x38;
	[tilespmem:$0x10820] =	vst v63  }
0x35: {  	_ =	swait.ge [sflag:s18], $0x2000  }
0x36: {  	[sflag:s18] =	ssyncset.done $0x0  }
0x37: {  	[sflag:s18] =	ssyncadd.s32 $0xFFFFE000  }
0x38: {  	s8 =	simm.s32 $0x0;
	[bflag:$0x0] =	sbarrier.arrive $0xFFFF  }
0x39: {  	[tilespmem:s19], [sflag:$0x1] =	stream.indirect.gather [hbm4b:s4+s20], $0x40, s8, s20, $0xb8;
	[tilespmem:$0x10820] =	vst v63  }
0x3a: {  	_ = 	snop  }
0x3b: {  	[tilespmem:s21], [sflag:$0x3] =	stream.linear.gather [hbm4b:s11+s8], $0x80, $0x38;
	[tilespmem:$0x10820] =	vst v63  }
0x3c: {  	s9 =	simm.s32 $0x80  }
0x3d: {  	[tilespmem:s22], [sflag:$0x2] =	stream.indirect.gather [hbm4b:s4+s20], $0x40, s9, s20, $0xb8;
	[tilespmem:$0x10820] =	vst v63  }
0x3e: {  	s7 =	sadd.s32 $0x0, s17  }
0x3f: {  	[tilespmem:s23], [sflag:$0x4] =	stream.linear.gather [hbm4b:s7+s3], $0x80, $0x38;
	[tilespmem:$0x10820] =	vst v63  }
0x40: {  	_ =	swait.ge [sflag:s24], $0x2000  }
0x41: {  	[sflag:s24] =	ssyncset.done $0x0  }
0x42: {  	[sflag:s24] =	ssyncadd.s32 $0xFFFFE000  }
0x43: {  	_ =	swait.ge [sflag:s25], $0x80  }
0x44: {  	[sflag:s25] =	ssyncset.done $0x0  }
0x45: {  	[sflag:s25] =	ssyncadd.s32 $0xFFFFFF80  }
0x46: {  	[spmem:s2] =	stream.indirect.scatter.add.f32 [tilespmem:s19], [sflag:$0x5], $0x40, s21, s20, $0xb8;
	[tilespmem:$0x10820] =	vst v63  }
0x47: {  	_ =	swait.ge [sflag:s18], $0x2000  }
0x48: {  	[sflag:s18] =	ssyncset.done $0x0  }
0x49: {  	s8 =	simm.s32 $0x100;
	[sflag:s18] =	ssyncadd.s32 $0xFFFFE000  }
0x4a: {  	[tilespmem:s19], [sflag:$0x1] =	stream.indirect.gather [hbm4b:s4+s20], $0x40, s8, s20, $0xb8;
	[tilespmem:$0x10820] =	vst v63  }
0x4b: {  	s9 =	sadd.s32 $0x0, s16  }
0x4c: {  	[tilespmem:s21], [sflag:$0x3] =	stream.linear.gather [hbm4b:s9+s3], $0x80, $0x38;
	[tilespmem:$0x10820] =	vst v63  }
0x4d: {  	_ =	swait.ge [sflag:s26], $0x2000  }
0x4e: {  	[sflag:s26] =	ssyncset.done $0x0  }
0x4f: {  	[sflag:s26] =	ssyncadd.s32 $0xFFFFE000  }
0x50: {  	_ =	swait.ge [sflag:s28], $0x80  }
0x51: {  	[sflag:s28] =	ssyncset.done $0x0  }
0x52: {  	[sflag:s28] =	ssyncadd.s32 $0xFFFFFF80  }
0x53: {  	[spmem:s2] =	stream.indirect.scatter.add.f32 [tilespmem:s22], [sflag:$0x5], $0x40, s23, s20, $0xb8;
	[tilespmem:$0x10820] =	vst v63  }
0x54: {  	s29 =	simm.s32 $0x20;
	_ =	swait.ge [sflag:s18], $0x2000  }
0x55: {  	s0 =	simm.s32 $0x200;
	s7 =	simm.s32 $0x40;
	[sflag:s18] =	ssyncset.done $0x0  }
.LBB2_4:
0x56: {  	p0 =	sne.s32 s7, $0x4A0;
	s8 =	sadd.s32 $0xFFFFFF80, s0;
	[sflag:s18] =	ssyncadd.s32 $0xFFFFE000  }
0x57: {  	[tilespmem:s22], [sflag:$0x2] =	stream.indirect.gather [hbm4b:s4+s20], $0x40, s8, s20, $0xb8;
	[tilespmem:$0x10820] =	vst v63  }
0x58: {  	s9 =	smov.u32 s7;
	s7 =	sadd.s32 $0x20, s7;
	s8 =	sadd.s32 s29, s17  }
0x59: {  	[tilespmem:s23], [sflag:$0x4] =	stream.linear.gather [hbm4b:s8+s3], $0x80, $0x38;
	[tilespmem:$0x10820] =	vst v63  }
0x5a: {  	_ =	swait.ge [sflag:s24], $0x2000  }
0x5b: {  	[sflag:s24] =	ssyncset.done $0x0  }
0x5c: {  	[sflag:s24] =	ssyncadd.s32 $0xFFFFE000  }
0x5d: {  	_ =	swait.ge [sflag:s25], $0x80  }
0x5e: {  	[sflag:s25] =	ssyncset.done $0x0  }
0x5f: {  	[sflag:s25] =	ssyncadd.s32 $0xFFFFFF80  }
0x60: {  	[spmem:s2] =	stream.indirect.scatter.add.f32 [tilespmem:s19], [sflag:$0x5], $0x40, s21, s20, $0xb8;
	[tilespmem:$0x10820] =	vst v63  }
0x61: {  	_ =	swait.ge [sflag:s18], $0x2000  }
0x62: {  	[sflag:s18] =	ssyncset.done $0x0  }
0x63: {  	[sflag:s18] =	ssyncadd.s32 $0xFFFFE000  }
0x64: {  	[tilespmem:s19], [sflag:$0x1] =	stream.indirect.gather [hbm4b:s4+s20], $0x40, s0, s20, $0xb8;
	[tilespmem:$0x10820] =	vst v63  }
0x65: {  	s8 =	sadd.s32 s29, s16;
	s29 =	smov.u32 s9  }
0x66: {  	[tilespmem:s21], [sflag:$0x3] =	stream.linear.gather [hbm4b:s8+s3], $0x80, $0x38;
	[tilespmem:$0x10820] =	vst v63  }
0x67: {  	_ =	swait.ge [sflag:s26], $0x2000  }
0x68: {  	[sflag:s26] =	ssyncset.done $0x0  }
0x69: {  	[sflag:s26] =	ssyncadd.s32 $0xFFFFE000  }
0x6a: {  	_ =	swait.ge [sflag:s28], $0x80  }
.Ltmp1:
0x6b: {  	[sflag:s28] =	ssyncset.done $0x0;
	(pc) =	sbr.rel @p0 .LBB2_4-.Ltmp1, $4  }
0x6c: {  	[sflag:s28] =	ssyncadd.s32 $0xFFFFFF80  }
0x6d: {  	[spmem:s2] =	stream.indirect.scatter.add.f32 [tilespmem:s22], [sflag:$0x5], $0x40, s23, s20, $0xb8;
	[tilespmem:$0x10820] =	vst v63  }
0x6e: {  	_ =	swait.ge [sflag:s18], $0x2000  }
0x6f: {  	s0 =	sadd.s32 $0x100, s0;
	[sflag:s18] =	ssyncset.done $0x0  }
0x70: {  	s7 =	sadd.s32 $0xFFFFFF80, s0;
	[sflag:s18] =	ssyncadd.s32 $0xFFFFE000  }
0x71: {  	[tilespmem:s22], [sflag:$0x2] =	stream.indirect.gather [hbm4b:s4+s20], $0x40, s7, s20, $0xb8;
	[tilespmem:$0x10820] =	vst v63  }
0x72: {  	s9 =	sadd.s32 s29, s17  }
0x73: {  	[tilespmem:s23], [sflag:$0x4] =	stream.linear.gather [hbm4b:s9+s3], $0x80, $0x38;
	[tilespmem:$0x10820] =	vst v63  }
0x74: {  	_ =	swait.ge [sflag:s24], $0x2000  }
0x75: {  	[sflag:s24] =	ssyncset.done $0x0  }
0x76: {  	[sflag:s24] =	ssyncadd.s32 $0xFFFFE000  }
0x77: {  	_ =	swait.ge [sflag:s25], $0x80  }
0x78: {  	[sflag:s25] =	ssyncset.done $0x0  }
0x79: {  	[sflag:s25] =	ssyncadd.s32 $0xFFFFFF80  }
0x7a: {  	[spmem:s2] =	stream.indirect.scatter.add.f32 [tilespmem:s19], [sflag:$0x5], $0x40, s21, s20, $0xb8;
	[tilespmem:$0x10820] =	vst v63  }
0x7b: {  	_ =	swait.ge [sflag:s18], $0x2000  }
0x7c: {  	[sflag:s18] =	ssyncset.done $0x0  }
0x7d: {  	[sflag:s18] =	ssyncadd.s32 $0xFFFFE000  }
0x7e: {  	[tilespmem:s19], [sflag:$0x1] =	stream.indirect.gather [hbm4b:s4+s20], $0x40, s0, s20, $0xb8;
	[tilespmem:$0x10820] =	vst v63  }
0x7f: {  	s29 =	sadd.s32 s29, s16  }
0x80: {  	[tilespmem:s21], [sflag:$0x3] =	stream.linear.gather [hbm4b:s29+s3], $0x80, $0x38;
	[tilespmem:$0x10820] =	vst v63  }
0x81: {  	_ =	swait.ge [sflag:s26], $0x2000  }
0x82: {  	[sflag:s26] =	ssyncset.done $0x0  }
0x83: {  	[sflag:s26] =	ssyncadd.s32 $0xFFFFE000  }
0x84: {  	_ =	swait.ge [sflag:s28], $0x80  }
0x85: {  	[sflag:s28] =	ssyncset.done $0x0  }
0x86: {  	[sflag:s28] =	ssyncadd.s32 $0xFFFFFF80  }
0x87: {  	[spmem:s2] =	stream.indirect.scatter.add.f32 [tilespmem:s22], [sflag:$0x5], $0x40, s23, s20, $0xb8;
	[tilespmem:$0x10820] =	vst v63  }
0x88: {  	_ =	swait.ge [sflag:s18], $0x2000  }
0x89: {  	[sflag:s18] =	ssyncset.done $0x0  }
0x8a: {  	s7 =	simm.s32 $0x2680;
	[sflag:s18] =	ssyncadd.s32 $0xFFFFE000  }
0x8b: {  	[tilespmem:s22], [sflag:$0x2] =	stream.indirect.gather [hbm4b:s4+s20], $0x40, s7, s20, $0xb8;
	[tilespmem:$0x10820] =	vst v63  }
0x8c: {  	_ = 	snop  }
0x8d: {  	[tilespmem:s23], [sflag:$0x4] =	stream.linear.gather [hbm4b:s15+s3], $0x80, $0x38;
	[tilespmem:$0x10820] =	vst v63  }
0x8e: {  	_ =	swait.ge [sflag:s24], $0x2000  }
0x8f: {  	[sflag:s24] =	ssyncset.done $0x0  }
0x90: {  	[sflag:s24] =	ssyncadd.s32 $0xFFFFE000  }
0x91: {  	_ =	swait.ge [sflag:s25], $0x80  }
0x92: {  	[sflag:s25] =	ssyncset.done $0x0  }
0x93: {  	[sflag:s25] =	ssyncadd.s32 $0xFFFFFF80  }
0x94: {  	[spmem:s2] =	stream.indirect.scatter.add.f32 [tilespmem:s19], [sflag:$0x5], $0x40, s21, s20, $0xb8;
	[tilespmem:$0x10820] =	vst v63  }
0x95: {  	_ =	swait.ge [sflag:s18], $0x2000  }
0x96: {  	[sflag:s18] =	ssyncset.done $0x0  }
0x97: {  	[sflag:s18] =	ssyncadd.s32 $0xFFFFE000  }
0x98: {  	_ =	swait.ge [sflag:s26], $0x2000  }
0x99: {  	[sflag:s26] =	ssyncset.done $0x0  }
0x9a: {  	[sflag:s26] =	ssyncadd.s32 $0xFFFFE000  }
0x9b: {  	_ =	swait.ge [sflag:s28], $0x80  }
0x9c: {  	[sflag:s28] =	ssyncset.done $0x0  }
0x9d: {  	[sflag:s28] =	ssyncadd.s32 $0xFFFFFF80  }
0x9e: {  	[spmem:s2] =	stream.indirect.scatter.add.f32 [tilespmem:s22], [sflag:$0x5], $0x40, s23, s20, $0xb8;
	[tilespmem:$0x10820] =	vst v63  }
0x9f: {  	_ =	swait.ge [sflag:s18], $0x2000  }
0xa0: {  	[sflag:s18] =	ssyncset.done $0x0  }
0xa1: {  	[sflag:s18] =	ssyncadd.s32 $0xFFFFE000  }
0xa2: {  	[tilespmem:s30], [sflag:$0x5] =	stream.linear.gather [hbm4b:s12+s3], $0x10, $0x38;
	[tilespmem:$0x10820] =	vst v63  }
0xa3: {  	_ =	swait.ge [sflag:s18], $0x10  }
0xa4: {  	[sflag:s18] =	ssyncset.done $0x0  }
0xa5: {  	s8 =	simm.s32 $0x2700;
	[sflag:s18] =	ssyncadd.s32 $0xFFFFFFF0  }
0xa6: {  	[tilespmem:s19], [sflag:$0x1] =	stream.indirect.gather [hbm4b:s4+s31], $0x40, s8, s31, $0xb8;
	[tilespmem:$0x10820] =	vst v63  }
0xa7: {  	_ =	swait.ge [sflag:s24], $0x400  }
0xa8: {  	[sflag:s24] =	ssyncset.done $0x0  }
0xa9: {  	[sflag:s24] =	ssyncadd.s32 $0xFFFFFC00  }
0xaa: {  	[spmem:s2] =	stream.indirect.scatter.add.f32 [tilespmem:s19], [sflag:$0x5], $0x40, s30, s31, $0xb8;
	[tilespmem:$0x10820] =	vst v63  }
0xab: {  	s9 =	stileid.u32;
	_ =	swait.ge [sflag:s18], $0x400  }
0xac: {  	s1 =	sadd.s32 $0x1, s1;
	s0 =	sshll.u32 s9, $0x6;
	[sflag:s18] =	ssyncset.done $0x0  }
0xad: {  	p0 =	sne.s32 s1, s14;
	s0 =	sor.u32 $0x1C05, s0;
	[sflag:s18] =	ssyncadd.s32 $0xFFFFFC00  }
.Ltmp2:
0xae: {  	s29 =	sshrl.u32 s6, $0x3;
	[bflag:$0x0] =	sbarrier.arrive $0xFFFF;
	(pc) =	sbr.rel @p0 .LBB2_1-.Ltmp2, $4  }
0xaf: {  	[hbm:s13], [sflag:s0] =	dma.local [spmem:s29], $0x1400  }
0xb0: {  	_ =	swait.ge [sflag:s18], $0x1400  }
0xb1: {  	[sflag:s18] =	ssyncset.done $0x0  }
0xb2: {  	[sflag:s18] =	ssyncadd.s32 $0xFFFFEC00  }
0xb3: {  	_ =	sfence.sel $0x180000  }
0xb4: {  	[bflag:$0x0] =	sbarrier.arrive $0xFFFF  }
0xb5: {  	_ =	strace $0x9000004D  }
0xb6: {  	s0 =	stileid.u32;
	[bflag:$0x2] =	sbarrier.arrive $0xFFFF  }
0xb7: {  	p0 =	sne.s32 s0, $0x0;
	s0 =	rddreg [dreg:$0x3]  }
0xb8: {  	s0 =	sadd.s32 @!p0 $0x100000, s0  }
0xb9: {  	[sflag:s0] =	ssyncadd.tile.s32 @!p0 $0x1;
	_ =	shalt  }
.Lfunc_end2:
_tile_overlayer_lowered:
.L_overlay_start_2:
0xba: {  	(tag) =	ssettag $0x2  }
0xbb: {  	s0 =	rddreg [dreg:$0x0];
	s2 =	stileid.u32  }
0xbc: {  	s1 =	rddreg [dreg:$0x1];
	p0 =	sne.s32 s2, $0x0  }
0xbd: {  	s3 =	rddreg [dreg:$0x2];
	[bflag:$0x3] =	sbarrier.arrive $0xFFFF;
	s2 =	simm.s32 @!p0 $0x1C05  }
0xbe: {  	[timem:s3], [sflag:s2] =	dma.local @!p0 [hbm:s0], s1  }
0xbf: {  	s0 =	simm.s32 @!p0 $0x5  }
0xc0: {  	_ =	swait.ge @!p0 [sflag:s0], s1  }
0xc1: {  	s1 =	ssub.s32 @!p0 $0x0, s1;
	[sflag:s0] =	ssyncset.done @!p0 $0x0  }
0xc2: {  	[sflag:s0] =	ssyncadd.s32 @!p0 s1  }
0xc3: {  	[bflag:$0x3] =	sbarrier.arrive $0xFFFF  }
0xc4: {  	_ =	shalt  }

// kernel: kernel.9.cloned.1.call-start
scs
__scs_entry_jumppad:
0x0: {  	(pc) =	sbr.rel $0x88, $3  }
0x1: {  	(tag) =	ssettag $0x0;
	lr =	simm.s32 $0x1  }
0x2: {  	[smem:$0x3F9B] =	sst lr;
	_ =	strace $0xD0000000  }
0x3: {  	_ = 	snop  }
0x4: {  	_ = 	snop  }
0x5: {  	_ = 	snop  }
0x6: {  	_ = 	snop  }
0x7: {  	_ = 	snop  }
__scs_overlays_trampoline_lowered:
0x8: {  	[smem:$0x3FAA] =	sst s0  }
0x9: {  	[smem:$0x3FAB] =	sst s1  }
0xa: {  	[smem:$0x3FAC] =	sst s2  }
0xb: {  	[smem:$0x3FAD] =	sst s3  }
0xc: {  	[smem:$0x3FAE] =	sst s4  }
0xd: {  	[smem:$0x3FAF] =	sst s5  }
0xe: {  	[smem:$0x3FB0] =	sst s6  }
0xf: {  	[smem:$0x3FB1] =	sst s7  }
0x10: {  	[smem:$0x3FB2] =	sst s8  }
0x11: {  	[smem:$0x3FB3] =	sst s9;
	s0 =	simm.s32 @!p0 $0x0  }
0x12: {  	s1 =	sld [smem:$0x3F99];
	s0 =	simm.s32 @p0 $0x1  }
0x13: {  	[smem:$0x3FB4] =	sst s0;
	s0 =	simm.s32 @!p1 $0x0  }
0x14: {  	s2 =	sld [smem:$0x3F98];
	s0 =	simm.s32 @p1 $0x1  }
0x15: {  	[smem:$0x3FB5] =	sst s0;
	s0 =	simm.s32 @!p2 $0x0  }
0x16: {  	s3 =	sld [smem:$0x3FDB];
	s0 =	simm.s32 @p2 $0x1  }
0x17: {  	s4 =	simm.s32 $0x1BF5;
	[smem:$0x3FB7] =	sst s0  }
0x18: {  	s0 =	sld [smem:$0x3F9A];
	_ =	swait.ge [sflag:s4], $0x0  }
0x19: {  	s7 =	sld [smem:$0x3F9B]  }
0x1a: {  	s8 =	sadd.s32 $0xFFFFE003, lr  }
0x1b: {  	s9 =	sadd.s32 $0xFFFFFEF7, lr;
	s5 =	simm.s32 $0xFFFFFFFF;
	p2 =	slt.u32 s8, $0xFFFFF086  }
0x1c: {  	p1 =	slt.u32 s9, $0xF7A;
	s5 =	simm.s32 @!p2 $0x0  }
0x1d: {  	s5 =	simm.s32 @p1 $0x1;
	p0 =	seq.s32 s7, s2  }
0x1e: {  	s7 =	smul.u32 @!p0 $0xF7A, s2;
	p2 =	seq.s32 @!p0 s5, $0x0  }
0x1f: {  	s9 =	smul.u32 $0xF7A, s1;
	s8 =	simm.s32 @!p0 $0x1BF5;
	p2 =	por !p2, p0  }
0x20: {  	[sflag:s8] =	ssyncset.s32 @!p0 $0xFFFFF086;
	s6 =	sadd.s32 @!p0 s3, s7;
	s7 =	simm.s32 @!p0 $0x108  }
0x21: {  	s3 =	sadd.s32 s3, s9;
	s6 =	sadd.s32 @!p0 $0x88, s6;
	s7 =	simm.s32 @p2 $0x1082  }
0x22: {  	[simem:s7], [sflag:s8] =	dma.local @!p0 [hbm:s6], $0xF7A  }
0x23: {  	s9 =	sor.u32 $0xD0000000, s2;
	s6 =	simm.s32 $0x108;
	_ =	swait.ge @!p0 [sflag:s8], $0x0  }
0x24: {  	s3 =	sadd.s32 $0x88, s3;
	s6 =	simm.s32 @!p1 $0x1082;
	[sflag:s4] =	ssyncset.s32 $0xFFFFF086  }
0x25: {  	[simem:s6], [sflag:s4] =	dma.local [hbm:s3], $0xF7A  }
0x26: {  	[smem:$0x3F9B] =	sst s1;
	(tag) =	ssettag s2;
	_ =	strace s9  }
0x27: {  	s1 =	sld [smem:$0x3FAB]  }
0x28: {  	s2 =	sld [smem:$0x3FAC]  }
0x29: {  	s4 =	sld [smem:$0x3FAE]  }
0x2a: {  	p0 =	seq.s32 s5, $0x0;
	s5 =	sld [smem:$0x3FAF]  }
0x2b: {  	s6 =	sld [smem:$0x3FB0]  }
0x2c: {  	s7 =	sld [smem:$0x3FB1]  }
0x2d: {  	s3 =	simm.s32 $0x108;
	s8 =	sld [smem:$0x3FB2]  }
0x2e: {  	s3 =	simm.s32 @!p0 $0x1082;
	s9 =	sld [smem:$0x3FB3]  }
0x2f: {  	lr =	sadd.s32 s0, s3;
	s0 =	sld [smem:$0x3FAA]  }
0x30: {  	s3 =	sld [smem:$0x3FAD]  }
0x31: {  	[smem:$0x3FB6] =	sst s10  }
0x32: {  	s10 =	sld [smem:$0x3FB4];
	_ =	sdelay $0x3  }
0x33: {  	p0 =	seq.s32 s10, $0x1;
	s10 =	sld [smem:$0x3FB6];
	_ =	sdelay $0x3  }
0x34: {  	[smem:$0x3FB6] =	sst s10  }
0x35: {  	s10 =	sld [smem:$0x3FB5];
	_ =	sdelay $0x3  }
0x36: {  	p1 =	seq.s32 s10, $0x1;
	s10 =	sld [smem:$0x3FB6];
	_ =	sdelay $0x3  }
0x37: {  	[smem:$0x3FB6] =	sst s10  }
0x38: {  	s10 =	sld [smem:$0x3FB7]  }
0x39: {  	_ = 	snop;
	(pc) =	sbr.ind lr, $3  }
0x3a: {  	_ = 	snop  }
0x3b: {  	_ = 	snop  }
0x3c: {  	p2 =	seq.s32 s10, $0x1;
	s10 =	sld [smem:$0x3FB6]  }
0x3d: {  	_ =	shalt  }
0x3e: {  	_ =	shalt  }
0x3f: {  	_ =	shalt  }
0x40: {  	_ =	shalt  }
0x41: {  	_ =	shalt  }
0x42: {  	_ =	shalt  }
0x43: {  	_ =	shalt  }
0x44: {  	_ =	shalt  }
0x45: {  	_ =	shalt  }
0x46: {  	_ =	shalt  }
0x47: {  	_ =	shalt  }
0x48: {  	_ =	shalt  }
0x49: {  	_ =	shalt  }
0x4a: {  	_ =	shalt  }
0x4b: {  	_ =	shalt  }
0x4c: {  	_ =	shalt  }
0x4d: {  	_ =	shalt  }
0x4e: {  	_ =	shalt  }
0x4f: {  	_ =	shalt  }
0x50: {  	_ =	shalt  }
0x51: {  	_ =	shalt  }
0x52: {  	_ =	shalt  }
0x53: {  	_ =	shalt  }
0x54: {  	_ =	shalt  }
0x55: {  	_ =	shalt  }
0x56: {  	_ =	shalt  }
0x57: {  	_ =	shalt  }
0x58: {  	_ =	shalt  }
0x59: {  	_ =	shalt  }
0x5a: {  	_ =	shalt  }
0x5b: {  	_ =	shalt  }
0x5c: {  	_ =	shalt  }
0x5d: {  	_ =	shalt  }
0x5e: {  	_ =	shalt  }
0x5f: {  	_ =	shalt  }
0x60: {  	_ =	shalt  }
0x61: {  	_ =	shalt  }
0x62: {  	_ =	shalt  }
0x63: {  	_ =	shalt  }
0x64: {  	_ =	shalt  }
0x65: {  	_ =	shalt  }
0x66: {  	_ =	shalt  }
0x67: {  	_ =	shalt  }
0x68: {  	_ =	shalt  }
0x69: {  	_ =	shalt  }
0x6a: {  	_ =	shalt  }
0x6b: {  	_ =	shalt  }
0x6c: {  	_ =	shalt  }
0x6d: {  	_ =	shalt  }
0x6e: {  	_ =	shalt  }
0x6f: {  	_ =	shalt  }
0x70: {  	_ =	shalt  }
0x71: {  	_ =	shalt  }
0x72: {  	_ =	shalt  }
0x73: {  	_ =	shalt  }
0x74: {  	_ =	shalt  }
0x75: {  	_ =	shalt  }
0x76: {  	_ =	shalt  }
0x77: {  	_ =	shalt  }
0x78: {  	_ =	shalt  }
0x79: {  	_ =	shalt  }
0x7a: {  	_ =	shalt  }
0x7b: {  	_ =	shalt  }
0x7c: {  	_ =	shalt  }
0x7d: {  	_ =	shalt  }
0x7e: {  	_ =	shalt  }
0x7f: {  	_ =	shalt  }
0x80: {  	_ =	shalt  }
0x81: {  	_ =	shalt  }
0x82: {  	_ =	shalt  }
0x83: {  	_ =	shalt  }
0x84: {  	_ =	shalt  }
0x85: {  	_ =	shalt  }
0x86: {  	_ =	shalt  }
0x87: {  	_ =	shalt  }
.Lfunc_end0:
.L_simem_size_0:
called_computation_lowered:
.L_overlay_start_0:
0x88: {  	s2 =	sld [smem:$0x3FD9]  }
0x89: {  	s3 =	sld [smem:$0x3FFE];
	_ =	sdelay $0x1  }
0x8a: {  	s1 =	srdreg.scid  }
0x8b: {  	s0 =	sand.u32 $0x1, s1  }
0x8c: {  	s17 =	sshll.u32 s0, $0xA;
	s2 =	sadd.s32 s3, s2  }
0x8d: {  	s2 =	sadd.s32 s2, s17  }
0x8e: {  	[smem:$0x3FC2] =	sst s2  }
0x8f: {  	_ = 	snop  }
0x90: {  	s2 =	sld [smem:$0x3FD0];
	(tm) =	ssettm $0x1  }
0x91: {  	s18 =	sld [smem:$0x3FFB];
	_ =	sdelay $0x3  }
0x92: {  	_ =	strace s18  }
0x93: {  	s3 =	sld [smem:$0x3FFC];
	_ =	sdelay $0x3  }
0x94: {  	_ =	strace s3  }
0x95: {  	s3 =	sld [smem:$0x3FFD];
	_ =	sdelay $0x3  }
0x96: {  	_ =	strace s3  }
0x97: {  	_ =	strace $0x8FFFFFFF  }
0x98: {  	s19 =	sld [smem:$0x3FDB];
	_ =	sdelay $0x1  }
0x99: {  	s4 =	simm.s32 $_scs_section_size  }
0x9a: {  	s5 =	simm.s32 $_size__tile_overlayer_lowered;
	s6 =	simm.s32 $_tile_overlayer_lowered  }
0x9b: {  	s22 =	simm.s32 $0x1BFF;
	s21 =	sshll.u32 s6, $0x1;
	s3 =	sadd.s32 s4, s19  }
0x9c: {  	s7 =	simm.s32 $0x0;
	s20 =	sshll.u32 s5, $0x1;
	s5 =	sadd.s32 s21, s3  }
0x9d: {  	[timem:s7], [sflag:s22] =	dma.local [hbm:s5], s20  }
0x9e: {  	_ =	swait.ge [sflag:s22], s20  }
0x9f: {  	s4 =	ssub.s32 $0x0, s20;
	[sflag:s22] =	ssyncset.done $0x0  }
0xa0: {  	[sflag:s22] =	ssyncadd.s32 s4;
	_ =	sdelay $0x1  }
0xa1: {  	s23 =	simm.s32 $0x1B8B  }
0xa2: {  	_ =	swait.ge [sflag:s23], $0x1  }
0xa3: {  	[sflag:s23] =	ssyncset.done $0x0  }
0xa4: {  	s25 =	simm.s32 $0x1B8E;
	s24 =	sld [smem:$0x3FFE];
	[sflag:s23] =	ssyncadd.s32 $0xFFFFFFFF  }
0xa5: {  	s26 =	simm.s32 $execute0_lowered;
	[smem:$0x3FD2] =	sst s25  }
0xa6: {  	s5 =	sshll.u32 s26, $0x1;
	_ =	strace $0x80000046;
	[dreg:$0x1] =	wrdreg $0xFFFFFFFF  }
0xa7: {  	s28 =	simm.s32 $_size_execute0_lowered;
	s3 =	sadd.s32 s3, s5;
	[dreg:$0x0] =	wrdreg $0x0  }
0xa8: {  	s5 =	sshll.u32 s28, $0x1;
	[dreg:$0x2] =	wrdreg s3  }
0xa9: {  	[dreg:$0x3] =	wrdreg s5  }
0xaa: {  	[dreg:$0x4] =	wrdreg $0xC0  }
0xab: {  	_ =	task [dreg:s7], $0x5FFFF  }
0xac: {  	[dreg:$0x1] =	wrdreg $0xFFFFFFFF  }
0xad: {  	[dreg:$0x0] =	wrdreg $0x60  }
0xae: {  	[dreg:$0x2] =	wrdreg s2  }
0xaf: {  	[dreg:$0x3] =	wrdreg s24  }
0xb0: {  	[dreg:$0x4] =	wrdreg $0x9E200  }
0xb1: {  	[dreg:$0x5] =	wrdreg $0x9  }
0xb2: {  	_ =	task.clear_ibuf [dreg:s7], $0x6FFFF;
	_ =	strace $0x90000046  }
0xb3: {  	s29 =	simm.s32 $0x9;
	_ =	strace $0x80000048  }
0xb4: {  	_ =	swait.ge [sflag:s29], $0x1  }
0xb5: {  	[sflag:s29] =	ssyncadd.s32 $0xFFFFFFFF  }
0xb6: {  	_ =	strace $0x90000048  }
0xb7: {  	_ =	sfence  }
0xb8: {  	s30 =	sld [smem:$0x0];
	_ =	sdelay $0x2  }
0xb9: {  	s31 =	sshll.u32 s1, $0xD;
	s1 =	sshrl.u32 s1, $0x2  }
0xba: {  	s3 =	sand.u32 $0x4000, s31;
	s1 =	sadd.s32 s1, s30  }
0xbb: {  	s0 =	sor.u32 s3, s0;
	s1 =	sshll.u32 s1, $0x11  }
0xbc: {  	s0 =	sor.u32 s1, s0  }
0xbd: {  	s0 =	sadd.s32 $0x8F2B, s0  }
0xbe: {  	[sflag:s0] =	ssyncadd.remote.s32 $0x1  }
0xbf: {  	_ =	sfence.sel $0xFFFF  }
0xc0: {  	[dreg:$0x0] =	wrdreg $0xFFFFFFFF;
	(pc) =	sbr.abs _section_cstart, $3  }
0xc1: {  	[dreg:$0x1] =	wrdreg $0xFFFFFFFF  }
0xc2: {  	_ =	task.clear_ibuf [dreg:s7], $0x2FFFF;
	_ =	strace $0x9FFFFFFF  }
0xc3: {  	(tm) =	ssettm $0x7FFFFFFF  }
tec
execute0_lowered:
.L_overlay_start_1:
0x0: {  	(tag) =	ssettag $0x1  }
0x1: {  	s3 =	rddreg [dreg:$0x0]  }
0x2: {  	s5 =	rddreg [dreg:$0x1];
	s0 =	srdreg.scid  }
0x3: {  	s6 =	rddreg [dreg:$0x2];
	s1 =	stileid.u32;
	s2 =	simm.s32 $0x0  }
0x4: {  	s11 =	simm.s32 $0x2A00;
	s12 =	simm.s32 $0x7620;
	s8 =	smul.u32 $0x4E20, s1  }
0x5: {  	s4 =	sand.u32 $0x1, s0;
	s0 =	rddreg [dreg:$0x3];
	s26 =	smul.u32 $0xA000, s1  }
0x6: {  	s13 =	simm.s32 $0x0;
	[smem:$0x7FF] =	sst s2;
	s28 =	smul.u32 $0x280, s1  }
0x7: {  	s7 =	smul.u32 $0x4E200, s4;
	s9 =	ssub.s32 $0x2, s4;
	_ =	strace $0x80000047  }
0x8: {  	p0 =	seq.s32 s4, $0x1;
	s10 =	sshrl.u32 s9, $0x1;
	s29 =	sshrl.u32 s26, $0x2  }
0x9: {  	s11 =	simm.s32 @!p0 $0x2400;
	s30 =	sshrl.u32 s28, $0x3;
	s7 =	sadd.s32 s8, s7  }
0xa: {  	s25 =	ssub.s32 s9, s10;
	s4 =	sadd.s32 s29, s6;
	s31 =	sadd.s32 s11, s5  }
0xb: {  	s5 =	sadd.s32 s28, s6;
	s8 =	simm.s32 $0x1;
	s9 =	simm.s32 $0x4E20  }
0xc: {  	s10 =	simm.s32 $0x280;
	s11 =	simm.s32 $0x2800;
	s7 =	sshrl.u32 s7, $0x3  }
0xd: {  	v0 =	vimm.f32 $0.0e+00;
	v1 =	vimm.f32 $1.000000000e+00;
	s6 =	smax.u32 s25, $0x1;
	s3 =	sadd.s32 s3, s7;
	s7 =	sadd.s32 s31, s30  }
.LBB2_1:
0xe: {  	[tilespmem:s2], [sflag:$0x1] =	stream.linear.gather [hbm4b:s3+s2], $0x4E20, $0x38;
	[tilespmem:$0xC620] =	vst v63  }
0xf: {  	_ =	swait.ge [sflag:s8], $0x4E20  }
0x10: {  	[sflag:s8] =	ssyncset.done $0x0  }
0x11: {  	s14 =	simm.s32 $0x0;
	[sflag:s8] =	ssyncadd.s32 $0xFFFFB1E0  }
.LBB2_2:
0x12: {  	p0 =	sne.s32 s14, $0x9FC0  }
.Ltmp0:
0x13: {  	_ = 	snop;
	(pc) =	sbr.rel @p0 .LBB2_2-.Ltmp0, $3  }
0x14: {  	_ =	sdelay $0x1  }
0x15: {  	s15 =	sshra.s32 s14, $0x2  }
0x16: {  	s14 =	sadd.s32 $0x40, s14;
	[tilespmem:s15+$0x4E20] =	vst v0  }
0x17: {  	s15 =	simm.s32 $0x0;
	s14 =	simm.s32 $0x40  }
.LBB2_4:
0x18: {  	p0 =	sne.s32 s14, $0x13840;
	v2 =	vld [tilespmem:s15+$0x0];
	_ =	sdelay $0x3  }
.Ltmp1:
0x19: {  	(pc) =	sbr.rel @p0 .LBB2_4-.Ltmp1, $2  }
0x1a: {  	_ =	sdelay $0x2  }
0x1b: {  	s15 =	sshra.s32 s14, $0x2;
	s14 =	sadd.s32 $0x40, s14;
	[tilespmem:v2+s9+$0x0] =	vst.idx.add.f32.msk $0xffff, v1  }
0x1c: {  	v2 =	vld [tilespmem:s15+$0x0];
	_ =	sdelay $0x7  }
0x1d: {  	[tilespmem:v2+s9+$0x0] =	vst.idx.add.f32.msk $0xffff, v1  }
0x1e: {  	[spmem:s4] =	stream.linear.scatter [tilespmem:s9], [sflag:$0x1], $0x2800, $0x38;
	[tilespmem:$0xC620] =	vst v63  }
0x1f: {  	_ =	swait.ge [sflag:s8], $0x2800  }
0x20: {  	[sflag:s8] =	ssyncset.done $0x0  }
0x21: {  	[sflag:s8] =	ssyncadd.s32 $0xFFFFD800  }
0x22: {  	[bflag:$0x0] =	sbarrier.arrive $0xFFFF  }
0x23: {  	[tilespmem:s12], [sflag:$0x1] =	stream.strided.gather [spmem:s5], $0x2800, s11, s10, $0x38;
	[tilespmem:$0xC620] =	vst v63  }
0x24: {  	_ =	swait.ge [sflag:s8], $0x2800  }
0x25: {  	[sflag:s8] =	ssyncset.done $0x0  }
0x26: {  	s17 =	simm.s32 $0x0;
	[sflag:s8] =	ssyncadd.s32 $0xFFFFD800  }
0x27: {  	v2 =	vld [tilespmem:s17+$0x7620];
	_ =	sdelay $0x1  }
0x28: {  	v3 =	vld [tilespmem:s17+$0x78A0];
	_ =	sdelay $0x1  }
0x29: {  	v4 =	vld [tilespmem:s17+$0x7B20]  }
0x2a: {  	v2 =	vadd.f32 $0.0e+00, v2  }
0x2b: {  	v5 =	vld [tilespmem:s17+$0x7DA0]  }
0x2c: {  	v2 =	vadd.f32 v3, v2  }
0x2d: {  	v3 =	vld [tilespmem:s17+$0x8020]  }
0x2e: {  	v2 =	vadd.f32 v4, v2  }
0x2f: {  	v4 =	vld [tilespmem:s17+$0x82A0]  }
0x30: {  	v2 =	vadd.f32 v5, v2  }
0x31: {  	v5 =	vld [tilespmem:s17+$0x8520]  }
0x32: {  	v2 =	vadd.f32 v3, v2  }
0x33: {  	s16 =	simm.s32 $0x10;
	v3 =	vld [tilespmem:s17+$0x87A0]  }
0x34: {  	v6 =	vld [tilespmem:s16+$0x7620];
	v2 =	vadd.f32 v4, v2  }
0x35: {  	v4 =	vld [tilespmem:s17+$0x8A20]  }
0x36: {  	v7 =	vld [tilespmem:s16+$0x78A0];
	v2 =	vadd.f32 v5, v2  }
0x37: {  	v5 =	vld [tilespmem:s17+$0x8CA0]  }
0x38: {  	v8 =	vld [tilespmem:s16+$0x7B20];
	v2 =	vadd.f32 v3, v2  }
0x39: {  	v3 =	vld [tilespmem:s17+$0x8F20]  }
0x3a: {  	v9 =	vld [tilespmem:s16+$0x7DA0];
	v6 =	vadd.f32 $0.0e+00, v6;
	v2 =	vadd.f32 v4, v2  }
0x3b: {  	v4 =	vld [tilespmem:s17+$0x91A0]  }
0x3c: {  	v6 =	vadd.f32 v7, v6;
	v7 =	vld [tilespmem:s16+$0x8020];
	v2 =	vadd.f32 v5, v2  }
0x3d: {  	v5 =	vld [tilespmem:s17+$0x9420]  }
0x3e: {  	v6 =	vadd.f32 v8, v6;
	v8 =	vld [tilespmem:s16+$0x82A0];
	v2 =	vadd.f32 v3, v2  }
0x3f: {  	v3 =	vld [tilespmem:s17+$0x96A0]  }
0x40: {  	v6 =	vadd.f32 v9, v6;
	v9 =	vld [tilespmem:s16+$0x8520];
	v2 =	vadd.f32 v4, v2  }
0x41: {  	v4 =	vld [tilespmem:s17+$0x9920]  }
0x42: {  	v6 =	vadd.f32 v7, v6;
	v7 =	vld [tilespmem:s16+$0x87A0];
	v2 =	vadd.f32 v5, v2  }
0x43: {  	v5 =	vld [tilespmem:s17+$0x9BA0]  }
0x44: {  	s14 =	simm.s32 $0x20;
	v6 =	vadd.f32 v8, v6;
	v8 =	vld [tilespmem:s16+$0x8A20];
	v2 =	vadd.f32 v3, v2  }
0x45: {  	v3 =	vld [tilespmem:s14+$0x7620]  }
0x46: {  	v6 =	vadd.f32 v9, v6;
	v9 =	vld [tilespmem:s16+$0x8CA0];
	v2 =	vadd.f32 v4, v2  }
0x47: {  	v4 =	vld [tilespmem:s14+$0x78A0]  }
0x48: {  	v6 =	vadd.f32 v7, v6;
	v7 =	vld [tilespmem:s16+$0x8F20];
	v13 =	vadd.f32 v5, v2  }
0x49: {  	v2 =	vld [tilespmem:s14+$0x7B20]  }
0x4a: {  	v10 =	vld [tilespmem:s14+$0x7DA0];
	v5 =	vadd.f32 v8, v6;
	v3 =	vadd.f32 $0.0e+00, v3;
	v8 =	vmax.f32 v13, $1.000000000e+00  }
0x4b: {  	v6 =	vld [tilespmem:s16+$0x91A0];
	v11 =	vshrl.u32 v8, $0x1;
	v8 =	vmul.f32 $5.000000000e-01, v8  }
0x4c: {  	v3 =	vadd.f32 v4, v3;
	v4 =	vadd.f32 v9, v5;
	v5 =	vld [tilespmem:s16+$0x9420];
	v9 =	vsub.s32 $0x5F3759DF, v11  }
0x4d: {  	v11 =	vld [tilespmem:s14+$0x8020];
	v12 =	vmul.f32 v9, v8  }
0x4e: {  	v2 =	vadd.f32 v2, v3;
	v3 =	vadd.f32 v7, v4;
	v4 =	vld [tilespmem:s16+$0x96A0]  }
0x4f: {  	v7 =	vld [tilespmem:s14+$0x82A0];
	v12 =	vmul.f32 v9, v12  }
0x50: {  	v2 =	vadd.f32 v10, v2;
	v3 =	vadd.f32 v6, v3;
	v6 =	vld [tilespmem:s16+$0x9920]  }
0x51: {  	v10 =	vld [tilespmem:s14+$0x8520];
	v12 =	vsub.f32 $1.500000000e+00, v12  }
0x52: {  	v2 =	vadd.f32 v11, v2;
	v3 =	vadd.f32 v5, v3;
	v5 =	vld [tilespmem:s16+$0x9BA0]  }
0x53: {  	v11 =	vld [tilespmem:s14+$0x87A0];
	v9 =	vmul.f32 v9, v12  }
0x54: {  	s15 =	simm.s32 $0x30;
	v2 =	vadd.f32 v7, v2;
	v7 =	vld [tilespmem:s14+$0x8A20];
	v3 =	vadd.f32 v4, v3  }
0x55: {  	v4 =	vld [tilespmem:s15+$0x7620];
	v12 =	vmul.f32 v9, v8  }
0x56: {  	v2 =	vadd.f32 v10, v2;
	v10 =	vld [tilespmem:s14+$0x8CA0];
	v3 =	vadd.f32 v6, v3  }
0x57: {  	v6 =	vld [tilespmem:s15+$0x78A0];
	v12 =	vmul.f32 v12, v9  }
0x58: {  	v14 =	vld [tilespmem:s14+$0x8F20];
	v11 =	vadd.f32 v11, v2;
	v2 =	vadd.f32 v5, v3  }
0x59: {  	v5 =	vld [tilespmem:s15+$0x7B20];
	v12 =	vsub.f32 $1.500000000e+00, v12  }
0x5a: {  	v15 =	vld [tilespmem:s15+$0x7DA0];
	v4 =	vadd.f32 $0.0e+00, v4;
	v7 =	vadd.f32 v7, v11;
	v3 =	vmax.f32 v2, $1.000000000e+00  }
0x5b: {  	v11 =	vld [tilespmem:s14+$0x91A0];
	v16 =	vshrl.u32 v3, $0x1;
	v3 =	vmul.f32 $5.000000000e-01, v3;
	v9 =	vmul.f32 v12, v9  }
0x5c: {  	v4 =	vadd.f32 v6, v4;
	v6 =	vadd.f32 v10, v7;
	v7 =	vld [tilespmem:s14+$0x9420];
	v10 =	vsub.s32 $0x5F3759DF, v16  }
0x5d: {  	v12 =	vld [tilespmem:s15+$0x8020];
	v16 =	vmul.f32 v10, v3;
	v8 =	vmul.f32 v9, v8  }
0x5e: {  	v17 =	vld [tilespmem:s15+$0x82A0];
	v4 =	vadd.f32 v5, v4;
	v5 =	vadd.f32 v14, v6  }
0x5f: {  	v14 =	vld [tilespmem:s14+$0x96A0];
	v6 =	vmul.f32 v10, v16;
	v63 =	vmul.f32 v8, v9  }
0x60: {  	v4 =	vadd.f32 v15, v4;
	v11 =	vadd.f32 v11, v5;
	v5 =	vld [tilespmem:s14+$0x9920]  }
0x61: {  	v8 =	vld [tilespmem:s15+$0x8520];
	v15 =	vsub.f32 $1.500000000e+00, v6;
	v16 =	vsub.f32 $1.500000000e+00, v63  }
0x62: {  	v18 =	vadd.f32 v12, v4;
	v4 =	vld [tilespmem:s14+$0x9BA0];
	v19 =	vadd.f32 v7, v11  }
0x63: {  	v6 =	vld [tilespmem:s15+$0x87A0];
	v10 =	vmul.f32 v10, v15;
	v12 =	vmul.f32 v16, v9  }
0x64: {  	s18 =	simm.s32 $0x40;
	s19 =	simm.s32 $0x140;
	vm0 =	vgt.f32 v13, $0.0e+00;
	v7 =	vld [tilespmem:s15+$0x8A20];
	v11 =	vadd.f32 v17, v18;
	v9 =	vadd.f32 v14, v19  }
.LBB2_6:
0x65: {  	p0 =	sne.s32 s19, $0x9C0;
	v13 =	vld [tilespmem:s18+$0x7620];
	v14 =	vmul.f32 v10, v3;
	v12 =	vnsel vm0, $0x0, v12  }
0x66: {  	v8 =	vadd.f32 v8, v11;
	v11 =	vld [tilespmem:s15+$0x8CA0];
	v5 =	vadd.f32 v5, v9;
	[tilespmem:s17+$0x4E20] =	vst v12;
	s17 =	smov.u32 s16;
	s16 =	smov.u32 s14;
	s14 =	smov.u32 s15  }
0x67: {  	s15 =	smov.u32 s18;
	v9 =	vld [tilespmem:s18+$0x78A0];
	v12 =	vmul.f32 v14, v10  }
0x68: {  	v6 =	vadd.f32 v6, v8;
	v8 =	vld [tilespmem:s14+$0x8F20];
	v14 =	vadd.f32 v4, v5  }
0x69: {  	v4 =	vld [tilespmem:s15+$0x7B20];
	v5 =	vsub.f32 $1.500000000e+00, v12  }
0x6a: {  	v12 =	vadd.f32 $0.0e+00, v13;
	v6 =	vadd.f32 v7, v6;
	v7 =	vld [tilespmem:s14+$0x91A0];
	v13 =	vmax.f32 v14, $1.000000000e+00  }
0x6b: {  	v15 =	vld [tilespmem:s15+$0x7DA0];
	v16 =	vshrl.u32 v13, $0x1;
	v13 =	vmul.f32 $5.000000000e-01, v13;
	v17 =	vmul.f32 v5, v10  }
0x6c: {  	v5 =	vadd.f32 v9, v12;
	v6 =	vadd.f32 v11, v6;
	v9 =	vld [tilespmem:s14+$0x9420];
	v10 =	vsub.s32 $0x5F3759DF, v16  }
0x6d: {  	v11 =	vld [tilespmem:s15+$0x8020];
	v12 =	vmul.f32 v10, v13;
	v16 =	vmul.f32 v17, v3;
	v3 =	vmov v13  }
0x6e: {  	v4 =	vadd.f32 v4, v5;
	v5 =	vadd.f32 v8, v6;
	v13 =	vld [tilespmem:s14+$0x96A0]  }
0x6f: {  	v18 =	vld [tilespmem:s15+$0x82A0];
	v6 =	vmul.f32 v10, v12;
	v12 =	vmul.f32 v16, v17  }
.Ltmp2:
0x70: {  	v4 =	vadd.f32 v15, v4;
	v7 =	vadd.f32 v7, v5;
	v5 =	vld [tilespmem:s14+$0x9920];
	(pc) =	sbr.rel @p0 .LBB2_6-.Ltmp2, $4  }
0x71: {  	v8 =	vld [tilespmem:s15+$0x8520];
	v15 =	vsub.f32 $1.500000000e+00, v6;
	v12 =	vsub.f32 $1.500000000e+00, v12  }
0x72: {  	v11 =	vadd.f32 v11, v4;
	v9 =	vadd.f32 v9, v7;
	v4 =	vld [tilespmem:s14+$0x9BA0]  }
0x73: {  	v6 =	vld [tilespmem:s15+$0x87A0];
	v10 =	vmul.f32 v10, v15;
	v12 =	vmul.f32 v12, v17  }
0x74: {  	vm0 =	vgt.f32 v2, $0.0e+00;
	s18 =	sshra.s32 s19, $0x2;
	s19 =	sadd.s32 $0x40, s19;
	v2 =	vmovc v14;
	v11 =	vadd.f32 v18, v11;
	v7 =	vld [tilespmem:s15+$0x8A20];
	v9 =	vadd.f32 v13, v9  }
0x75: {  	v13 =	vld [tilespmem:s18+$0x7620];
	v12 =	vnsel vm0, $0x0, v12  }
0x76: {  	v14 =	vld [tilespmem:s15+$0x8CA0];
	[tilespmem:s17+$0x4E20] =	vst v12  }
0x77: {  	v32 =	vmul.f32 v10, v3;
	v15 =	vld [tilespmem:s18+$0x78A0];
	_ =	sdelay $0x1  }
0x78: {  	v12 =	vmul.f32 v32, v10;
	v16 =	vld [tilespmem:s18+$0x7B20]  }
0x79: {  	v13 =	vadd.f32 $0.0e+00, v13  }
0x7a: {  	v17 =	vld [tilespmem:s18+$0x7DA0];
	v12 =	vsub.f32 $1.500000000e+00, v12  }
0x7b: {  	v13 =	vadd.f32 v15, v13  }
0x7c: {  	v34 =	vld [tilespmem:s18+$0x8020];
	v33 =	vmul.f32 v12, v10  }
0x7d: {  	v18 =	vld [tilespmem:s15+$0x8F20];
	v13 =	vadd.f32 v16, v13  }
0x7e: {  	v36 =	vld [tilespmem:s18+$0x82A0];
	v3 =	vmul.f32 v33, v3  }
0x7f: {  	v35 =	vld [tilespmem:s15+$0x91A0];
	v13 =	vadd.f32 v17, v13  }
0x80: {  	v37 =	vld [tilespmem:s18+$0x8520];
	v3 =	vmul.f32 v3, v33  }
0x81: {  	v19 =	vld [tilespmem:s15+$0x9420];
	v12 =	vadd.f32 v34, v13  }
0x82: {  	v38 =	vld [tilespmem:s18+$0x87A0];
	v3 =	vsub.f32 $1.500000000e+00, v3  }
0x83: {  	v20 =	vld [tilespmem:s15+$0x96A0];
	v12 =	vadd.f32 v36, v12  }
0x84: {  	v8 =	vadd.f32 v8, v11;
	v40 =	vld [tilespmem:s18+$0x8A20];
	v3 =	vmul.f32 v3, v33  }
0x85: {  	vm12 =	vgt.f32 v2, $0.0e+00;
	v39 =	vld [tilespmem:s15+$0x9920];
	v2 =	vadd.f32 v37, v12  }
0x86: {  	v42 =	vld [tilespmem:s18+$0x8CA0];
	v6 =	vadd.f32 v6, v8;
	v3 =	vnsel vm12, $0x0, v3  }
0x87: {  	v41 =	vld [tilespmem:s15+$0x9BA0];
	[tilespmem:s16+$0x4E20] =	vst v3;
	v2 =	vadd.f32 v38, v2  }
0x88: {  	v3 =	vadd.f32 v7, v6;
	v43 =	vld [tilespmem:s18+$0x8F20]  }
0x89: {  	v2 =	vadd.f32 v40, v2  }
0x8a: {  	v44 =	vld [tilespmem:s18+$0x91A0];
	v3 =	vadd.f32 v14, v3  }
0x8b: {  	v2 =	vadd.f32 v42, v2  }
0x8c: {  	v45 =	vld [tilespmem:s18+$0x9420];
	v3 =	vadd.f32 v18, v3  }
0x8d: {  	v2 =	vadd.f32 v43, v2  }
0x8e: {  	v46 =	vld [tilespmem:s18+$0x96A0];
	v3 =	vadd.f32 v35, v3  }
0x8f: {  	v2 =	vadd.f32 v44, v2  }
0x90: {  	v47 =	vld [tilespmem:s18+$0x9920];
	v3 =	vadd.f32 v19, v3  }
0x91: {  	v5 =	vadd.f32 v5, v9;
	v2 =	vadd.f32 v45, v2  }
0x92: {  	v48 =	vld [tilespmem:s18+$0x9BA0];
	v3 =	vadd.f32 v20, v3  }
0x93: {  	v4 =	vadd.f32 v4, v5;
	v2 =	vadd.f32 v46, v2  }
0x94: {  	v3 =	vadd.f32 v39, v3  }
0x95: {  	v5 =	vmax.f32 v4, $1.000000000e+00;
	v2 =	vadd.f32 v47, v2  }
0x96: {  	v49 =	vshrl.u32 v5, $0x1;
	v5 =	vmul.f32 $5.000000000e-01, v5;
	v3 =	vadd.f32 v41, v3  }
0x97: {  	v6 =	vsub.s32 $0x5F3759DF, v49;
	v2 =	vadd.f32 v48, v2  }
0x98: {  	v50 =	vmul.f32 v6, v5;
	v51 =	vmax.f32 v3, $1.000000000e+00  }
0x99: {  	v52 =	vshrl.u32 v51, $0x1;
	v8 =	vmul.f32 $5.000000000e-01, v51;
	v53 =	vmax.f32 v2, $1.000000000e+00  }
0x9a: {  	v9 =	vsub.s32 $0x5F3759DF, v52;
	v54 =	vshrl.u32 v53, $0x1;
	v10 =	vmul.f32 $5.000000000e-01, v53  }
0x9b: {  	v55 =	vmul.f32 v9, v8;
	v11 =	vsub.s32 $0x5F3759DF, v54  }
0x9c: {  	v7 =	vmul.f32 v6, v50;
	v56 =	vmul.f32 v11, v10  }
0x9d: {  	v12 =	vmul.f32 v9, v55  }
0x9e: {  	v7 =	vsub.f32 $1.500000000e+00, v7;
	v13 =	vmul.f32 v11, v56  }
0x9f: {  	v12 =	vsub.f32 $1.500000000e+00, v12  }
0xa0: {  	v6 =	vmul.f32 v6, v7;
	v57 =	vsub.f32 $1.500000000e+00, v13  }
0xa1: {  	v9 =	vmul.f32 v9, v12  }
0xa2: {  	v58 =	vmul.f32 v6, v5;
	v7 =	vmul.f32 v11, v57  }
0xa3: {  	v59 =	vmul.f32 v9, v8  }
0xa4: {  	v12 =	vmul.f32 v58, v6;
	v60 =	vmul.f32 v7, v10  }
0xa5: {  	v11 =	vmul.f32 v59, v9  }
0xa6: {  	v12 =	vsub.f32 $1.500000000e+00, v12;
	v13 =	vmul.f32 v60, v7  }
0xa7: {  	v11 =	vsub.f32 $1.500000000e+00, v11  }
0xa8: {  	v6 =	vmul.f32 v12, v6;
	v61 =	vsub.f32 $1.500000000e+00, v13  }
0xa9: {  	v9 =	vmul.f32 v11, v9  }
0xaa: {  	v5 =	vmul.f32 v6, v5;
	v7 =	vmul.f32 v61, v7  }
0xab: {  	v8 =	vmul.f32 v9, v8  }
0xac: {  	v5 =	vmul.f32 v5, v6;
	v10 =	vmul.f32 v7, v10  }
0xad: {  	v8 =	vmul.f32 v8, v9  }
0xae: {  	v5 =	vsub.f32 $1.500000000e+00, v5;
	v10 =	vmul.f32 v10, v7  }
0xaf: {  	v8 =	vsub.f32 $1.500000000e+00, v8  }
0xb0: {  	v5 =	vmul.f32 v5, v6;
	v62 =	vsub.f32 $1.500000000e+00, v10  }
0xb1: {  	vm13 =	vgt.f32 v4, $0.0e+00;
	v63 =	vmul.f32 v8, v9  }
0xb2: {  	vm14 =	vgt.f32 v3, $0.0e+00;
	v5 =	vnsel vm13, $0x0, v5;
	v3 =	vmul.f32 v62, v7  }
0xb3: {  	s13 =	sadd.s32 $0x1, s13;
	vm15 =	vgt.f32 v2, $0.0e+00;
	[tilespmem:s14+$0x4E20] =	vst v5;
	v4 =	vnsel vm14, $0x0, v63  }
0xb4: {  	p0 =	sne.s32 s13, s6;
	[tilespmem:s15+$0x4E20] =	vst v4;
	v2 =	vnsel vm15, $0x0, v3  }
.Ltmp3:
0xb5: {  	[tilespmem:s18+$0x4E20] =	vst v2;
	(pc) =	sbr.rel @p0 .LBB2_1-.Ltmp3, $4  }
0xb6: {  	[hbm4b:s7+s2] =	stream.linear.scatter [tilespmem:s9], [sflag:$0x1], $0x280, $0x38;
	[tilespmem:$0xC620] =	vst v63  }
0xb7: {  	_ =	swait.ge [sflag:s8], $0x280  }
0xb8: {  	[sflag:s8] =	ssyncset.done $0x0  }
0xb9: {  	[sflag:s8] =	ssyncadd.s32 $0xFFFFFD80  }
0xba: {  	_ =	sfence.sel $0x180000  }
0xbb: {  	[bflag:$0x0] =	sbarrier.arrive $0xFFFF  }
0xbc: {  	p0 =	sne.s32 s1, $0x0;
	_ =	strace $0x90000047  }
0xbd: {  	s0 =	sadd.s32 @!p0 $0x100000, s0;
	[bflag:$0x2] =	sbarrier.arrive $0xFFFF  }
0xbe: {  	[sflag:s0] =	ssyncadd.tile.s32 @!p0 $0x1;
	_ =	shalt  }
.Lfunc_end2:
_tile_overlayer_lowered:
.L_overlay_start_2:
0xbf: {  	(tag) =	ssettag $0x2  }
0xc0: {  	s0 =	rddreg [dreg:$0x0];
	s2 =	stileid.u32  }
0xc1: {  	s1 =	rddreg [dreg:$0x1];
	p0 =	sne.s32 s2, $0x0  }
0xc2: {  	s3 =	rddreg [dreg:$0x2];
	[bflag:$0x3] =	sbarrier.arrive $0xFFFF;
	s2 =	simm.s32 @!p0 $0x1C01  }
0xc3: {  	[timem:s3], [sflag:s2] =	dma.local @!p0 [hbm:s0], s1  }
0xc4: {  	s0 =	simm.s32 @!p0 $0x1  }
0xc5: {  	_ =	swait.ge @!p0 [sflag:s0], s1  }
0xc6: {  	s1 =	ssub.s32 @!p0 $0x0, s1;
	[sflag:s0] =	ssyncset.done @!p0 $0x0  }
0xc7: {  	[sflag:s0] =	ssyncadd.s32 @!p0 s1  }
0xc8: {  	[bflag:$0x3] =	sbarrier.arrive $0xFFFF  }
0xc9: {  	_ =	shalt  }

</sc_bundles>
